<compile_context>
chip_gen: v7x
topology: tpu7x:2x2x1
jax: 0.10.2.dev20260603
libtpu: 0.0.44.dev20260713+nightly
codegen_flags: <defaults>
</compile_context>

<pallas_src>
import functools

import jax
import jax.numpy as jnp
import numpy as np
from jax import lax
from jax.experimental import pallas as pl
from jax.experimental.pallas import tpu as pltpu
from jax.experimental.pallas import tpu_sc as plsc

N = 10000
E = 160000
F = 256
FH = 128
NC = 2
NS = 16
NW = NC * NS

NP = 10240
K = 80
EPT = E // NS
STEPS = EPT // K
RPT = NP // NS

KD = 125
EPT_D = E // NW
STEPS_D = EPT_D // KD
DW = 128

BM = 1000
GRID = N // BM

_DICT = np.linspace(-4.0, 4.0, 20).astype(np.float32)
_GAMMA = float(0.5 / np.square(_DICT[1] - _DICT[0]))
_SPACING = float(_DICT[1] - _DICT[0])
_ANCHOR = 9
_DFOLD = np.exp(-_GAMMA * (_DICT.astype(np.float64) ** 2
                           - float(_DICT[_ANCHOR]) ** 2)).astype(np.float32)

_MESH = plsc.VectorSubcoreMesh(core_axis_name="c", subcore_axis_name="s")
_PREC = lax.Precision.DEFAULT


@functools.partial(
    pl.kernel,
    mesh=_MESH,
    out_type=jax.ShapeDtypeStruct((NC * NP, DW), jnp.float32),
    scratch_types=[
        pltpu.VMEM((STEPS_D, KD), jnp.int32),
        pltpu.VMEM((KD, DW), jnp.float32),
        pltpu.VMEM_SHARED((NP, DW), jnp.float32),
    ],
)
def _deg_sc(cidx_hbm, ones_hbm, zeros_hbm, out_hbm, idx_v, ones_v, acc):
    c = lax.axis_index("c")
    s = lax.axis_index("s")
    wid = s * NC + c
    pltpu.sync_copy(cidx_hbm.at[wid], idx_v)
    pltpu.sync_copy(ones_hbm, ones_v)
    pltpu.sync_copy(zeros_hbm.at[pl.ds(s * RPT, RPT)],
                    acc.at[pl.ds(s * RPT, RPT)])
    plsc.subcore_barrier()

    def step(i, _):
        pltpu.sync_copy(ones_v, acc.at[idx_v.at[i]], add=True)
        return 0

    lax.fori_loop(0, STEPS_D, step, 0)
    plsc.subcore_barrier()
    pltpu.sync_copy(acc.at[pl.ds(s * RPT, RPT)],
                    out_hbm.at[pl.ds(c * NP + s * RPT, RPT)])


@functools.partial(
    pl.kernel,
    mesh=_MESH,
    out_type=jax.ShapeDtypeStruct((NC * NP, FH), jnp.float32),
    scratch_types=[
        pltpu.VMEM((6, 2, K), jnp.int32),
        pltpu.VMEM((4, K, FH), jnp.float32),
        pltpu.VMEM_SHARED((NP, FH), jnp.float32),
        pltpu.SemaphoreType.DMA((2,)),
        pltpu.SemaphoreType.DMA,
        pltpu.SemaphoreType.DMA,
    ],
)
def _segsum_sc(tab_l_hbm, tab_r_hbm, idx_hbm, zeros_hbm, out_hbm,
               idxr, rows_v, acc, gsems, isem, ssem):
    c = lax.axis_index("c")
    s = lax.axis_index("s")
    pltpu.sync_copy(zeros_hbm.at[pl.ds(s * RPT, RPT)],
                    acc.at[pl.ds(s * RPT, RPT)])
    for j in range(4):
        pltpu.async_copy(idx_hbm.at[s, j], idxr.at[j], isem)
    plsc.subcore_barrier()

    def run(tab_hbm):
        for j in range(2):
            pltpu.make_async_copy(idx_hbm.at[s, j], idxr.at[j], isem).wait()
            pltpu.async_copy(tab_hbm.at[idxr.at[j, 0]], rows_v.at[j],
                             gsems.at[j])

        def step(i, _):
            b = lax.rem(i, 4)
            m = lax.rem(i, 6)
            p = lax.rem(i, 2)
            pltpu.make_async_copy(tab_hbm.at[idxr.at[m, 0]], rows_v.at[b],
                                  gsems.at[p]).wait()

            @pl.when(i >= 2)
            def _():
                pltpu.make_async_copy(rows_v.at[b], acc.at[idxr.at[m, 1]],
                                      ssem).wait()

            @pl.when(i + 4 < STEPS)
            def _():
                pltpu.async_copy(idx_hbm.at[s, i + 4],
                                 idxr.at[lax.rem(i + 4, 6)], isem)

            @pl.when(i + 2 < STEPS)
            def _():
                m2 = lax.rem(i + 2, 6)
                pltpu.make_async_copy(idx_hbm.at[s, i + 2], idxr.at[m2],
                                      isem).wait()
                pltpu.async_copy(tab_hbm.at[idxr.at[m2, 0]],
                                 rows_v.at[lax.rem(i + 2, 4)], gsems.at[p])

            pltpu.async_copy(rows_v.at[b], acc.at[idxr.at[m, 1]], ssem,
                             add=True)
            return 0

        lax.fori_loop(0, STEPS, step, 0)
        pltpu.make_async_copy(rows_v.at[0], acc.at[idxr.at[0, 1]], ssem).wait()
        pltpu.make_async_copy(rows_v.at[0], acc.at[idxr.at[0, 1]], ssem).wait()

    @pl.when(c == 0)
    def _():
        run(tab_l_hbm)

    @pl.when(c == 1)
    def _():
        run(tab_r_hbm)

    plsc.subcore_barrier()
    pltpu.sync_copy(acc.at[pl.ds(s * RPT, RPT)],
                    out_hbm.at[pl.ds(c * NP + s * RPT, RPT)])


def _dis_block(da, db):
    deg = da + db
    return jnp.where(deg > 0, lax.rsqrt(jnp.maximum(deg, 1e-12)), 0.0)[:, :1]


def _kaf_block(z, at):
    s2g = 2.0 * _GAMMA * _SPACING
    b = jnp.exp(jnp.minimum(s2g * z, 60.0))
    binv = jnp.exp(jnp.minimum(-s2g * z, 60.0))
    kc = jnp.exp(-_GAMMA * (z - float(_DICT[_ANCHOR])) ** 2)
    acc = at[_ANCHOR:_ANCHOR + 1, :] * kc
    p = kc
    for i in range(_ANCHOR + 1, 20):
        p = p * b
        acc = acc + at[i:i + 1, :] * p
    q = kc
    for i in range(_ANCHOR - 1, -1, -1):
        q = q * binv
        acc = acc + at[i:i + 1, :] * q
    return acc


def _tc_a1_body(x_ref, wi_ref, wr_ref, y_ref, r_ref):
    xb = x_ref[...]
    y_ref[...] = jnp.dot(xb, wi_ref[...], preferred_element_type=jnp.float32,
                         precision=_PREC)
    r_ref[...] = jnp.dot(xb, wr_ref[...], preferred_element_type=jnp.float32,
                         precision=_PREC)


def _tc_a2_body(y_ref, da_ref, db_ref, yl_ref, yr_ref):
    dis = _dis_block(da_ref[...], db_ref[...])
    y = y_ref[...] * dis
    yl_ref[...] = y[:, :FH]
    yr_ref[...] = y[:, FH:]


def _tc_b_body(al_ref, ar_ref, r1_ref, da_ref, db_ref, b_ref, at_ref,
               wi_ref, wr_ref, yl_ref, yr_ref, r2_ref):
    dis = _dis_block(da_ref[...], db_ref[...])
    z = (jnp.concatenate([al_ref[...], ar_ref[...]], axis=1) * dis
         + r1_ref[...] + b_ref[...])
    h = _kaf_block(z, at_ref[...])
    y = jnp.dot(h, wi_ref[...], preferred_element_type=jnp.float32,
                precision=_PREC) * dis
    yl_ref[...] = y[:, :FH]
    yr_ref[...] = y[:, FH:]
    r2_ref[...] = jnp.dot(h, wr_ref[...], preferred_element_type=jnp.float32,
                          precision=_PREC)


def _tc_c_body(al_ref, ar_ref, r2_ref, da_ref, db_ref, b_ref, at_ref, o_ref):
    dis = _dis_block(da_ref[...], db_ref[...])
    z = (jnp.concatenate([al_ref[...], ar_ref[...]], axis=1) * dis
         + r2_ref[...] + b_ref[...])
    o_ref[...] = _kaf_block(z, at_ref[...])


def _rows(i):
    return (i, 0)


def _fixed(i):
    return (0, 0)


_BS_X = pl.BlockSpec((BM, F), _rows)
_BS_H = pl.BlockSpec((BM, FH), _rows)
_BS_W = pl.BlockSpec((F, F), _fixed)
_BS_D = pl.BlockSpec((BM, DW), _rows)
_BS_B = pl.BlockSpec((1, F), _fixed)
_BS_AT = pl.BlockSpec((20, F), _fixed)

_tc_a1 = pl.pallas_call(
    _tc_a1_body,
    grid=(GRID,),
    in_specs=[_BS_X, _BS_W, _BS_W],
    out_specs=[_BS_X, _BS_X],
    out_shape=[
        jax.ShapeDtypeStruct((N, F), jnp.float32),
        jax.ShapeDtypeStruct((N, F), jnp.float32),
    ],
)

_tc_a2 = pl.pallas_call(
    _tc_a2_body,
    grid=(GRID,),
    in_specs=[_BS_X, _BS_D, _BS_D],
    out_specs=[_BS_H, _BS_H],
    out_shape=[
        jax.ShapeDtypeStruct((N, FH), jnp.float32),
        jax.ShapeDtypeStruct((N, FH), jnp.float32),
    ],
)

_tc_b = pl.pallas_call(
    _tc_b_body,
    grid=(GRID,),
    in_specs=[_BS_H, _BS_H, _BS_X, _BS_D, _BS_D, _BS_B, _BS_AT, _BS_W, _BS_W],
    out_specs=[_BS_H, _BS_H, _BS_X],
    out_shape=[
        jax.ShapeDtypeStruct((N, FH), jnp.float32),
        jax.ShapeDtypeStruct((N, FH), jnp.float32),
        jax.ShapeDtypeStruct((N, F), jnp.float32),
    ],
)

_tc_c = pl.pallas_call(
    _tc_c_body,
    grid=(GRID,),
    in_specs=[_BS_H, _BS_H, _BS_X, _BS_D, _BS_D, _BS_B, _BS_AT],
    out_specs=_BS_X,
    out_shape=jax.ShapeDtypeStruct((N, F), jnp.float32),
)


def kernel(x, edge_index, init_w1, root_w1, bias1, init_w2, root_w2, bias2,
           alpha):
    row = edge_index[0]
    col = edge_index[1]
    r4 = row.reshape(NS, STEPS, 1, K)
    c4 = col.reshape(NS, STEPS, 1, K)
    seg_idx = jnp.concatenate([r4, c4], axis=2)
    deg_idx = col.reshape(NW, STEPS_D, KD)
    zeros_deg = jnp.zeros((NP, DW), jnp.float32)
    zeros_acc = jnp.zeros((NP, FH), jnp.float32)
    alpha_t = alpha[0].T * jnp.asarray(_DFOLD)[:, None]
    bias1_2d = bias1[None, :]
    bias2_2d = bias2[None, :]

    ones_rows = jnp.ones((KD, DW), jnp.float32)
    deg2 = _deg_sc(deg_idx, ones_rows, zeros_deg)
    deg_a, deg_b = deg2[:N], deg2[NP:NP + N]

    y1raw, r1 = _tc_a1(x, init_w1, root_w1)
    y1l, y1r = _tc_a2(y1raw, deg_a, deg_b)
    agg1 = _segsum_sc(y1l, y1r, seg_idx, zeros_acc)
    y2l, y2r, r2 = _tc_b(agg1[:N], agg1[NP:NP + N], r1, deg_a, deg_b, bias1_2d,
                         alpha_t, init_w2, root_w2)
    agg2 = _segsum_sc(y2l, y2r, seg_idx, zeros_acc)
    return _tc_c(agg2[:N], agg2[NP:NP + N], r2, deg_a, deg_b, bias2_2d, alpha_t)

# --- scband reference (transcript-rebuilt; emitter-appended) ---
"""Pipeline reference for scband-armaconv-layers-79293686218959 (READ-ONLY COPY).

The authoritative reference and input builder live on the scoring server;
editing this copy changes nothing except your own understanding.
"""

import jax
import jax.numpy as jnp
import numpy as np

N = 10000
E = 160000
F_IN = 256
F_OUT = 256
D = 20
BOUNDARY = 4.0

# KAF gaussian kernel constants (dictionary of D points on [-boundary, boundary])
_DICT_NP = np.linspace(-BOUNDARY, BOUNDARY, D).astype(np.float32)
_GAMMA = float(0.5 / np.square(_DICT_NP[1] - _DICT_NP[0]))


def setup_inputs(seed: int = 0) -> dict:
    key = jax.random.key(seed)
    ks = jax.random.split(key, 9)
    x = jax.random.normal(ks[0], (N, F_IN), dtype=jnp.float32)
    edge_index = jax.random.randint(ks[1], (2, E), 0, N, dtype=jnp.int32)
    # ARMAConv layer 1 params (num_stacks=1, num_layers=1 -> collapse stack dims)
    init_w1 = jax.random.normal(ks[2], (F_IN, F_OUT), dtype=jnp.float32) * (1.0 / np.sqrt(F_IN))
    root_w1 = jax.random.normal(ks[3], (F_IN, F_OUT), dtype=jnp.float32) * (1.0 / np.sqrt(F_IN))
    bias1 = jnp.zeros((F_OUT,), dtype=jnp.float32)
    # ARMAConv layer 2 params
    init_w2 = jax.random.normal(ks[4], (F_OUT, F_OUT), dtype=jnp.float32) * (1.0 / np.sqrt(F_OUT))
    root_w2 = jax.random.normal(ks[5], (F_OUT, F_OUT), dtype=jnp.float32) * (1.0 / np.sqrt(F_OUT))
    bias2 = jnp.zeros((F_OUT,), dtype=jnp.float32)
    # KAF mixing coefficients alpha: shape (1, num_parameters, D), init std=0.8
    alpha = jax.random.normal(ks[6], (1, F_OUT, D), dtype=jnp.float32) * 0.8
    return {"x": x, "edge_index": edge_index,
            "init_w1": init_w1, "root_w1": root_w1, "bias1": bias1,
            "init_w2": init_w2, "root_w2": root_w2, "bias2": bias2,
            "alpha": alpha}


def _gcn_norm(edge_index, num_nodes):
    # gcn_norm with add_self_loops=False, edge_weight=1 (as used by ARMAConv)
    row = edge_index[0]
    col = edge_index[1]
    ones = jnp.ones((edge_index.shape[1],), dtype=jnp.float32)
    deg = jax.ops.segment_sum(ones, col, num_segments=num_nodes)
    deg_inv_sqrt = jnp.where(deg > 0, jax.lax.rsqrt(jnp.maximum(deg, 1e-12)), 0.0)
    norm = deg_inv_sqrt[row] * deg_inv_sqrt[col]
    return norm


def _arma_conv(x, edge_index, norm, init_w, root_w, bias):
    # PyG ARMAConv with num_stacks=1, num_layers=1, shared_weights default, act=None, dropout=0
    row = edge_index[0]
    col = edge_index[1]
    out = x @ init_w
    msg = out[row] * norm[:, None]
    agg = jax.ops.segment_sum(msg, col, num_segments=x.shape[0])
    out = agg + x @ root_w + bias[None, :]
    return out  # mean over the single stack is identity


def _kaf(z, alpha):
    # gaussian kernel activation: sum_d alpha_d * exp(-gamma * (z - d_i)^2)
    dict_vals = jnp.asarray(_DICT_NP)
    K = jnp.exp(-_GAMMA * jnp.square(z[..., None] - dict_vals))
    return jnp.sum(K * alpha, axis=-1)


def reference(x, edge_index, init_w1, root_w1, bias1, init_w2, root_w2, bias2, alpha):
    norm = _gcn_norm(edge_index, x.shape[0])
    h = _arma_conv(x, edge_index, norm, init_w1, root_w1, bias1)
    h = _kaf(h, alpha)
    h = _arma_conv(h, edge_index, norm, init_w2, root_w2, bias2)
    h = _kaf(h, alpha)
    return h

if __name__ == "__main__":
    import jax
    _d = setup_inputs()
    print(jax.jit(kernel)(*tuple(_d.values())))

</pallas_src>

<mosaic_0001>
#map = affine_map<(d0, d1) -> (0, 0, 0)>
#map1 = affine_map<(d0, d1) -> (0, 0)>
module attributes {stable_mosaic.version = 14 : i64} {
  func.func @_deg_sc(%arg0: i32, %arg1: i32, %arg2: memref<32x40x125xi32, #tpu.memory_space<hbm>>, %arg3: memref<125x128xf32, #tpu.memory_space<hbm>>, %arg4: memref<10240x128xf32, #tpu.memory_space<hbm>>, %arg5: memref<20480x128xf32, #tpu.memory_space<hbm>>, %arg6: memref<40x125xi32, #tpu.memory_space<vmem>>, %arg7: memref<125x128xf32, #tpu.memory_space<vmem>>, %arg8: memref<10240x128xf32, #tpu.memory_space<vmem_shared>>) attributes {dimension_semantics = [#tpu.dimension_semantics<core_parallel>, #tpu.dimension_semantics<subcore_parallel>], iteration_bounds = array<i64: 2, 16>, scalar_prefetch = 0 : i64, scratch_operands = 3 : i64, tpu.core_type = #tpu.core_type<sc_vector_subcore>, window_params = [{transform_indices = #map}, {transform_indices = #map1}, {transform_indices = #map1}, {transform_indices = #map1}]} {
    %mul3A = arith.constant 2 : i32
    %mul3A_0 = arith.muli %arg1, %mul3A : i32
    %add3A = arith.addi %mul3A_0, %arg0 : i32
    "tpu.region"() ({
      %run_scoped3A = tpu.sem_alloc : memref<!tpu.dma_semaphore, #tpu.memory_space<semaphore_mem>>
      %dma_start3A = arith.constant 0 : i32
      %dma_start3A_19 = arith.constant 0 : i32
      %dma_start3A_20 = tpu.memref_slice %arg2[%add3A, %dma_start3A, %dma_start3A_19] : memref<32x40x125xi32, #tpu.memory_space<hbm>> -> memref<1x40x125xi32, #tpu.memory_space<hbm>>
      %dma_start3A_21 = tpu.memref_squeeze %dma_start3A_20 : memref<1x40x125xi32, #tpu.memory_space<hbm>> -> memref<40x125xi32, #tpu.memory_space<hbm>>
      %dma_start3A_22 = arith.constant 0 : i32
      %dma_start3A_23 = arith.constant 0 : i32
      %dma_start3A_24 = tpu.memref_slice %arg2[%add3A, %dma_start3A_22, %dma_start3A_23] : memref<32x40x125xi32, #tpu.memory_space<hbm>> -> memref<1x40x125xi32, #tpu.memory_space<hbm>>
      %dma_start3A_25 = tpu.memref_squeeze %dma_start3A_24 : memref<1x40x125xi32, #tpu.memory_space<hbm>> -> memref<40x125xi32, #tpu.memory_space<hbm>>
      tpu.enqueue_dma source(%dma_start3A_25 : memref<40x125xi32, #tpu.memory_space<hbm>>) target(%arg6 : memref<40x125xi32, #tpu.memory_space<vmem>>) target_semaphore(%run_scoped3A : memref<!tpu.dma_semaphore, #tpu.memory_space<semaphore_mem>>)
      %dma_wait3A = arith.constant 0 : i32
      %dma_wait3A_26 = arith.constant 0 : i32
      %dma_wait3A_27 = tpu.memref_slice %arg2[%add3A, %dma_wait3A, %dma_wait3A_26] : memref<32x40x125xi32, #tpu.memory_space<hbm>> -> memref<1x40x125xi32, #tpu.memory_space<hbm>>
      %dma_wait3A_28 = tpu.memref_squeeze %dma_wait3A_27 : memref<1x40x125xi32, #tpu.memory_space<hbm>> -> memref<40x125xi32, #tpu.memory_space<hbm>>
      %dma_wait3A_29 = arith.constant 0 : i32
      %dma_wait3A_30 = arith.constant 0 : i32
      %dma_wait3A_31 = tpu.memref_slice %arg2[%add3A, %dma_wait3A_29, %dma_wait3A_30] : memref<32x40x125xi32, #tpu.memory_space<hbm>> -> memref<1x40x125xi32, #tpu.memory_space<hbm>>
      %dma_wait3A_32 = tpu.memref_squeeze %dma_wait3A_31 : memref<1x40x125xi32, #tpu.memory_space<hbm>> -> memref<40x125xi32, #tpu.memory_space<hbm>>
      tpu.wait_dma2 semaphore(%run_scoped3A : memref<!tpu.dma_semaphore, #tpu.memory_space<semaphore_mem>>) src(%dma_wait3A_32 : memref<40x125xi32, #tpu.memory_space<hbm>>) dst(%arg6 : memref<40x125xi32, #tpu.memory_space<vmem>>)
      tpu.yield
    }) : () -> ()
    "tpu.region"() ({
      %run_scoped3A = tpu.sem_alloc : memref<!tpu.dma_semaphore, #tpu.memory_space<semaphore_mem>>
      tpu.enqueue_dma source(%arg3 : memref<125x128xf32, #tpu.memory_space<hbm>>) target(%arg7 : memref<125x128xf32, #tpu.memory_space<vmem>>) target_semaphore(%run_scoped3A : memref<!tpu.dma_semaphore, #tpu.memory_space<semaphore_mem>>)
      tpu.wait_dma2 semaphore(%run_scoped3A : memref<!tpu.dma_semaphore, #tpu.memory_space<semaphore_mem>>) src(%arg3 : memref<125x128xf32, #tpu.memory_space<hbm>>) dst(%arg7 : memref<125x128xf32, #tpu.memory_space<vmem>>)
      tpu.yield
    }) : () -> ()
    %mul3A_1 = arith.constant 640 : i32
    %mul3A_2 = arith.muli %arg1, %mul3A_1 : i32
    %mul3A_3 = arith.constant 640 : i32
    %mul3A_4 = arith.muli %arg1, %mul3A_3 : i32
    "tpu.region"() ({
      %run_scoped3A = tpu.sem_alloc : memref<!tpu.dma_semaphore, #tpu.memory_space<semaphore_mem>>
      %dma_start3A = arith.constant 0 : i32
      %dma_start3A_19 = tpu.memref_slice %arg8[%mul3A_4, %dma_start3A] : memref<10240x128xf32, #tpu.memory_space<vmem_shared>> -> memref<640x128xf32, #tpu.memory_space<vmem_shared>>
      %dma_start3A_20 = arith.constant 0 : i32
      %dma_start3A_21 = tpu.memref_slice %arg4[%mul3A_2, %dma_start3A_20] : memref<10240x128xf32, #tpu.memory_space<hbm>> -> memref<640x128xf32, #tpu.memory_space<hbm>>
      tpu.enqueue_dma source(%dma_start3A_21 : memref<640x128xf32, #tpu.memory_space<hbm>>) target(%dma_start3A_19 : memref<640x128xf32, #tpu.memory_space<vmem_shared>>) target_semaphore(%run_scoped3A : memref<!tpu.dma_semaphore, #tpu.memory_space<semaphore_mem>>)
      %dma_wait3A = arith.constant 0 : i32
      %dma_wait3A_22 = tpu.memref_slice %arg8[%mul3A_4, %dma_wait3A] : memref<10240x128xf32, #tpu.memory_space<vmem_shared>> -> memref<640x128xf32, #tpu.memory_space<vmem_shared>>
      %dma_wait3A_23 = arith.constant 0 : i32
      %dma_wait3A_24 = tpu.memref_slice %arg4[%mul3A_2, %dma_wait3A_23] : memref<10240x128xf32, #tpu.memory_space<hbm>> -> memref<640x128xf32, #tpu.memory_space<hbm>>
      tpu.wait_dma2 semaphore(%run_scoped3A : memref<!tpu.dma_semaphore, #tpu.memory_space<semaphore_mem>>) src(%dma_wait3A_24 : memref<640x128xf32, #tpu.memory_space<hbm>>) dst(%dma_wait3A_22 : memref<640x128xf32, #tpu.memory_space<vmem_shared>>)
      tpu.yield
    }) : () -> ()
    %barrier3A = arith.constant 0 : index
    tpu.barrier barrier_id(%barrier3A)
    %scan3A = arith.constant 0 : i32
    %scan3A_5 = arith.constant 0 : i32
    %scan3A_6 = arith.constant 40 : i32
    %scan3A_7 = arith.addi %scan3A_5, %scan3A_6 : i32
    %scan3A_8 = arith.constant 1 : i32
    %scan3A_9 = scf.for %scan3A_19 = %scan3A_5 to %scan3A_7 step %scan3A_8 iter_args(%scan3A_20 = %scan3A) -> (i32)  : i32 {
      "tpu.region"() ({
        %run_scoped3A = tpu.sem_alloc : memref<!tpu.dma_semaphore, #tpu.memory_space<semaphore_mem>>
        %dma_start3A = arith.constant 0 : i32
        %dma_start3A_22 = tpu.memref_slice %arg6[%scan3A_19, %dma_start3A] : memref<40x125xi32, #tpu.memory_space<vmem>> -> memref<1x125xi32, #tpu.memory_space<vmem>>
        %dma_start3A_23 = tpu.memref_squeeze %dma_start3A_22 : memref<1x125xi32, #tpu.memory_space<vmem>> -> memref<125xi32, #tpu.memory_space<vmem>>
        %dma_start3A_24 = arith.constant 0 : i32
        %dma_start3A_25 = arith.constant 0 : i32
        %dma_start3A_26 = tpu.memref_slice %arg8[%dma_start3A_24, %dma_start3A_25] : memref<10240x128xf32, #tpu.memory_space<vmem_shared>> -> memref<10240x128xf32, #tpu.memory_space<vmem_shared>>
        tpu.enqueue_indirect_dma source(%arg7 : memref<125x128xf32, #tpu.memory_space<vmem>>) target(%dma_start3A_26 : memref<10240x128xf32, #tpu.memory_space<vmem_shared>>) offsets(%dma_start3A_23 : memref<125xi32, #tpu.memory_space<vmem>>) semaphore(%run_scoped3A : memref<!tpu.dma_semaphore, #tpu.memory_space<semaphore_mem>>) {add = true}
        %dma_wait3A = arith.constant 0 : i32
        %dma_wait3A_27 = tpu.memref_slice %arg6[%scan3A_19, %dma_wait3A] : memref<40x125xi32, #tpu.memory_space<vmem>> -> memref<1x125xi32, #tpu.memory_space<vmem>>
        %dma_wait3A_28 = tpu.memref_squeeze %dma_wait3A_27 : memref<1x125xi32, #tpu.memory_space<vmem>> -> memref<125xi32, #tpu.memory_space<vmem>>
        %dma_wait3A_29 = arith.constant 0 : i32
        %dma_wait3A_30 = arith.constant 0 : i32
        %dma_wait3A_31 = tpu.memref_slice %arg8[%dma_wait3A_29, %dma_wait3A_30] : memref<10240x128xf32, #tpu.memory_space<vmem_shared>> -> memref<10240x128xf32, #tpu.memory_space<vmem_shared>>
        tpu.wait_indirect_dma semaphore(%run_scoped3A : memref<!tpu.dma_semaphore, #tpu.memory_space<semaphore_mem>>) src(%arg7 : memref<125x128xf32, #tpu.memory_space<vmem>>) dst(%dma_wait3A_31 : memref<10240x128xf32, #tpu.memory_space<vmem_shared>>)
        tpu.yield
      }) : () -> ()
      %scan3A_21 = arith.constant 0 : i32
      scf.yield %scan3A_21 : i32
    }
    %scan3A_10 = arith.constant 40 : i32
    %barrier3A_11 = arith.constant 0 : index
    tpu.barrier barrier_id(%barrier3A_11)
    %mul3A_12 = arith.constant 640 : i32
    %mul3A_13 = arith.muli %arg1, %mul3A_12 : i32
    %mul3A_14 = arith.constant 10240 : i32
    %mul3A_15 = arith.muli %arg0, %mul3A_14 : i32
    %mul3A_16 = arith.constant 640 : i32
    %mul3A_17 = arith.muli %arg1, %mul3A_16 : i32
    %add3A_18 = arith.addi %mul3A_15, %mul3A_17 : i32
    "tpu.region"() ({
      %run_scoped3A = tpu.sem_alloc : memref<!tpu.dma_semaphore, #tpu.memory_space<semaphore_mem>>
      %dma_start3A = arith.constant 0 : i32
      %dma_start3A_19 = tpu.memref_slice %arg5[%add3A_18, %dma_start3A] : memref<20480x128xf32, #tpu.memory_space<hbm>> -> memref<640x128xf32, #tpu.memory_space<hbm>>
      %dma_start3A_20 = arith.constant 0 : i32
      %dma_start3A_21 = tpu.memref_slice %arg8[%mul3A_13, %dma_start3A_20] : memref<10240x128xf32, #tpu.memory_space<vmem_shared>> -> memref<640x128xf32, #tpu.memory_space<vmem_shared>>
      tpu.enqueue_dma source(%dma_start3A_21 : memref<640x128xf32, #tpu.memory_space<vmem_shared>>) target(%dma_start3A_19 : memref<640x128xf32, #tpu.memory_space<hbm>>) target_semaphore(%run_scoped3A : memref<!tpu.dma_semaphore, #tpu.memory_space<semaphore_mem>>)
      %dma_wait3A = arith.constant 0 : i32
      %dma_wait3A_22 = tpu.memref_slice %arg5[%add3A_18, %dma_wait3A] : memref<20480x128xf32, #tpu.memory_space<hbm>> -> memref<640x128xf32, #tpu.memory_space<hbm>>
      %dma_wait3A_23 = arith.constant 0 : i32
      %dma_wait3A_24 = tpu.memref_slice %arg8[%mul3A_13, %dma_wait3A_23] : memref<10240x128xf32, #tpu.memory_space<vmem_shared>> -> memref<640x128xf32, #tpu.memory_space<vmem_shared>>
      tpu.wait_dma2 semaphore(%run_scoped3A : memref<!tpu.dma_semaphore, #tpu.memory_space<semaphore_mem>>) src(%dma_wait3A_24 : memref<640x128xf32, #tpu.memory_space<vmem_shared>>) dst(%dma_wait3A_22 : memref<640x128xf32, #tpu.memory_space<hbm>>)
      tpu.yield
    }) : () -> ()
    return
  }
}

#map = affine_map<(d0, d1) -> (0, 0)>
#map1 = affine_map<(d0, d1) -> (0, 0, 0, 0)>
module attributes {stable_mosaic.version = 14 : i64} {
  func.func @_segsum_sc(%arg0: i32, %arg1: i32, %arg2: memref<10000x128xf32, #tpu.memory_space<hbm>>, %arg3: memref<10000x128xf32, #tpu.memory_space<hbm>>, %arg4: memref<16x125x2x80xi32, #tpu.memory_space<hbm>>, %arg5: memref<10240x128xf32, #tpu.memory_space<hbm>>, %arg6: memref<20480x128xf32, #tpu.memory_space<hbm>>, %arg7: memref<6x2x80xi32, #tpu.memory_space<vmem>>, %arg8: memref<4x80x128xf32, #tpu.memory_space<vmem>>, %arg9: memref<10240x128xf32, #tpu.memory_space<vmem_shared>>, %arg10: memref<2x!tpu.dma_semaphore, #tpu.memory_space<semaphore_mem>>, %arg11: memref<!tpu.dma_semaphore, #tpu.memory_space<semaphore_mem>>, %arg12: memref<!tpu.dma_semaphore, #tpu.memory_space<semaphore_mem>>) attributes {dimension_semantics = [#tpu.dimension_semantics<core_parallel>, #tpu.dimension_semantics<subcore_parallel>], iteration_bounds = array<i64: 2, 16>, scalar_prefetch = 0 : i64, scratch_operands = 6 : i64, tpu.core_type = #tpu.core_type<sc_vector_subcore>, window_params = [{transform_indices = #map}, {transform_indices = #map}, {transform_indices = #map1}, {transform_indices = #map}, {transform_indices = #map}]} {
    %mul3A = arith.constant 640 : i32
    %mul3A_0 = arith.muli %arg1, %mul3A : i32
    %mul3A_1 = arith.constant 640 : i32
    %mul3A_2 = arith.muli %arg1, %mul3A_1 : i32
    "tpu.region"() ({
      %run_scoped3A = tpu.sem_alloc : memref<!tpu.dma_semaphore, #tpu.memory_space<semaphore_mem>>
      %dma_start3A_88 = arith.constant 0 : i32
      %dma_start3A_89 = tpu.memref_slice %arg9[%mul3A_2, %dma_start3A_88] : memref<10240x128xf32, #tpu.memory_space<vmem_shared>> -> memref<640x128xf32, #tpu.memory_space<vmem_shared>>
      %dma_start3A_90 = arith.constant 0 : i32
      %dma_start3A_91 = tpu.memref_slice %arg5[%mul3A_0, %dma_start3A_90] : memref<10240x128xf32, #tpu.memory_space<hbm>> -> memref<640x128xf32, #tpu.memory_space<hbm>>
      tpu.enqueue_dma source(%dma_start3A_91 : memref<640x128xf32, #tpu.memory_space<hbm>>) target(%dma_start3A_89 : memref<640x128xf32, #tpu.memory_space<vmem_shared>>) target_semaphore(%run_scoped3A : memref<!tpu.dma_semaphore, #tpu.memory_space<semaphore_mem>>)
      %dma_wait3A = arith.constant 0 : i32
      %dma_wait3A_92 = tpu.memref_slice %arg9[%mul3A_2, %dma_wait3A] : memref<10240x128xf32, #tpu.memory_space<vmem_shared>> -> memref<640x128xf32, #tpu.memory_space<vmem_shared>>
      %dma_wait3A_93 = arith.constant 0 : i32
      %dma_wait3A_94 = tpu.memref_slice %arg5[%mul3A_0, %dma_wait3A_93] : memref<10240x128xf32, #tpu.memory_space<hbm>> -> memref<640x128xf32, #tpu.memory_space<hbm>>
      tpu.wait_dma2 semaphore(%run_scoped3A : memref<!tpu.dma_semaphore, #tpu.memory_space<semaphore_mem>>) src(%dma_wait3A_94 : memref<640x128xf32, #tpu.memory_space<hbm>>) dst(%dma_wait3A_92 : memref<640x128xf32, #tpu.memory_space<vmem_shared>>)
      tpu.yield
    }) : () -> ()
    %dma_start3A = arith.constant 0 : i32
    %dma_start3A_3 = arith.constant 0 : i32
    %dma_start3A_4 = arith.constant 0 : i32
    %dma_start3A_5 = arith.constant 0 : i32
    %dma_start3A_6 = tpu.memref_slice %arg7[%dma_start3A_3, %dma_start3A_4, %dma_start3A_5] : memref<6x2x80xi32, #tpu.memory_space<vmem>> -> memref<1x2x80xi32, #tpu.memory_space<vmem>>
    %dma_start3A_7 = tpu.memref_squeeze %dma_start3A_6 : memref<1x2x80xi32, #tpu.memory_space<vmem>> -> memref<2x80xi32, #tpu.memory_space<vmem>>
    %dma_start3A_8 = arith.constant 0 : i32
    %dma_start3A_9 = arith.constant 0 : i32
    %dma_start3A_10 = tpu.memref_slice %arg4[%arg1, %dma_start3A, %dma_start3A_8, %dma_start3A_9] : memref<16x125x2x80xi32, #tpu.memory_space<hbm>> -> memref<1x1x2x80xi32, #tpu.memory_space<hbm>>
    %dma_start3A_11 = tpu.memref_squeeze %dma_start3A_10 : memref<1x1x2x80xi32, #tpu.memory_space<hbm>> -> memref<2x80xi32, #tpu.memory_space<hbm>>
    %dma_start3A_12 = arith.constant 0 : i32
    %dma_start3A_13 = arith.constant 0 : i32
    %dma_start3A_14 = tpu.memref_slice %arg7[%dma_start3A_3, %dma_start3A_12, %dma_start3A_13] : memref<6x2x80xi32, #tpu.memory_space<vmem>> -> memref<1x2x80xi32, #tpu.memory_space<vmem>>
    %dma_start3A_15 = tpu.memref_squeeze %dma_start3A_14 : memref<1x2x80xi32, #tpu.memory_space<vmem>> -> memref<2x80xi32, #tpu.memory_space<vmem>>
    %dma_start3A_16 = arith.constant 0 : i32
    %dma_start3A_17 = arith.constant 0 : i32
    %dma_start3A_18 = tpu.memref_slice %arg4[%arg1, %dma_start3A, %dma_start3A_16, %dma_start3A_17] : memref<16x125x2x80xi32, #tpu.memory_space<hbm>> -> memref<1x1x2x80xi32, #tpu.memory_space<hbm>>
    %dma_start3A_19 = tpu.memref_squeeze %dma_start3A_18 : memref<1x1x2x80xi32, #tpu.memory_space<hbm>> -> memref<2x80xi32, #tpu.memory_space<hbm>>
    tpu.enqueue_dma source(%dma_start3A_19 : memref<2x80xi32, #tpu.memory_space<hbm>>) target(%dma_start3A_15 : memref<2x80xi32, #tpu.memory_space<vmem>>) target_semaphore(%arg11 : memref<!tpu.dma_semaphore, #tpu.memory_space<semaphore_mem>>)
    %dma_start3A_20 = arith.constant 1 : i32
    %dma_start3A_21 = arith.constant 1 : i32
    %dma_start3A_22 = arith.constant 0 : i32
    %dma_start3A_23 = arith.constant 0 : i32
    %dma_start3A_24 = tpu.memref_slice %arg7[%dma_start3A_21, %dma_start3A_22, %dma_start3A_23] : memref<6x2x80xi32, #tpu.memory_space<vmem>> -> memref<1x2x80xi32, #tpu.memory_space<vmem>>
    %dma_start3A_25 = tpu.memref_squeeze %dma_start3A_24 : memref<1x2x80xi32, #tpu.memory_space<vmem>> -> memref<2x80xi32, #tpu.memory_space<vmem>>
    %dma_start3A_26 = arith.constant 0 : i32
    %dma_start3A_27 = arith.constant 0 : i32
    %dma_start3A_28 = tpu.memref_slice %arg4[%arg1, %dma_start3A_20, %dma_start3A_26, %dma_start3A_27] : memref<16x125x2x80xi32, #tpu.memory_space<hbm>> -> memref<1x1x2x80xi32, #tpu.memory_space<hbm>>
    %dma_start3A_29 = tpu.memref_squeeze %dma_start3A_28 : memref<1x1x2x80xi32, #tpu.memory_space<hbm>> -> memref<2x80xi32, #tpu.memory_space<hbm>>
    %dma_start3A_30 = arith.constant 0 : i32
    %dma_start3A_31 = arith.constant 0 : i32
    %dma_start3A_32 = tpu.memref_slice %arg7[%dma_start3A_21, %dma_start3A_30, %dma_start3A_31] : memref<6x2x80xi32, #tpu.memory_space<vmem>> -> memref<1x2x80xi32, #tpu.memory_space<vmem>>
    %dma_start3A_33 = tpu.memref_squeeze %dma_start3A_32 : memref<1x2x80xi32, #tpu.memory_space<vmem>> -> memref<2x80xi32, #tpu.memory_space<vmem>>
    %dma_start3A_34 = arith.constant 0 : i32
    %dma_start3A_35 = arith.constant 0 : i32
    %dma_start3A_36 = tpu.memref_slice %arg4[%arg1, %dma_start3A_20, %dma_start3A_34, %dma_start3A_35] : memref<16x125x2x80xi32, #tpu.memory_space<hbm>> -> memref<1x1x2x80xi32, #tpu.memory_space<hbm>>
    %dma_start3A_37 = tpu.memref_squeeze %dma_start3A_36 : memref<1x1x2x80xi32, #tpu.memory_space<hbm>> -> memref<2x80xi32, #tpu.memory_space<hbm>>
    tpu.enqueue_dma source(%dma_start3A_37 : memref<2x80xi32, #tpu.memory_space<hbm>>) target(%dma_start3A_33 : memref<2x80xi32, #tpu.memory_space<vmem>>) target_semaphore(%arg11 : memref<!tpu.dma_semaphore, #tpu.memory_space<semaphore_mem>>)
    %dma_start3A_38 = arith.constant 2 : i32
    %dma_start3A_39 = arith.constant 2 : i32
    %dma_start3A_40 = arith.constant 0 : i32
    %dma_start3A_41 = arith.constant 0 : i32
    %dma_start3A_42 = tpu.memref_slice %arg7[%dma_start3A_39, %dma_start3A_40, %dma_start3A_41] : memref<6x2x80xi32, #tpu.memory_space<vmem>> -> memref<1x2x80xi32, #tpu.memory_space<vmem>>
    %dma_start3A_43 = tpu.memref_squeeze %dma_start3A_42 : memref<1x2x80xi32, #tpu.memory_space<vmem>> -> memref<2x80xi32, #tpu.memory_space<vmem>>
    %dma_start3A_44 = arith.constant 0 : i32
    %dma_start3A_45 = arith.constant 0 : i32
    %dma_start3A_46 = tpu.memref_slice %arg4[%arg1, %dma_start3A_38, %dma_start3A_44, %dma_start3A_45] : memref<16x125x2x80xi32, #tpu.memory_space<hbm>> -> memref<1x1x2x80xi32, #tpu.memory_space<hbm>>
    %dma_start3A_47 = tpu.memref_squeeze %dma_start3A_46 : memref<1x1x2x80xi32, #tpu.memory_space<hbm>> -> memref<2x80xi32, #tpu.memory_space<hbm>>
    %dma_start3A_48 = arith.constant 0 : i32
    %dma_start3A_49 = arith.constant 0 : i32
    %dma_start3A_50 = tpu.memref_slice %arg7[%dma_start3A_39, %dma_start3A_48, %dma_start3A_49] : memref<6x2x80xi32, #tpu.memory_space<vmem>> -> memref<1x2x80xi32, #tpu.memory_space<vmem>>
    %dma_start3A_51 = tpu.memref_squeeze %dma_start3A_50 : memref<1x2x80xi32, #tpu.memory_space<vmem>> -> memref<2x80xi32, #tpu.memory_space<vmem>>
    %dma_start3A_52 = arith.constant 0 : i32
    %dma_start3A_53 = arith.constant 0 : i32
    %dma_start3A_54 = tpu.memref_slice %arg4[%arg1, %dma_start3A_38, %dma_start3A_52, %dma_start3A_53] : memref<16x125x2x80xi32, #tpu.memory_space<hbm>> -> memref<1x1x2x80xi32, #tpu.memory_space<hbm>>
    %dma_start3A_55 = tpu.memref_squeeze %dma_start3A_54 : memref<1x1x2x80xi32, #tpu.memory_space<hbm>> -> memref<2x80xi32, #tpu.memory_space<hbm>>
    tpu.enqueue_dma source(%dma_start3A_55 : memref<2x80xi32, #tpu.memory_space<hbm>>) target(%dma_start3A_51 : memref<2x80xi32, #tpu.memory_space<vmem>>) target_semaphore(%arg11 : memref<!tpu.dma_semaphore, #tpu.memory_space<semaphore_mem>>)
    %dma_start3A_56 = arith.constant 3 : i32
    %dma_start3A_57 = arith.constant 3 : i32
    %dma_start3A_58 = arith.constant 0 : i32
    %dma_start3A_59 = arith.constant 0 : i32
    %dma_start3A_60 = tpu.memref_slice %arg7[%dma_start3A_57, %dma_start3A_58, %dma_start3A_59] : memref<6x2x80xi32, #tpu.memory_space<vmem>> -> memref<1x2x80xi32, #tpu.memory_space<vmem>>
    %dma_start3A_61 = tpu.memref_squeeze %dma_start3A_60 : memref<1x2x80xi32, #tpu.memory_space<vmem>> -> memref<2x80xi32, #tpu.memory_space<vmem>>
    %dma_start3A_62 = arith.constant 0 : i32
    %dma_start3A_63 = arith.constant 0 : i32
    %dma_start3A_64 = tpu.memref_slice %arg4[%arg1, %dma_start3A_56, %dma_start3A_62, %dma_start3A_63] : memref<16x125x2x80xi32, #tpu.memory_space<hbm>> -> memref<1x1x2x80xi32, #tpu.memory_space<hbm>>
    %dma_start3A_65 = tpu.memref_squeeze %dma_start3A_64 : memref<1x1x2x80xi32, #tpu.memory_space<hbm>> -> memref<2x80xi32, #tpu.memory_space<hbm>>
    %dma_start3A_66 = arith.constant 0 : i32
    %dma_start3A_67 = arith.constant 0 : i32
    %dma_start3A_68 = tpu.memref_slice %arg7[%dma_start3A_57, %dma_start3A_66, %dma_start3A_67] : memref<6x2x80xi32, #tpu.memory_space<vmem>> -> memref<1x2x80xi32, #tpu.memory_space<vmem>>
    %dma_start3A_69 = tpu.memref_squeeze %dma_start3A_68 : memref<1x2x80xi32, #tpu.memory_space<vmem>> -> memref<2x80xi32, #tpu.memory_space<vmem>>
    %dma_start3A_70 = arith.constant 0 : i32
    %dma_start3A_71 = arith.constant 0 : i32
    %dma_start3A_72 = tpu.memref_slice %arg4[%arg1, %dma_start3A_56, %dma_start3A_70, %dma_start3A_71] : memref<16x125x2x80xi32, #tpu.memory_space<hbm>> -> memref<1x1x2x80xi32, #tpu.memory_space<hbm>>
    %dma_start3A_73 = tpu.memref_squeeze %dma_start3A_72 : memref<1x1x2x80xi32, #tpu.memory_space<hbm>> -> memref<2x80xi32, #tpu.memory_space<hbm>>
    tpu.enqueue_dma source(%dma_start3A_73 : memref<2x80xi32, #tpu.memory_space<hbm>>) target(%dma_start3A_69 : memref<2x80xi32, #tpu.memory_space<vmem>>) target_semaphore(%arg11 : memref<!tpu.dma_semaphore, #tpu.memory_space<semaphore_mem>>)
    %barrier3A = arith.constant 0 : index
    tpu.barrier barrier_id(%barrier3A)
    %eq3A = arith.constant 0 : i32
    %eq3A_74 = arith.cmpi eq, %arg0, %eq3A : i32
    %convert_element_type3A = arith.extui %eq3A_74 : i1 to i32
    %cond3A = arith.constant 0 : i32
    %cond3A_75 = arith.cmpi ne, %convert_element_type3A, %cond3A : i32
    scf.if %cond3A_75 {
      %dma_wait3A = arith.constant 0 : i32
      %dma_wait3A_88 = arith.constant 0 : i32
      %dma_wait3A_89 = arith.constant 0 : i32
      %dma_wait3A_90 = arith.constant 0 : i32
      %dma_wait3A_91 = tpu.memref_slice %arg7[%dma_wait3A_88, %dma_wait3A_89, %dma_wait3A_90] : memref<6x2x80xi32, #tpu.memory_space<vmem>> -> memref<1x2x80xi32, #tpu.memory_space<vmem>>
      %dma_wait3A_92 = tpu.memref_squeeze %dma_wait3A_91 : memref<1x2x80xi32, #tpu.memory_space<vmem>> -> memref<2x80xi32, #tpu.memory_space<vmem>>
      %dma_wait3A_93 = arith.constant 0 : i32
      %dma_wait3A_94 = arith.constant 0 : i32
      %dma_wait3A_95 = tpu.memref_slice %arg4[%arg1, %dma_wait3A, %dma_wait3A_93, %dma_wait3A_94] : memref<16x125x2x80xi32, #tpu.memory_space<hbm>> -> memref<1x1x2x80xi32, #tpu.memory_space<hbm>>
      %dma_wait3A_96 = tpu.memref_squeeze %dma_wait3A_95 : memref<1x1x2x80xi32, #tpu.memory_space<hbm>> -> memref<2x80xi32, #tpu.memory_space<hbm>>
      %dma_wait3A_97 = arith.constant 0 : i32
      %dma_wait3A_98 = arith.constant 0 : i32
      %dma_wait3A_99 = tpu.memref_slice %arg7[%dma_wait3A_88, %dma_wait3A_97, %dma_wait3A_98] : memref<6x2x80xi32, #tpu.memory_space<vmem>> -> memref<1x2x80xi32, #tpu.memory_space<vmem>>
      %dma_wait3A_100 = tpu.memref_squeeze %dma_wait3A_99 : memref<1x2x80xi32, #tpu.memory_space<vmem>> -> memref<2x80xi32, #tpu.memory_space<vmem>>
      %dma_wait3A_101 = arith.constant 0 : i32
      %dma_wait3A_102 = arith.constant 0 : i32
      %dma_wait3A_103 = tpu.memref_slice %arg4[%arg1, %dma_wait3A, %dma_wait3A_101, %dma_wait3A_102] : memref<16x125x2x80xi32, #tpu.memory_space<hbm>> -> memref<1x1x2x80xi32, #tpu.memory_space<hbm>>
      %dma_wait3A_104 = tpu.memref_squeeze %dma_wait3A_103 : memref<1x1x2x80xi32, #tpu.memory_space<hbm>> -> memref<2x80xi32, #tpu.memory_space<hbm>>
      tpu.wait_dma2 semaphore(%arg11 : memref<!tpu.dma_semaphore, #tpu.memory_space<semaphore_mem>>) src(%dma_wait3A_104 : memref<2x80xi32, #tpu.memory_space<hbm>>) dst(%dma_wait3A_100 : memref<2x80xi32, #tpu.memory_space<vmem>>)
      %dma_start3A_105 = arith.constant 0 : i32
      %dma_start3A_106 = arith.constant 0 : i32
      %dma_start3A_107 = arith.constant 0 : i32
      %dma_start3A_108 = arith.constant 0 : i32
      %dma_start3A_109 = arith.constant 0 : i32
      %dma_start3A_110 = arith.constant 0 : i32
      %dma_start3A_111 = tpu.memref_slice %arg8[%dma_start3A_107, %dma_start3A_109, %dma_start3A_110] : memref<4x80x128xf32, #tpu.memory_space<vmem>> -> memref<1x80x128xf32, #tpu.memory_space<vmem>>
      %dma_start3A_112 = tpu.memref_squeeze %dma_start3A_111 : memref<1x80x128xf32, #tpu.memory_space<vmem>> -> memref<80x128xf32, #tpu.memory_space<vmem>>
      %dma_start3A_113 = arith.constant 0 : i32
      %dma_start3A_114 = tpu.memref_slice %arg7[%dma_start3A_105, %dma_start3A_106, %dma_start3A_113] : memref<6x2x80xi32, #tpu.memory_space<vmem>> -> memref<1x1x80xi32, #tpu.memory_space<vmem>>
      %dma_start3A_115 = tpu.memref_squeeze %dma_start3A_114 : memref<1x1x80xi32, #tpu.memory_space<vmem>> -> memref<80xi32, #tpu.memory_space<vmem>>
      %dma_start3A_116 = arith.constant 0 : i32
      %dma_start3A_117 = arith.constant 0 : i32
      %dma_start3A_118 = tpu.memref_slice %arg2[%dma_start3A_116, %dma_start3A_117] : memref<10000x128xf32, #tpu.memory_space<hbm>> -> memref<10000x128xf32, #tpu.memory_space<hbm>>
      %dma_start3A_119 = tpu.memref_slice %arg10[%dma_start3A_108] : memref<2x!tpu.dma_semaphore, #tpu.memory_space<semaphore_mem>> -> memref<1x!tpu.dma_semaphore, #tpu.memory_space<semaphore_mem>>
      %dma_start3A_120 = tpu.memref_squeeze %dma_start3A_119 : memref<1x!tpu.dma_semaphore, #tpu.memory_space<semaphore_mem>> -> memref<!tpu.dma_semaphore, #tpu.memory_space<semaphore_mem>>
      tpu.enqueue_indirect_dma source(%dma_start3A_118 : memref<10000x128xf32, #tpu.memory_space<hbm>>) target(%dma_start3A_112 : memref<80x128xf32, #tpu.memory_space<vmem>>) offsets(%dma_start3A_115 : memref<80xi32, #tpu.memory_space<vmem>>) semaphore(%dma_start3A_120 : memref<!tpu.dma_semaphore, #tpu.memory_space<semaphore_mem>>)
      %dma_wait3A_121 = arith.constant 1 : i32
      %dma_wait3A_122 = arith.constant 1 : i32
      %dma_wait3A_123 = arith.constant 0 : i32
      %dma_wait3A_124 = arith.constant 0 : i32
      %dma_wait3A_125 = tpu.memref_slice %arg7[%dma_wait3A_122, %dma_wait3A_123, %dma_wait3A_124] : memref<6x2x80xi32, #tpu.memory_space<vmem>> -> memref<1x2x80xi32, #tpu.memory_space<vmem>>
      %dma_wait3A_126 = tpu.memref_squeeze %dma_wait3A_125 : memref<1x2x80xi32, #tpu.memory_space<vmem>> -> memref<2x80xi32, #tpu.memory_space<vmem>>
      %dma_wait3A_127 = arith.constant 0 : i32
      %dma_wait3A_128 = arith.constant 0 : i32
      %dma_wait3A_129 = tpu.memref_slice %arg4[%arg1, %dma_wait3A_121, %dma_wait3A_127, %dma_wait3A_128] : memref<16x125x2x80xi32, #tpu.memory_space<hbm>> -> memref<1x1x2x80xi32, #tpu.memory_space<hbm>>
      %dma_wait3A_130 = tpu.memref_squeeze %dma_wait3A_129 : memref<1x1x2x80xi32, #tpu.memory_space<hbm>> -> memref<2x80xi32, #tpu.memory_space<hbm>>
      %dma_wait3A_131 = arith.constant 0 : i32
      %dma_wait3A_132 = arith.constant 0 : i32
      %dma_wait3A_133 = tpu.memref_slice %arg7[%dma_wait3A_122, %dma_wait3A_131, %dma_wait3A_132] : memref<6x2x80xi32, #tpu.memory_space<vmem>> -> memref<1x2x80xi32, #tpu.memory_space<vmem>>
      %dma_wait3A_134 = tpu.memref_squeeze %dma_wait3A_133 : memref<1x2x80xi32, #tpu.memory_space<vmem>> -> memref<2x80xi32, #tpu.memory_space<vmem>>
      %dma_wait3A_135 = arith.constant 0 : i32
      %dma_wait3A_136 = arith.constant 0 : i32
      %dma_wait3A_137 = tpu.memref_slice %arg4[%arg1, %dma_wait3A_121, %dma_wait3A_135, %dma_wait3A_136] : memref<16x125x2x80xi32, #tpu.memory_space<hbm>> -> memref<1x1x2x80xi32, #tpu.memory_space<hbm>>
      %dma_wait3A_138 = tpu.memref_squeeze %dma_wait3A_137 : memref<1x1x2x80xi32, #tpu.memory_space<hbm>> -> memref<2x80xi32, #tpu.memory_space<hbm>>
      tpu.wait_dma2 semaphore(%arg11 : memref<!tpu.dma_semaphore, #tpu.memory_space<semaphore_mem>>) src(%dma_wait3A_138 : memref<2x80xi32, #tpu.memory_space<hbm>>) dst(%dma_wait3A_134 : memref<2x80xi32, #tpu.memory_space<vmem>>)
      %dma_start3A_139 = arith.constant 1 : i32
      %dma_start3A_140 = arith.constant 0 : i32
      %dma_start3A_141 = arith.constant 1 : i32
      %dma_start3A_142 = arith.constant 1 : i32
      %dma_start3A_143 = arith.constant 0 : i32
      %dma_start3A_144 = arith.constant 0 : i32
      %dma_start3A_145 = tpu.memref_slice %arg8[%dma_start3A_141, %dma_start3A_143, %dma_start3A_144] : memref<4x80x128xf32, #tpu.memory_space<vmem>> -> memref<1x80x128xf32, #tpu.memory_space<vmem>>
      %dma_start3A_146 = tpu.memref_squeeze %dma_start3A_145 : memref<1x80x128xf32, #tpu.memory_space<vmem>> -> memref<80x128xf32, #tpu.memory_space<vmem>>
      %dma_start3A_147 = arith.constant 0 : i32
      %dma_start3A_148 = tpu.memref_slice %arg7[%dma_start3A_139, %dma_start3A_140, %dma_start3A_147] : memref<6x2x80xi32, #tpu.memory_space<vmem>> -> memref<1x1x80xi32, #tpu.memory_space<vmem>>
      %dma_start3A_149 = tpu.memref_squeeze %dma_start3A_148 : memref<1x1x80xi32, #tpu.memory_space<vmem>> -> memref<80xi32, #tpu.memory_space<vmem>>
      %dma_start3A_150 = arith.constant 0 : i32
      %dma_start3A_151 = arith.constant 0 : i32
      %dma_start3A_152 = tpu.memref_slice %arg2[%dma_start3A_150, %dma_start3A_151] : memref<10000x128xf32, #tpu.memory_space<hbm>> -> memref<10000x128xf32, #tpu.memory_space<hbm>>
      %dma_start3A_153 = tpu.memref_slice %arg10[%dma_start3A_142] : memref<2x!tpu.dma_semaphore, #tpu.memory_space<semaphore_mem>> -> memref<1x!tpu.dma_semaphore, #tpu.memory_space<semaphore_mem>>
      %dma_start3A_154 = tpu.memref_squeeze %dma_start3A_153 : memref<1x!tpu.dma_semaphore, #tpu.memory_space<semaphore_mem>> -> memref<!tpu.dma_semaphore, #tpu.memory_space<semaphore_mem>>
      tpu.enqueue_indirect_dma source(%dma_start3A_152 : memref<10000x128xf32, #tpu.memory_space<hbm>>) target(%dma_start3A_146 : memref<80x128xf32, #tpu.memory_space<vmem>>) offsets(%dma_start3A_149 : memref<80xi32, #tpu.memory_space<vmem>>) semaphore(%dma_start3A_154 : memref<!tpu.dma_semaphore, #tpu.memory_space<semaphore_mem>>)
      %scan3A = arith.constant 0 : i32
      %scan3A_155 = arith.constant 0 : i32
      %scan3A_156 = arith.constant 125 : i32
      %scan3A_157 = arith.addi %scan3A_155, %scan3A_156 : i32
      %scan3A_158 = arith.constant 1 : i32
      %scan3A_159 = scf.for %scan3A_187 = %scan3A_155 to %scan3A_157 step %scan3A_158 iter_args(%scan3A_188 = %scan3A) -> (i32)  : i32 {
        %rem3A = arith.constant 4 : i32
        %rem3A_189 = arith.remsi %scan3A_187, %rem3A : i32
        %rem3A_190 = arith.constant 6 : i32
        %rem3A_191 = arith.remsi %scan3A_187, %rem3A_190 : i32
        %rem3A_192 = arith.constant 2 : i32
        %rem3A_193 = arith.remsi %scan3A_187, %rem3A_192 : i32
        %dma_wait3A_194 = arith.constant 0 : i32
        %dma_wait3A_195 = arith.constant 0 : i32
        %dma_wait3A_196 = arith.constant 0 : i32
        %dma_wait3A_197 = tpu.memref_slice %arg8[%rem3A_189, %dma_wait3A_195, %dma_wait3A_196] : memref<4x80x128xf32, #tpu.memory_space<vmem>> -> memref<1x80x128xf32, #tpu.memory_space<vmem>>
        %dma_wait3A_198 = tpu.memref_squeeze %dma_wait3A_197 : memref<1x80x128xf32, #tpu.memory_space<vmem>> -> memref<80x128xf32, #tpu.memory_space<vmem>>
        %dma_wait3A_199 = arith.constant 0 : i32
        %dma_wait3A_200 = tpu.memref_slice %arg7[%rem3A_191, %dma_wait3A_194, %dma_wait3A_199] : memref<6x2x80xi32, #tpu.memory_space<vmem>> -> memref<1x1x80xi32, #tpu.memory_space<vmem>>
        %dma_wait3A_201 = tpu.memref_squeeze %dma_wait3A_200 : memref<1x1x80xi32, #tpu.memory_space<vmem>> -> memref<80xi32, #tpu.memory_space<vmem>>
        %dma_wait3A_202 = arith.constant 0 : i32
        %dma_wait3A_203 = arith.constant 0 : i32
        %dma_wait3A_204 = tpu.memref_slice %arg2[%dma_wait3A_202, %dma_wait3A_203] : memref<10000x128xf32, #tpu.memory_space<hbm>> -> memref<10000x128xf32, #tpu.memory_space<hbm>>
        %dma_wait3A_205 = tpu.memref_slice %arg10[%rem3A_193] : memref<2x!tpu.dma_semaphore, #tpu.memory_space<semaphore_mem>> -> memref<1x!tpu.dma_semaphore, #tpu.memory_space<semaphore_mem>>
        %dma_wait3A_206 = tpu.memref_squeeze %dma_wait3A_205 : memref<1x!tpu.dma_semaphore, #tpu.memory_space<semaphore_mem>> -> memref<!tpu.dma_semaphore, #tpu.memory_space<semaphore_mem>>
        tpu.wait_indirect_dma semaphore(%dma_wait3A_206 : memref<!tpu.dma_semaphore, #tpu.memory_space<semaphore_mem>>) src(%dma_wait3A_204 : memref<10000x128xf32, #tpu.memory_space<hbm>>) dst(%dma_wait3A_198 : memref<80x128xf32, #tpu.memory_space<vmem>>)
        %ge3A = arith.constant 2 : i32
        %ge3A_207 = arith.cmpi sge, %scan3A_187, %ge3A : i32
        %convert_element_type3A_208 = arith.extui %ge3A_207 : i1 to i32
        %cond3A_209 = arith.constant 0 : i32
        %cond3A_210 = arith.cmpi ne, %convert_element_type3A_208, %cond3A_209 : i32
        scf.if %cond3A_210 {
          %dma_wait3A_236 = arith.constant 1 : i32
          %dma_wait3A_237 = arith.constant 0 : i32
          %dma_wait3A_238 = arith.constant 0 : i32
          %dma_wait3A_239 = tpu.memref_slice %arg8[%rem3A_189, %dma_wait3A_237, %dma_wait3A_238] : memref<4x80x128xf32, #tpu.memory_space<vmem>> -> memref<1x80x128xf32, #tpu.memory_space<vmem>>
          %dma_wait3A_240 = tpu.memref_squeeze %dma_wait3A_239 : memref<1x80x128xf32, #tpu.memory_space<vmem>> -> memref<80x128xf32, #tpu.memory_space<vmem>>
          %dma_wait3A_241 = arith.constant 0 : i32
          %dma_wait3A_242 = tpu.memref_slice %arg7[%rem3A_191, %dma_wait3A_236, %dma_wait3A_241] : memref<6x2x80xi32, #tpu.memory_space<vmem>> -> memref<1x1x80xi32, #tpu.memory_space<vmem>>
          %dma_wait3A_243 = tpu.memref_squeeze %dma_wait3A_242 : memref<1x1x80xi32, #tpu.memory_space<vmem>> -> memref<80xi32, #tpu.memory_space<vmem>>
          %dma_wait3A_244 = arith.constant 0 : i32
          %dma_wait3A_245 = arith.constant 0 : i32
          %dma_wait3A_246 = tpu.memref_slice %arg9[%dma_wait3A_244, %dma_wait3A_245] : memref<10240x128xf32, #tpu.memory_space<vmem_shared>> -> memref<10240x128xf32, #tpu.memory_space<vmem_shared>>
          tpu.wait_indirect_dma semaphore(%arg12 : memref<!tpu.dma_semaphore, #tpu.memory_space<semaphore_mem>>) src(%dma_wait3A_240 : memref<80x128xf32, #tpu.memory_space<vmem>>) dst(%dma_wait3A_246 : memref<10240x128xf32, #tpu.memory_space<vmem_shared>>)
        } else {
        }
        %add3A_211 = arith.constant 4 : i32
        %add3A_212 = arith.addi %scan3A_187, %add3A_211 : i32
        %lt3A = arith.constant 125 : i32
        %lt3A_213 = arith.cmpi slt, %add3A_212, %lt3A : i32
        %convert_element_type3A_214 = arith.extui %lt3A_213 : i1 to i32
        %cond3A_215 = arith.constant 0 : i32
        %cond3A_216 = arith.cmpi ne, %convert_element_type3A_214, %cond3A_215 : i32
        scf.if %cond3A_216 {
          %add3A_236 = arith.constant 4 : i32
          %add3A_237 = arith.addi %scan3A_187, %add3A_236 : i32
          %add3A_238 = arith.constant 4 : i32
          %add3A_239 = arith.addi %scan3A_187, %add3A_238 : i32
          %rem3A_240 = arith.constant 6 : i32
          %rem3A_241 = arith.remsi %add3A_239, %rem3A_240 : i32
          %dma_start3A_242 = arith.constant 0 : i32
          %dma_start3A_243 = arith.constant 0 : i32
          %dma_start3A_244 = tpu.memref_slice %arg7[%rem3A_241, %dma_start3A_242, %dma_start3A_243] : memref<6x2x80xi32, #tpu.memory_space<vmem>> -> memref<1x2x80xi32, #tpu.memory_space<vmem>>
          %dma_start3A_245 = tpu.memref_squeeze %dma_start3A_244 : memref<1x2x80xi32, #tpu.memory_space<vmem>> -> memref<2x80xi32, #tpu.memory_space<vmem>>
          %dma_start3A_246 = arith.constant 0 : i32
          %dma_start3A_247 = arith.constant 0 : i32
          %dma_start3A_248 = tpu.memref_slice %arg4[%arg1, %add3A_237, %dma_start3A_246, %dma_start3A_247] : memref<16x125x2x80xi32, #tpu.memory_space<hbm>> -> memref<1x1x2x80xi32, #tpu.memory_space<hbm>>
          %dma_start3A_249 = tpu.memref_squeeze %dma_start3A_248 : memref<1x1x2x80xi32, #tpu.memory_space<hbm>> -> memref<2x80xi32, #tpu.memory_space<hbm>>
          %dma_start3A_250 = arith.constant 0 : i32
          %dma_start3A_251 = arith.constant 0 : i32
          %dma_start3A_252 = tpu.memref_slice %arg7[%rem3A_241, %dma_start3A_250, %dma_start3A_251] : memref<6x2x80xi32, #tpu.memory_space<vmem>> -> memref<1x2x80xi32, #tpu.memory_space<vmem>>
          %dma_start3A_253 = tpu.memref_squeeze %dma_start3A_252 : memref<1x2x80xi32, #tpu.memory_space<vmem>> -> memref<2x80xi32, #tpu.memory_space<vmem>>
          %dma_start3A_254 = arith.constant 0 : i32
          %dma_start3A_255 = arith.constant 0 : i32
          %dma_start3A_256 = tpu.memref_slice %arg4[%arg1, %add3A_237, %dma_start3A_254, %dma_start3A_255] : memref<16x125x2x80xi32, #tpu.memory_space<hbm>> -> memref<1x1x2x80xi32, #tpu.memory_space<hbm>>
          %dma_start3A_257 = tpu.memref_squeeze %dma_start3A_256 : memref<1x1x2x80xi32, #tpu.memory_space<hbm>> -> memref<2x80xi32, #tpu.memory_space<hbm>>
          tpu.enqueue_dma source(%dma_start3A_257 : memref<2x80xi32, #tpu.memory_space<hbm>>) target(%dma_start3A_253 : memref<2x80xi32, #tpu.memory_space<vmem>>) target_semaphore(%arg11 : memref<!tpu.dma_semaphore, #tpu.memory_space<semaphore_mem>>)
        } else {
        }
        %add3A_217 = arith.constant 2 : i32
        %add3A_218 = arith.addi %scan3A_187, %add3A_217 : i32
        %lt3A_219 = arith.constant 125 : i32
        %lt3A_220 = arith.cmpi slt, %add3A_218, %lt3A_219 : i32
        %convert_element_type3A_221 = arith.extui %lt3A_220 : i1 to i32
        %cond3A_222 = arith.constant 0 : i32
        %cond3A_223 = arith.cmpi ne, %convert_element_type3A_221, %cond3A_222 : i32
        scf.if %cond3A_223 {
          %add3A_236 = arith.constant 2 : i32
          %add3A_237 = arith.addi %scan3A_187, %add3A_236 : i32
          %rem3A_238 = arith.constant 6 : i32
          %rem3A_239 = arith.remsi %add3A_237, %rem3A_238 : i32
          %add3A_240 = arith.constant 2 : i32
          %add3A_241 = arith.addi %scan3A_187, %add3A_240 : i32
          %dma_wait3A_242 = arith.constant 0 : i32
          %dma_wait3A_243 = arith.constant 0 : i32
          %dma_wait3A_244 = tpu.memref_slice %arg7[%rem3A_239, %dma_wait3A_242, %dma_wait3A_243] : memref<6x2x80xi32, #tpu.memory_space<vmem>> -> memref<1x2x80xi32, #tpu.memory_space<vmem>>
          %dma_wait3A_245 = tpu.memref_squeeze %dma_wait3A_244 : memref<1x2x80xi32, #tpu.memory_space<vmem>> -> memref<2x80xi32, #tpu.memory_space<vmem>>
          %dma_wait3A_246 = arith.constant 0 : i32
          %dma_wait3A_247 = arith.constant 0 : i32
          %dma_wait3A_248 = tpu.memref_slice %arg4[%arg1, %add3A_241, %dma_wait3A_246, %dma_wait3A_247] : memref<16x125x2x80xi32, #tpu.memory_space<hbm>> -> memref<1x1x2x80xi32, #tpu.memory_space<hbm>>
          %dma_wait3A_249 = tpu.memref_squeeze %dma_wait3A_248 : memref<1x1x2x80xi32, #tpu.memory_space<hbm>> -> memref<2x80xi32, #tpu.memory_space<hbm>>
          %dma_wait3A_250 = arith.constant 0 : i32
          %dma_wait3A_251 = arith.constant 0 : i32
          %dma_wait3A_252 = tpu.memref_slice %arg7[%rem3A_239, %dma_wait3A_250, %dma_wait3A_251] : memref<6x2x80xi32, #tpu.memory_space<vmem>> -> memref<1x2x80xi32, #tpu.memory_space<vmem>>
          %dma_wait3A_253 = tpu.memref_squeeze %dma_wait3A_252 : memref<1x2x80xi32, #tpu.memory_space<vmem>> -> memref<2x80xi32, #tpu.memory_space<vmem>>
          %dma_wait3A_254 = arith.constant 0 : i32
          %dma_wait3A_255 = arith.constant 0 : i32
          %dma_wait3A_256 = tpu.memref_slice %arg4[%arg1, %add3A_241, %dma_wait3A_254, %dma_wait3A_255] : memref<16x125x2x80xi32, #tpu.memory_space<hbm>> -> memref<1x1x2x80xi32, #tpu.memory_space<hbm>>
          %dma_wait3A_257 = tpu.memref_squeeze %dma_wait3A_256 : memref<1x1x2x80xi32, #tpu.memory_space<hbm>> -> memref<2x80xi32, #tpu.memory_space<hbm>>
          tpu.wait_dma2 semaphore(%arg11 : memref<!tpu.dma_semaphore, #tpu.memory_space<semaphore_mem>>) src(%dma_wait3A_257 : memref<2x80xi32, #tpu.memory_space<hbm>>) dst(%dma_wait3A_253 : memref<2x80xi32, #tpu.memory_space<vmem>>)
          %add3A_258 = arith.constant 2 : i32
          %add3A_259 = arith.addi %scan3A_187, %add3A_258 : i32
          %rem3A_260 = arith.constant 4 : i32
          %rem3A_261 = arith.remsi %add3A_259, %rem3A_260 : i32
          %dma_start3A_262 = arith.constant 0 : i32
          %dma_start3A_263 = arith.constant 0 : i32
          %dma_start3A_264 = arith.constant 0 : i32
          %dma_start3A_265 = tpu.memref_slice %arg8[%rem3A_261, %dma_start3A_263, %dma_start3A_264] : memref<4x80x128xf32, #tpu.memory_space<vmem>> -> memref<1x80x128xf32, #tpu.memory_space<vmem>>
          %dma_start3A_266 = tpu.memref_squeeze %dma_start3A_265 : memref<1x80x128xf32, #tpu.memory_space<vmem>> -> memref<80x128xf32, #tpu.memory_space<vmem>>
          %dma_start3A_267 = arith.constant 0 : i32
          %dma_start3A_268 = tpu.memref_slice %arg7[%rem3A_239, %dma_start3A_262, %dma_start3A_267] : memref<6x2x80xi32, #tpu.memory_space<vmem>> -> memref<1x1x80xi32, #tpu.memory_space<vmem>>
          %dma_start3A_269 = tpu.memref_squeeze %dma_start3A_268 : memref<1x1x80xi32, #tpu.memory_space<vmem>> -> memref<80xi32, #tpu.memory_space<vmem>>
          %dma_start3A_270 = arith.constant 0 : i32
          %dma_start3A_271 = arith.constant 0 : i32
          %dma_start3A_272 = tpu.memref_slice %arg2[%dma_start3A_270, %dma_start3A_271] : memref<10000x128xf32, #tpu.memory_space<hbm>> -> memref<10000x128xf32, #tpu.memory_space<hbm>>
          %dma_start3A_273 = tpu.memref_slice %arg10[%rem3A_193] : memref<2x!tpu.dma_semaphore, #tpu.memory_space<semaphore_mem>> -> memref<1x!tpu.dma_semaphore, #tpu.memory_space<semaphore_mem>>
          %dma_start3A_274 = tpu.memref_squeeze %dma_start3A_273 : memref<1x!tpu.dma_semaphore, #tpu.memory_space<semaphore_mem>> -> memref<!tpu.dma_semaphore, #tpu.memory_space<semaphore_mem>>
          tpu.enqueue_indirect_dma source(%dma_start3A_272 : memref<10000x128xf32, #tpu.memory_space<hbm>>) target(%dma_start3A_266 : memref<80x128xf32, #tpu.memory_space<vmem>>) offsets(%dma_start3A_269 : memref<80xi32, #tpu.memory_space<vmem>>) semaphore(%dma_start3A_274 : memref<!tpu.dma_semaphore, #tpu.memory_space<semaphore_mem>>)
        } else {
        }
        %dma_start3A_224 = arith.constant 1 : i32
        %dma_start3A_225 = arith.constant 0 : i32
        %dma_start3A_226 = arith.constant 0 : i32
        %dma_start3A_227 = tpu.memref_slice %arg8[%rem3A_189, %dma_start3A_225, %dma_start3A_226] : memref<4x80x128xf32, #tpu.memory_space<vmem>> -> memref<1x80x128xf32, #tpu.memory_space<vmem>>
        %dma_start3A_228 = tpu.memref_squeeze %dma_start3A_227 : memref<1x80x128xf32, #tpu.memory_space<vmem>> -> memref<80x128xf32, #tpu.memory_space<vmem>>
        %dma_start3A_229 = arith.constant 0 : i32
        %dma_start3A_230 = tpu.memref_slice %arg7[%rem3A_191, %dma_start3A_224, %dma_start3A_229] : memref<6x2x80xi32, #tpu.memory_space<vmem>> -> memref<1x1x80xi32, #tpu.memory_space<vmem>>
        %dma_start3A_231 = tpu.memref_squeeze %dma_start3A_230 : memref<1x1x80xi32, #tpu.memory_space<vmem>> -> memref<80xi32, #tpu.memory_space<vmem>>
        %dma_start3A_232 = arith.constant 0 : i32
        %dma_start3A_233 = arith.constant 0 : i32
        %dma_start3A_234 = tpu.memref_slice %arg9[%dma_start3A_232, %dma_start3A_233] : memref<10240x128xf32, #tpu.memory_space<vmem_shared>> -> memref<10240x128xf32, #tpu.memory_space<vmem_shared>>
        tpu.enqueue_indirect_dma source(%dma_start3A_228 : memref<80x128xf32, #tpu.memory_space<vmem>>) target(%dma_start3A_234 : memref<10240x128xf32, #tpu.memory_space<vmem_shared>>) offsets(%dma_start3A_231 : memref<80xi32, #tpu.memory_space<vmem>>) semaphore(%arg12 : memref<!tpu.dma_semaphore, #tpu.memory_space<semaphore_mem>>) {add = true}
        %scan3A_235 = arith.constant 0 : i32
        scf.yield %scan3A_235 : i32
      }
      %scan3A_160 = arith.constant 125 : i32
      %dma_wait3A_161 = arith.constant 0 : i32
      %dma_wait3A_162 = arith.constant 0 : i32
      %dma_wait3A_163 = arith.constant 1 : i32
      %dma_wait3A_164 = arith.constant 0 : i32
      %dma_wait3A_165 = arith.constant 0 : i32
      %dma_wait3A_166 = tpu.memref_slice %arg8[%dma_wait3A_161, %dma_wait3A_164, %dma_wait3A_165] : memref<4x80x128xf32, #tpu.memory_space<vmem>> -> memref<1x80x128xf32, #tpu.memory_space<vmem>>
      %dma_wait3A_167 = tpu.memref_squeeze %dma_wait3A_166 : memref<1x80x128xf32, #tpu.memory_space<vmem>> -> memref<80x128xf32, #tpu.memory_space<vmem>>
      %dma_wait3A_168 = arith.constant 0 : i32
      %dma_wait3A_169 = tpu.memref_slice %arg7[%dma_wait3A_162, %dma_wait3A_163, %dma_wait3A_168] : memref<6x2x80xi32, #tpu.memory_space<vmem>> -> memref<1x1x80xi32, #tpu.memory_space<vmem>>
      %dma_wait3A_170 = tpu.memref_squeeze %dma_wait3A_169 : memref<1x1x80xi32, #tpu.memory_space<vmem>> -> memref<80xi32, #tpu.memory_space<vmem>>
      %dma_wait3A_171 = arith.constant 0 : i32
      %dma_wait3A_172 = arith.constant 0 : i32
      %dma_wait3A_173 = tpu.memref_slice %arg9[%dma_wait3A_171, %dma_wait3A_172] : memref<10240x128xf32, #tpu.memory_space<vmem_shared>> -> memref<10240x128xf32, #tpu.memory_space<vmem_shared>>
      tpu.wait_indirect_dma semaphore(%arg12 : memref<!tpu.dma_semaphore, #tpu.memory_space<semaphore_mem>>) src(%dma_wait3A_167 : memref<80x128xf32, #tpu.memory_space<vmem>>) dst(%dma_wait3A_173 : memref<10240x128xf32, #tpu.memory_space<vmem_shared>>)
      %dma_wait3A_174 = arith.constant 0 : i32
      %dma_wait3A_175 = arith.constant 0 : i32
      %dma_wait3A_176 = arith.constant 1 : i32
      %dma_wait3A_177 = arith.constant 0 : i32
      %dma_wait3A_178 = arith.constant 0 : i32
      %dma_wait3A_179 = tpu.memref_slice %arg8[%dma_wait3A_174, %dma_wait3A_177, %dma_wait3A_178] : memref<4x80x128xf32, #tpu.memory_space<vmem>> -> memref<1x80x128xf32, #tpu.memory_space<vmem>>
      %dma_wait3A_180 = tpu.memref_squeeze %dma_wait3A_179 : memref<1x80x128xf32, #tpu.memory_space<vmem>> -> memref<80x128xf32, #tpu.memory_space<vmem>>
      %dma_wait3A_181 = arith.constant 0 : i32
      %dma_wait3A_182 = tpu.memref_slice %arg7[%dma_wait3A_175, %dma_wait3A_176, %dma_wait3A_181] : memref<6x2x80xi32, #tpu.memory_space<vmem>> -> memref<1x1x80xi32, #tpu.memory_space<vmem>>
      %dma_wait3A_183 = tpu.memref_squeeze %dma_wait3A_182 : memref<1x1x80xi32, #tpu.memory_space<vmem>> -> memref<80xi32, #tpu.memory_space<vmem>>
      %dma_wait3A_184 = arith.constant 0 : i32
      %dma_wait3A_185 = arith.constant 0 : i32
      %dma_wait3A_186 = tpu.memref_slice %arg9[%dma_wait3A_184, %dma_wait3A_185] : memref<10240x128xf32, #tpu.memory_space<vmem_shared>> -> memref<10240x128xf32, #tpu.memory_space<vmem_shared>>
      tpu.wait_indirect_dma semaphore(%arg12 : memref<!tpu.dma_semaphore, #tpu.memory_space<semaphore_mem>>) src(%dma_wait3A_180 : memref<80x128xf32, #tpu.memory_space<vmem>>) dst(%dma_wait3A_186 : memref<10240x128xf32, #tpu.memory_space<vmem_shared>>)
    } else {
    }
    %eq3A_76 = arith.constant 1 : i32
    %eq3A_77 = arith.cmpi eq, %arg0, %eq3A_76 : i32
    %convert_element_type3A_78 = arith.extui %eq3A_77 : i1 to i32
    %cond3A_79 = arith.constant 0 : i32
    %cond3A_80 = arith.cmpi ne, %convert_element_type3A_78, %cond3A_79 : i32
    scf.if %cond3A_80 {
      %dma_wait3A = arith.constant 0 : i32
      %dma_wait3A_88 = arith.constant 0 : i32
      %dma_wait3A_89 = arith.constant 0 : i32
      %dma_wait3A_90 = arith.constant 0 : i32
      %dma_wait3A_91 = tpu.memref_slice %arg7[%dma_wait3A_88, %dma_wait3A_89, %dma_wait3A_90] : memref<6x2x80xi32, #tpu.memory_space<vmem>> -> memref<1x2x80xi32, #tpu.memory_space<vmem>>
      %dma_wait3A_92 = tpu.memref_squeeze %dma_wait3A_91 : memref<1x2x80xi32, #tpu.memory_space<vmem>> -> memref<2x80xi32, #tpu.memory_space<vmem>>
      %dma_wait3A_93 = arith.constant 0 : i32
      %dma_wait3A_94 = arith.constant 0 : i32
      %dma_wait3A_95 = tpu.memref_slice %arg4[%arg1, %dma_wait3A, %dma_wait3A_93, %dma_wait3A_94] : memref<16x125x2x80xi32, #tpu.memory_space<hbm>> -> memref<1x1x2x80xi32, #tpu.memory_space<hbm>>
      %dma_wait3A_96 = tpu.memref_squeeze %dma_wait3A_95 : memref<1x1x2x80xi32, #tpu.memory_space<hbm>> -> memref<2x80xi32, #tpu.memory_space<hbm>>
      %dma_wait3A_97 = arith.constant 0 : i32
      %dma_wait3A_98 = arith.constant 0 : i32
      %dma_wait3A_99 = tpu.memref_slice %arg7[%dma_wait3A_88, %dma_wait3A_97, %dma_wait3A_98] : memref<6x2x80xi32, #tpu.memory_space<vmem>> -> memref<1x2x80xi32, #tpu.memory_space<vmem>>
      %dma_wait3A_100 = tpu.memref_squeeze %dma_wait3A_99 : memref<1x2x80xi32, #tpu.memory_space<vmem>> -> memref<2x80xi32, #tpu.memory_space<vmem>>
      %dma_wait3A_101 = arith.constant 0 : i32
      %dma_wait3A_102 = arith.constant 0 : i32
      %dma_wait3A_103 = tpu.memref_slice %arg4[%arg1, %dma_wait3A, %dma_wait3A_101, %dma_wait3A_102] : memref<16x125x2x80xi32, #tpu.memory_space<hbm>> -> memref<1x1x2x80xi32, #tpu.memory_space<hbm>>
      %dma_wait3A_104 = tpu.memref_squeeze %dma_wait3A_103 : memref<1x1x2x80xi32, #tpu.memory_space<hbm>> -> memref<2x80xi32, #tpu.memory_space<hbm>>
      tpu.wait_dma2 semaphore(%arg11 : memref<!tpu.dma_semaphore, #tpu.memory_space<semaphore_mem>>) src(%dma_wait3A_104 : memref<2x80xi32, #tpu.memory_space<hbm>>) dst(%dma_wait3A_100 : memref<2x80xi32, #tpu.memory_space<vmem>>)
      %dma_start3A_105 = arith.constant 0 : i32
      %dma_start3A_106 = arith.constant 0 : i32
      %dma_start3A_107 = arith.constant 0 : i32
      %dma_start3A_108 = arith.constant 0 : i32
      %dma_start3A_109 = arith.constant 0 : i32
      %dma_start3A_110 = arith.constant 0 : i32
      %dma_start3A_111 = tpu.memref_slice %arg8[%dma_start3A_107, %dma_start3A_109, %dma_start3A_110] : memref<4x80x128xf32, #tpu.memory_space<vmem>> -> memref<1x80x128xf32, #tpu.memory_space<vmem>>
      %dma_start3A_112 = tpu.memref_squeeze %dma_start3A_111 : memref<1x80x128xf32, #tpu.memory_space<vmem>> -> memref<80x128xf32, #tpu.memory_space<vmem>>
      %dma_start3A_113 = arith.constant 0 : i32
      %dma_start3A_114 = tpu.memref_slice %arg7[%dma_start3A_105, %dma_start3A_106, %dma_start3A_113] : memref<6x2x80xi32, #tpu.memory_space<vmem>> -> memref<1x1x80xi32, #tpu.memory_space<vmem>>
      %dma_start3A_115 = tpu.memref_squeeze %dma_start3A_114 : memref<1x1x80xi32, #tpu.memory_space<vmem>> -> memref<80xi32, #tpu.memory_space<vmem>>
      %dma_start3A_116 = arith.constant 0 : i32
      %dma_start3A_117 = arith.constant 0 : i32
      %dma_start3A_118 = tpu.memref_slice %arg3[%dma_start3A_116, %dma_start3A_117] : memref<10000x128xf32, #tpu.memory_space<hbm>> -> memref<10000x128xf32, #tpu.memory_space<hbm>>
      %dma_start3A_119 = tpu.memref_slice %arg10[%dma_start3A_108] : memref<2x!tpu.dma_semaphore, #tpu.memory_space<semaphore_mem>> -> memref<1x!tpu.dma_semaphore, #tpu.memory_space<semaphore_mem>>
      %dma_start3A_120 = tpu.memref_squeeze %dma_start3A_119 : memref<1x!tpu.dma_semaphore, #tpu.memory_space<semaphore_mem>> -> memref<!tpu.dma_semaphore, #tpu.memory_space<semaphore_mem>>
      tpu.enqueue_indirect_dma source(%dma_start3A_118 : memref<10000x128xf32, #tpu.memory_space<hbm>>) target(%dma_start3A_112 : memref<80x128xf32, #tpu.memory_space<vmem>>) offsets(%dma_start3A_115 : memref<80xi32, #tpu.memory_space<vmem>>) semaphore(%dma_start3A_120 : memref<!tpu.dma_semaphore, #tpu.memory_space<semaphore_mem>>)
      %dma_wait3A_121 = arith.constant 1 : i32
      %dma_wait3A_122 = arith.constant 1 : i32
      %dma_wait3A_123 = arith.constant 0 : i32
      %dma_wait3A_124 = arith.constant 0 : i32
      %dma_wait3A_125 = tpu.memref_slice %arg7[%dma_wait3A_122, %dma_wait3A_123, %dma_wait3A_124] : memref<6x2x80xi32, #tpu.memory_space<vmem>> -> memref<1x2x80xi32, #tpu.memory_space<vmem>>
      %dma_wait3A_126 = tpu.memref_squeeze %dma_wait3A_125 : memref<1x2x80xi32, #tpu.memory_space<vmem>> -> memref<2x80xi32, #tpu.memory_space<vmem>>
      %dma_wait3A_127 = arith.constant 0 : i32
      %dma_wait3A_128 = arith.constant 0 : i32
      %dma_wait3A_129 = tpu.memref_slice %arg4[%arg1, %dma_wait3A_121, %dma_wait3A_127, %dma_wait3A_128] : memref<16x125x2x80xi32, #tpu.memory_space<hbm>> -> memref<1x1x2x80xi32, #tpu.memory_space<hbm>>
      %dma_wait3A_130 = tpu.memref_squeeze %dma_wait3A_129 : memref<1x1x2x80xi32, #tpu.memory_space<hbm>> -> memref<2x80xi32, #tpu.memory_space<hbm>>
      %dma_wait3A_131 = arith.constant 0 : i32
      %dma_wait3A_132 = arith.constant 0 : i32
      %dma_wait3A_133 = tpu.memref_slice %arg7[%dma_wait3A_122, %dma_wait3A_131, %dma_wait3A_132] : memref<6x2x80xi32, #tpu.memory_space<vmem>> -> memref<1x2x80xi32, #tpu.memory_space<vmem>>
      %dma_wait3A_134 = tpu.memref_squeeze %dma_wait3A_133 : memref<1x2x80xi32, #tpu.memory_space<vmem>> -> memref<2x80xi32, #tpu.memory_space<vmem>>
      %dma_wait3A_135 = arith.constant 0 : i32
      %dma_wait3A_136 = arith.constant 0 : i32
      %dma_wait3A_137 = tpu.memref_slice %arg4[%arg1, %dma_wait3A_121, %dma_wait3A_135, %dma_wait3A_136] : memref<16x125x2x80xi32, #tpu.memory_space<hbm>> -> memref<1x1x2x80xi32, #tpu.memory_space<hbm>>
      %dma_wait3A_138 = tpu.memref_squeeze %dma_wait3A_137 : memref<1x1x2x80xi32, #tpu.memory_space<hbm>> -> memref<2x80xi32, #tpu.memory_space<hbm>>
      tpu.wait_dma2 semaphore(%arg11 : memref<!tpu.dma_semaphore, #tpu.memory_space<semaphore_mem>>) src(%dma_wait3A_138 : memref<2x80xi32, #tpu.memory_space<hbm>>) dst(%dma_wait3A_134 : memref<2x80xi32, #tpu.memory_space<vmem>>)
      %dma_start3A_139 = arith.constant 1 : i32
      %dma_start3A_140 = arith.constant 0 : i32
      %dma_start3A_141 = arith.constant 1 : i32
      %dma_start3A_142 = arith.constant 1 : i32
      %dma_start3A_143 = arith.constant 0 : i32
      %dma_start3A_144 = arith.constant 0 : i32
      %dma_start3A_145 = tpu.memref_slice %arg8[%dma_start3A_141, %dma_start3A_143, %dma_start3A_144] : memref<4x80x128xf32, #tpu.memory_space<vmem>> -> memref<1x80x128xf32, #tpu.memory_space<vmem>>
      %dma_start3A_146 = tpu.memref_squeeze %dma_start3A_145 : memref<1x80x128xf32, #tpu.memory_space<vmem>> -> memref<80x128xf32, #tpu.memory_space<vmem>>
      %dma_start3A_147 = arith.constant 0 : i32
      %dma_start3A_148 = tpu.memref_slice %arg7[%dma_start3A_139, %dma_start3A_140, %dma_start3A_147] : memref<6x2x80xi32, #tpu.memory_space<vmem>> -> memref<1x1x80xi32, #tpu.memory_space<vmem>>
      %dma_start3A_149 = tpu.memref_squeeze %dma_start3A_148 : memref<1x1x80xi32, #tpu.memory_space<vmem>> -> memref<80xi32, #tpu.memory_space<vmem>>
      %dma_start3A_150 = arith.constant 0 : i32
      %dma_start3A_151 = arith.constant 0 : i32
      %dma_start3A_152 = tpu.memref_slice %arg3[%dma_start3A_150, %dma_start3A_151] : memref<10000x128xf32, #tpu.memory_space<hbm>> -> memref<10000x128xf32, #tpu.memory_space<hbm>>
      %dma_start3A_153 = tpu.memref_slice %arg10[%dma_start3A_142] : memref<2x!tpu.dma_semaphore, #tpu.memory_space<semaphore_mem>> -> memref<1x!tpu.dma_semaphore, #tpu.memory_space<semaphore_mem>>
      %dma_start3A_154 = tpu.memref_squeeze %dma_start3A_153 : memref<1x!tpu.dma_semaphore, #tpu.memory_space<semaphore_mem>> -> memref<!tpu.dma_semaphore, #tpu.memory_space<semaphore_mem>>
      tpu.enqueue_indirect_dma source(%dma_start3A_152 : memref<10000x128xf32, #tpu.memory_space<hbm>>) target(%dma_start3A_146 : memref<80x128xf32, #tpu.memory_space<vmem>>) offsets(%dma_start3A_149 : memref<80xi32, #tpu.memory_space<vmem>>) semaphore(%dma_start3A_154 : memref<!tpu.dma_semaphore, #tpu.memory_space<semaphore_mem>>)
      %scan3A = arith.constant 0 : i32
      %scan3A_155 = arith.constant 0 : i32
      %scan3A_156 = arith.constant 125 : i32
      %scan3A_157 = arith.addi %scan3A_155, %scan3A_156 : i32
      %scan3A_158 = arith.constant 1 : i32
      %scan3A_159 = scf.for %scan3A_187 = %scan3A_155 to %scan3A_157 step %scan3A_158 iter_args(%scan3A_188 = %scan3A) -> (i32)  : i32 {
        %rem3A = arith.constant 4 : i32
        %rem3A_189 = arith.remsi %scan3A_187, %rem3A : i32
        %rem3A_190 = arith.constant 6 : i32
        %rem3A_191 = arith.remsi %scan3A_187, %rem3A_190 : i32
        %rem3A_192 = arith.constant 2 : i32
        %rem3A_193 = arith.remsi %scan3A_187, %rem3A_192 : i32
        %dma_wait3A_194 = arith.constant 0 : i32
        %dma_wait3A_195 = arith.constant 0 : i32
        %dma_wait3A_196 = arith.constant 0 : i32
        %dma_wait3A_197 = tpu.memref_slice %arg8[%rem3A_189, %dma_wait3A_195, %dma_wait3A_196] : memref<4x80x128xf32, #tpu.memory_space<vmem>> -> memref<1x80x128xf32, #tpu.memory_space<vmem>>
        %dma_wait3A_198 = tpu.memref_squeeze %dma_wait3A_197 : memref<1x80x128xf32, #tpu.memory_space<vmem>> -> memref<80x128xf32, #tpu.memory_space<vmem>>
        %dma_wait3A_199 = arith.constant 0 : i32
        %dma_wait3A_200 = tpu.memref_slice %arg7[%rem3A_191, %dma_wait3A_194, %dma_wait3A_199] : memref<6x2x80xi32, #tpu.memory_space<vmem>> -> memref<1x1x80xi32, #tpu.memory_space<vmem>>
        %dma_wait3A_201 = tpu.memref_squeeze %dma_wait3A_200 : memref<1x1x80xi32, #tpu.memory_space<vmem>> -> memref<80xi32, #tpu.memory_space<vmem>>
        %dma_wait3A_202 = arith.constant 0 : i32
        %dma_wait3A_203 = arith.constant 0 : i32
        %dma_wait3A_204 = tpu.memref_slice %arg3[%dma_wait3A_202, %dma_wait3A_203] : memref<10000x128xf32, #tpu.memory_space<hbm>> -> memref<10000x128xf32, #tpu.memory_space<hbm>>
        %dma_wait3A_205 = tpu.memref_slice %arg10[%rem3A_193] : memref<2x!tpu.dma_semaphore, #tpu.memory_space<semaphore_mem>> -> memref<1x!tpu.dma_semaphore, #tpu.memory_space<semaphore_mem>>
        %dma_wait3A_206 = tpu.memref_squeeze %dma_wait3A_205 : memref<1x!tpu.dma_semaphore, #tpu.memory_space<semaphore_mem>> -> memref<!tpu.dma_semaphore, #tpu.memory_space<semaphore_mem>>
        tpu.wait_indirect_dma semaphore(%dma_wait3A_206 : memref<!tpu.dma_semaphore, #tpu.memory_space<semaphore_mem>>) src(%dma_wait3A_204 : memref<10000x128xf32, #tpu.memory_space<hbm>>) dst(%dma_wait3A_198 : memref<80x128xf32, #tpu.memory_space<vmem>>)
        %ge3A = arith.constant 2 : i32
        %ge3A_207 = arith.cmpi sge, %scan3A_187, %ge3A : i32
        %convert_element_type3A_208 = arith.extui %ge3A_207 : i1 to i32
        %cond3A_209 = arith.constant 0 : i32
        %cond3A_210 = arith.cmpi ne, %convert_element_type3A_208, %cond3A_209 : i32
        scf.if %cond3A_210 {
          %dma_wait3A_236 = arith.constant 1 : i32
          %dma_wait3A_237 = arith.constant 0 : i32
          %dma_wait3A_238 = arith.constant 0 : i32
          %dma_wait3A_239 = tpu.memref_slice %arg8[%rem3A_189, %dma_wait3A_237, %dma_wait3A_238] : memref<4x80x128xf32, #tpu.memory_space<vmem>> -> memref<1x80x128xf32, #tpu.memory_space<vmem>>
          %dma_wait3A_240 = tpu.memref_squeeze %dma_wait3A_239 : memref<1x80x128xf32, #tpu.memory_space<vmem>> -> memref<80x128xf32, #tpu.memory_space<vmem>>
          %dma_wait3A_241 = arith.constant 0 : i32
          %dma_wait3A_242 = tpu.memref_slice %arg7[%rem3A_191, %dma_wait3A_236, %dma_wait3A_241] : memref<6x2x80xi32, #tpu.memory_space<vmem>> -> memref<1x1x80xi32, #tpu.memory_space<vmem>>
          %dma_wait3A_243 = tpu.memref_squeeze %dma_wait3A_242 : memref<1x1x80xi32, #tpu.memory_space<vmem>> -> memref<80xi32, #tpu.memory_space<vmem>>
          %dma_wait3A_244 = arith.constant 0 : i32
          %dma_wait3A_245 = arith.constant 0 : i32
          %dma_wait3A_246 = tpu.memref_slice %arg9[%dma_wait3A_244, %dma_wait3A_245] : memref<10240x128xf32, #tpu.memory_space<vmem_shared>> -> memref<10240x128xf32, #tpu.memory_space<vmem_shared>>
          tpu.wait_indirect_dma semaphore(%arg12 : memref<!tpu.dma_semaphore, #tpu.memory_space<semaphore_mem>>) src(%dma_wait3A_240 : memref<80x128xf32, #tpu.memory_space<vmem>>) dst(%dma_wait3A_246 : memref<10240x128xf32, #tpu.memory_space<vmem_shared>>)
        } else {
        }
        %add3A_211 = arith.constant 4 : i32
        %add3A_212 = arith.addi %scan3A_187, %add3A_211 : i32
        %lt3A = arith.constant 125 : i32
        %lt3A_213 = arith.cmpi slt, %add3A_212, %lt3A : i32
        %convert_element_type3A_214 = arith.extui %lt3A_213 : i1 to i32
        %cond3A_215 = arith.constant 0 : i32
        %cond3A_216 = arith.cmpi ne, %convert_element_type3A_214, %cond3A_215 : i32
        scf.if %cond3A_216 {
          %add3A_236 = arith.constant 4 : i32
          %add3A_237 = arith.addi %scan3A_187, %add3A_236 : i32
          %add3A_238 = arith.constant 4 : i32
          %add3A_239 = arith.addi %scan3A_187, %add3A_238 : i32
          %rem3A_240 = arith.constant 6 : i32
          %rem3A_241 = arith.remsi %add3A_239, %rem3A_240 : i32
          %dma_start3A_242 = arith.constant 0 : i32
          %dma_start3A_243 = arith.constant 0 : i32
          %dma_start3A_244 = tpu.memref_slice %arg7[%rem3A_241, %dma_start3A_242, %dma_start3A_243] : memref<6x2x80xi32, #tpu.memory_space<vmem>> -> memref<1x2x80xi32, #tpu.memory_space<vmem>>
          %dma_start3A_245 = tpu.memref_squeeze %dma_start3A_244 : memref<1x2x80xi32, #tpu.memory_space<vmem>> -> memref<2x80xi32, #tpu.memory_space<vmem>>
          %dma_start3A_246 = arith.constant 0 : i32
          %dma_start3A_247 = arith.constant 0 : i32
          %dma_start3A_248 = tpu.memref_slice %arg4[%arg1, %add3A_237, %dma_start3A_246, %dma_start3A_247] : memref<16x125x2x80xi32, #tpu.memory_space<hbm>> -> memref<1x1x2x80xi32, #tpu.memory_space<hbm>>
          %dma_start3A_249 = tpu.memref_squeeze %dma_start3A_248 : memref<1x1x2x80xi32, #tpu.memory_space<hbm>> -> memref<2x80xi32, #tpu.memory_space<hbm>>
          %dma_start3A_250 = arith.constant 0 : i32
          %dma_start3A_251 = arith.constant 0 : i32
          %dma_start3A_252 = tpu.memref_slice %arg7[%rem3A_241, %dma_start3A_250, %dma_start3A_251] : memref<6x2x80xi32, #tpu.memory_space<vmem>> -> memref<1x2x80xi32, #tpu.memory_space<vmem>>
          %dma_start3A_253 = tpu.memref_squeeze %dma_start3A_252 : memref<1x2x80xi32, #tpu.memory_space<vmem>> -> memref<2x80xi32, #tpu.memory_space<vmem>>
          %dma_start3A_254 = arith.constant 0 : i32
          %dma_start3A_255 = arith.constant 0 : i32
          %dma_start3A_256 = tpu.memref_slice %arg4[%arg1, %add3A_237, %dma_start3A_254, %dma_start3A_255] : memref<16x125x2x80xi32, #tpu.memory_space<hbm>> -> memref<1x1x2x80xi32, #tpu.memory_space<hbm>>
          %dma_start3A_257 = tpu.memref_squeeze %dma_start3A_256 : memref<1x1x2x80xi32, #tpu.memory_space<hbm>> -> memref<2x80xi32, #tpu.memory_space<hbm>>
          tpu.enqueue_dma source(%dma_start3A_257 : memref<2x80xi32, #tpu.memory_space<hbm>>) target(%dma_start3A_253 : memref<2x80xi32, #tpu.memory_space<vmem>>) target_semaphore(%arg11 : memref<!tpu.dma_semaphore, #tpu.memory_space<semaphore_mem>>)
        } else {
        }
        %add3A_217 = arith.constant 2 : i32
        %add3A_218 = arith.addi %scan3A_187, %add3A_217 : i32
        %lt3A_219 = arith.constant 125 : i32
        %lt3A_220 = arith.cmpi slt, %add3A_218, %lt3A_219 : i32
        %convert_element_type3A_221 = arith.extui %lt3A_220 : i1 to i32
        %cond3A_222 = arith.constant 0 : i32
        %cond3A_223 = arith.cmpi ne, %convert_element_type3A_221, %cond3A_222 : i32
        scf.if %cond3A_223 {
          %add3A_236 = arith.constant 2 : i32
          %add3A_237 = arith.addi %scan3A_187, %add3A_236 : i32
          %rem3A_238 = arith.constant 6 : i32
          %rem3A_239 = arith.remsi %add3A_237, %rem3A_238 : i32
          %add3A_240 = arith.constant 2 : i32
          %add3A_241 = arith.addi %scan3A_187, %add3A_240 : i32
          %dma_wait3A_242 = arith.constant 0 : i32
          %dma_wait3A_243 = arith.constant 0 : i32
          %dma_wait3A_244 = tpu.memref_slice %arg7[%rem3A_239, %dma_wait3A_242, %dma_wait3A_243] : memref<6x2x80xi32, #tpu.memory_space<vmem>> -> memref<1x2x80xi32, #tpu.memory_space<vmem>>
          %dma_wait3A_245 = tpu.memref_squeeze %dma_wait3A_244 : memref<1x2x80xi32, #tpu.memory_space<vmem>> -> memref<2x80xi32, #tpu.memory_space<vmem>>
          %dma_wait3A_246 = arith.constant 0 : i32
          %dma_wait3A_247 = arith.constant 0 : i32
          %dma_wait3A_248 = tpu.memref_slice %arg4[%arg1, %add3A_241, %dma_wait3A_246, %dma_wait3A_247] : memref<16x125x2x80xi32, #tpu.memory_space<hbm>> -> memref<1x1x2x80xi32, #tpu.memory_space<hbm>>
          %dma_wait3A_249 = tpu.memref_squeeze %dma_wait3A_248 : memref<1x1x2x80xi32, #tpu.memory_space<hbm>> -> memref<2x80xi32, #tpu.memory_space<hbm>>
          %dma_wait3A_250 = arith.constant 0 : i32
          %dma_wait3A_251 = arith.constant 0 : i32
          %dma_wait3A_252 = tpu.memref_slice %arg7[%rem3A_239, %dma_wait3A_250, %dma_wait3A_251] : memref<6x2x80xi32, #tpu.memory_space<vmem>> -> memref<1x2x80xi32, #tpu.memory_space<vmem>>
          %dma_wait3A_253 = tpu.memref_squeeze %dma_wait3A_252 : memref<1x2x80xi32, #tpu.memory_space<vmem>> -> memref<2x80xi32, #tpu.memory_space<vmem>>
          %dma_wait3A_254 = arith.constant 0 : i32
          %dma_wait3A_255 = arith.constant 0 : i32
          %dma_wait3A_256 = tpu.memref_slice %arg4[%arg1, %add3A_241, %dma_wait3A_254, %dma_wait3A_255] : memref<16x125x2x80xi32, #tpu.memory_space<hbm>> -> memref<1x1x2x80xi32, #tpu.memory_space<hbm>>
          %dma_wait3A_257 = tpu.memref_squeeze %dma_wait3A_256 : memref<1x1x2x80xi32, #tpu.memory_space<hbm>> -> memref<2x80xi32, #tpu.memory_space<hbm>>
          tpu.wait_dma2 semaphore(%arg11 : memref<!tpu.dma_semaphore, #tpu.memory_space<semaphore_mem>>) src(%dma_wait3A_257 : memref<2x80xi32, #tpu.memory_space<hbm>>) dst(%dma_wait3A_253 : memref<2x80xi32, #tpu.memory_space<vmem>>)
          %add3A_258 = arith.constant 2 : i32
          %add3A_259 = arith.addi %scan3A_187, %add3A_258 : i32
          %rem3A_260 = arith.constant 4 : i32
          %rem3A_261 = arith.remsi %add3A_259, %rem3A_260 : i32
          %dma_start3A_262 = arith.constant 0 : i32
          %dma_start3A_263 = arith.constant 0 : i32
          %dma_start3A_264 = arith.constant 0 : i32
          %dma_start3A_265 = tpu.memref_slice %arg8[%rem3A_261, %dma_start3A_263, %dma_start3A_264] : memref<4x80x128xf32, #tpu.memory_space<vmem>> -> memref<1x80x128xf32, #tpu.memory_space<vmem>>
          %dma_start3A_266 = tpu.memref_squeeze %dma_start3A_265 : memref<1x80x128xf32, #tpu.memory_space<vmem>> -> memref<80x128xf32, #tpu.memory_space<vmem>>
          %dma_start3A_267 = arith.constant 0 : i32
          %dma_start3A_268 = tpu.memref_slice %arg7[%rem3A_239, %dma_start3A_262, %dma_start3A_267] : memref<6x2x80xi32, #tpu.memory_space<vmem>> -> memref<1x1x80xi32, #tpu.memory_space<vmem>>
          %dma_start3A_269 = tpu.memref_squeeze %dma_start3A_268 : memref<1x1x80xi32, #tpu.memory_space<vmem>> -> memref<80xi32, #tpu.memory_space<vmem>>
          %dma_start3A_270 = arith.constant 0 : i32
          %dma_start3A_271 = arith.constant 0 : i32
          %dma_start3A_272 = tpu.memref_slice %arg3[%dma_start3A_270, %dma_start3A_271] : memref<10000x128xf32, #tpu.memory_space<hbm>> -> memref<10000x128xf32, #tpu.memory_space<hbm>>
          %dma_start3A_273 = tpu.memref_slice %arg10[%rem3A_193] : memref<2x!tpu.dma_semaphore, #tpu.memory_space<semaphore_mem>> -> memref<1x!tpu.dma_semaphore, #tpu.memory_space<semaphore_mem>>
          %dma_start3A_274 = tpu.memref_squeeze %dma_start3A_273 : memref<1x!tpu.dma_semaphore, #tpu.memory_space<semaphore_mem>> -> memref<!tpu.dma_semaphore, #tpu.memory_space<semaphore_mem>>
          tpu.enqueue_indirect_dma source(%dma_start3A_272 : memref<10000x128xf32, #tpu.memory_space<hbm>>) target(%dma_start3A_266 : memref<80x128xf32, #tpu.memory_space<vmem>>) offsets(%dma_start3A_269 : memref<80xi32, #tpu.memory_space<vmem>>) semaphore(%dma_start3A_274 : memref<!tpu.dma_semaphore, #tpu.memory_space<semaphore_mem>>)
        } else {
        }
        %dma_start3A_224 = arith.constant 1 : i32
        %dma_start3A_225 = arith.constant 0 : i32
        %dma_start3A_226 = arith.constant 0 : i32
        %dma_start3A_227 = tpu.memref_slice %arg8[%rem3A_189, %dma_start3A_225, %dma_start3A_226] : memref<4x80x128xf32, #tpu.memory_space<vmem>> -> memref<1x80x128xf32, #tpu.memory_space<vmem>>
        %dma_start3A_228 = tpu.memref_squeeze %dma_start3A_227 : memref<1x80x128xf32, #tpu.memory_space<vmem>> -> memref<80x128xf32, #tpu.memory_space<vmem>>
        %dma_start3A_229 = arith.constant 0 : i32
        %dma_start3A_230 = tpu.memref_slice %arg7[%rem3A_191, %dma_start3A_224, %dma_start3A_229] : memref<6x2x80xi32, #tpu.memory_space<vmem>> -> memref<1x1x80xi32, #tpu.memory_space<vmem>>
        %dma_start3A_231 = tpu.memref_squeeze %dma_start3A_230 : memref<1x1x80xi32, #tpu.memory_space<vmem>> -> memref<80xi32, #tpu.memory_space<vmem>>
        %dma_start3A_232 = arith.constant 0 : i32
        %dma_start3A_233 = arith.constant 0 : i32
        %dma_start3A_234 = tpu.memref_slice %arg9[%dma_start3A_232, %dma_start3A_233] : memref<10240x128xf32, #tpu.memory_space<vmem_shared>> -> memref<10240x128xf32, #tpu.memory_space<vmem_shared>>
        tpu.enqueue_indirect_dma source(%dma_start3A_228 : memref<80x128xf32, #tpu.memory_space<vmem>>) target(%dma_start3A_234 : memref<10240x128xf32, #tpu.memory_space<vmem_shared>>) offsets(%dma_start3A_231 : memref<80xi32, #tpu.memory_space<vmem>>) semaphore(%arg12 : memref<!tpu.dma_semaphore, #tpu.memory_space<semaphore_mem>>) {add = true}
        %scan3A_235 = arith.constant 0 : i32
        scf.yield %scan3A_235 : i32
      }
      %scan3A_160 = arith.constant 125 : i32
      %dma_wait3A_161 = arith.constant 0 : i32
      %dma_wait3A_162 = arith.constant 0 : i32
      %dma_wait3A_163 = arith.constant 1 : i32
      %dma_wait3A_164 = arith.constant 0 : i32
      %dma_wait3A_165 = arith.constant 0 : i32
      %dma_wait3A_166 = tpu.memref_slice %arg8[%dma_wait3A_161, %dma_wait3A_164, %dma_wait3A_165] : memref<4x80x128xf32, #tpu.memory_space<vmem>> -> memref<1x80x128xf32, #tpu.memory_space<vmem>>
      %dma_wait3A_167 = tpu.memref_squeeze %dma_wait3A_166 : memref<1x80x128xf32, #tpu.memory_space<vmem>> -> memref<80x128xf32, #tpu.memory_space<vmem>>
      %dma_wait3A_168 = arith.constant 0 : i32
      %dma_wait3A_169 = tpu.memref_slice %arg7[%dma_wait3A_162, %dma_wait3A_163, %dma_wait3A_168] : memref<6x2x80xi32, #tpu.memory_space<vmem>> -> memref<1x1x80xi32, #tpu.memory_space<vmem>>
      %dma_wait3A_170 = tpu.memref_squeeze %dma_wait3A_169 : memref<1x1x80xi32, #tpu.memory_space<vmem>> -> memref<80xi32, #tpu.memory_space<vmem>>
      %dma_wait3A_171 = arith.constant 0 : i32
      %dma_wait3A_172 = arith.constant 0 : i32
      %dma_wait3A_173 = tpu.memref_slice %arg9[%dma_wait3A_171, %dma_wait3A_172] : memref<10240x128xf32, #tpu.memory_space<vmem_shared>> -> memref<10240x128xf32, #tpu.memory_space<vmem_shared>>
      tpu.wait_indirect_dma semaphore(%arg12 : memref<!tpu.dma_semaphore, #tpu.memory_space<semaphore_mem>>) src(%dma_wait3A_167 : memref<80x128xf32, #tpu.memory_space<vmem>>) dst(%dma_wait3A_173 : memref<10240x128xf32, #tpu.memory_space<vmem_shared>>)
      %dma_wait3A_174 = arith.constant 0 : i32
      %dma_wait3A_175 = arith.constant 0 : i32
      %dma_wait3A_176 = arith.constant 1 : i32
      %dma_wait3A_177 = arith.constant 0 : i32
      %dma_wait3A_178 = arith.constant 0 : i32
      %dma_wait3A_179 = tpu.memref_slice %arg8[%dma_wait3A_174, %dma_wait3A_177, %dma_wait3A_178] : memref<4x80x128xf32, #tpu.memory_space<vmem>> -> memref<1x80x128xf32, #tpu.memory_space<vmem>>
      %dma_wait3A_180 = tpu.memref_squeeze %dma_wait3A_179 : memref<1x80x128xf32, #tpu.memory_space<vmem>> -> memref<80x128xf32, #tpu.memory_space<vmem>>
      %dma_wait3A_181 = arith.constant 0 : i32
      %dma_wait3A_182 = tpu.memref_slice %arg7[%dma_wait3A_175, %dma_wait3A_176, %dma_wait3A_181] : memref<6x2x80xi32, #tpu.memory_space<vmem>> -> memref<1x1x80xi32, #tpu.memory_space<vmem>>
      %dma_wait3A_183 = tpu.memref_squeeze %dma_wait3A_182 : memref<1x1x80xi32, #tpu.memory_space<vmem>> -> memref<80xi32, #tpu.memory_space<vmem>>
      %dma_wait3A_184 = arith.constant 0 : i32
      %dma_wait3A_185 = arith.constant 0 : i32
      %dma_wait3A_186 = tpu.memref_slice %arg9[%dma_wait3A_184, %dma_wait3A_185] : memref<10240x128xf32, #tpu.memory_space<vmem_shared>> -> memref<10240x128xf32, #tpu.memory_space<vmem_shared>>
      tpu.wait_indirect_dma semaphore(%arg12 : memref<!tpu.dma_semaphore, #tpu.memory_space<semaphore_mem>>) src(%dma_wait3A_180 : memref<80x128xf32, #tpu.memory_space<vmem>>) dst(%dma_wait3A_186 : memref<10240x128xf32, #tpu.memory_space<vmem_shared>>)
    } else {
    }
    %barrier3A_81 = arith.constant 0 : index
    tpu.barrier barrier_id(%barrier3A_81)
    %mul3A_82 = arith.constant 640 : i32
    %mul3A_83 = arith.muli %arg1, %mul3A_82 : i32
    %mul3A_84 = arith.constant 10240 : i32
    %mul3A_85 = arith.muli %arg0, %mul3A_84 : i32
    %mul3A_86 = arith.constant 640 : i32
    %mul3A_87 = arith.muli %arg1, %mul3A_86 : i32
    %add3A = arith.addi %mul3A_85, %mul3A_87 : i32
    "tpu.region"() ({
      %run_scoped3A = tpu.sem_alloc : memref<!tpu.dma_semaphore, #tpu.memory_space<semaphore_mem>>
      %dma_start3A_88 = arith.constant 0 : i32
      %dma_start3A_89 = tpu.memref_slice %arg6[%add3A, %dma_start3A_88] : memref<20480x128xf32, #tpu.memory_space<hbm>> -> memref<640x128xf32, #tpu.memory_space<hbm>>
      %dma_start3A_90 = arith.constant 0 : i32
      %dma_start3A_91 = tpu.memref_slice %arg9[%mul3A_83, %dma_start3A_90] : memref<10240x128xf32, #tpu.memory_space<vmem_shared>> -> memref<640x128xf32, #tpu.memory_space<vmem_shared>>
      tpu.enqueue_dma source(%dma_start3A_91 : memref<640x128xf32, #tpu.memory_space<vmem_shared>>) target(%dma_start3A_89 : memref<640x128xf32, #tpu.memory_space<hbm>>) target_semaphore(%run_scoped3A : memref<!tpu.dma_semaphore, #tpu.memory_space<semaphore_mem>>)
      %dma_wait3A = arith.constant 0 : i32
      %dma_wait3A_92 = tpu.memref_slice %arg6[%add3A, %dma_wait3A] : memref<20480x128xf32, #tpu.memory_space<hbm>> -> memref<640x128xf32, #tpu.memory_space<hbm>>
      %dma_wait3A_93 = arith.constant 0 : i32
      %dma_wait3A_94 = tpu.memref_slice %arg9[%mul3A_83, %dma_wait3A_93] : memref<10240x128xf32, #tpu.memory_space<vmem_shared>> -> memref<640x128xf32, #tpu.memory_space<vmem_shared>>
      tpu.wait_dma2 semaphore(%run_scoped3A : memref<!tpu.dma_semaphore, #tpu.memory_space<semaphore_mem>>) src(%dma_wait3A_94 : memref<640x128xf32, #tpu.memory_space<vmem_shared>>) dst(%dma_wait3A_92 : memref<640x128xf32, #tpu.memory_space<hbm>>)
      tpu.yield
    }) : () -> ()
    return
  }
}

#map = affine_map<(d0, d1) -> (0, 0)>
#map1 = affine_map<(d0, d1) -> (0, 0, 0, 0)>
module attributes {stable_mosaic.version = 14 : i64} {
  func.func @_segsum_sc(%arg0: i32, %arg1: i32, %arg2: memref<10000x128xf32, #tpu.memory_space<hbm>>, %arg3: memref<10000x128xf32, #tpu.memory_space<hbm>>, %arg4: memref<16x125x2x80xi32, #tpu.memory_space<hbm>>, %arg5: memref<10240x128xf32, #tpu.memory_space<hbm>>, %arg6: memref<20480x128xf32, #tpu.memory_space<hbm>>, %arg7: memref<6x2x80xi32, #tpu.memory_space<vmem>>, %arg8: memref<4x80x128xf32, #tpu.memory_space<vmem>>, %arg9: memref<10240x128xf32, #tpu.memory_space<vmem_shared>>, %arg10: memref<2x!tpu.dma_semaphore, #tpu.memory_space<semaphore_mem>>, %arg11: memref<!tpu.dma_semaphore, #tpu.memory_space<semaphore_mem>>, %arg12: memref<!tpu.dma_semaphore, #tpu.memory_space<semaphore_mem>>) attributes {dimension_semantics = [#tpu.dimension_semantics<core_parallel>, #tpu.dimension_semantics<subcore_parallel>], iteration_bounds = array<i64: 2, 16>, scalar_prefetch = 0 : i64, scratch_operands = 6 : i64, tpu.core_type = #tpu.core_type<sc_vector_subcore>, window_params = [{transform_indices = #map}, {transform_indices = #map}, {transform_indices = #map1}, {transform_indices = #map}, {transform_indices = #map}]} {
    %mul3A = arith.constant 640 : i32
    %mul3A_0 = arith.muli %arg1, %mul3A : i32
    %mul3A_1 = arith.constant 640 : i32
    %mul3A_2 = arith.muli %arg1, %mul3A_1 : i32
    "tpu.region"() ({
      %run_scoped3A = tpu.sem_alloc : memref<!tpu.dma_semaphore, #tpu.memory_space<semaphore_mem>>
      %dma_start3A_88 = arith.constant 0 : i32
      %dma_start3A_89 = tpu.memref_slice %arg9[%mul3A_2, %dma_start3A_88] : memref<10240x128xf32, #tpu.memory_space<vmem_shared>> -> memref<640x128xf32, #tpu.memory_space<vmem_shared>>
      %dma_start3A_90 = arith.constant 0 : i32
      %dma_start3A_91 = tpu.memref_slice %arg5[%mul3A_0, %dma_start3A_90] : memref<10240x128xf32, #tpu.memory_space<hbm>> -> memref<640x128xf32, #tpu.memory_space<hbm>>
      tpu.enqueue_dma source(%dma_start3A_91 : memref<640x128xf32, #tpu.memory_space<hbm>>) target(%dma_start3A_89 : memref<640x128xf32, #tpu.memory_space<vmem_shared>>) target_semaphore(%run_scoped3A : memref<!tpu.dma_semaphore, #tpu.memory_space<semaphore_mem>>)
      %dma_wait3A = arith.constant 0 : i32
      %dma_wait3A_92 = tpu.memref_slice %arg9[%mul3A_2, %dma_wait3A] : memref<10240x128xf32, #tpu.memory_space<vmem_shared>> -> memref<640x128xf32, #tpu.memory_space<vmem_shared>>
      %dma_wait3A_93 = arith.constant 0 : i32
      %dma_wait3A_94 = tpu.memref_slice %arg5[%mul3A_0, %dma_wait3A_93] : memref<10240x128xf32, #tpu.memory_space<hbm>> -> memref<640x128xf32, #tpu.memory_space<hbm>>
      tpu.wait_dma2 semaphore(%run_scoped3A : memref<!tpu.dma_semaphore, #tpu.memory_space<semaphore_mem>>) src(%dma_wait3A_94 : memref<640x128xf32, #tpu.memory_space<hbm>>) dst(%dma_wait3A_92 : memref<640x128xf32, #tpu.memory_space<vmem_shared>>)
      tpu.yield
    }) : () -> ()
    %dma_start3A = arith.constant 0 : i32
    %dma_start3A_3 = arith.constant 0 : i32
    %dma_start3A_4 = arith.constant 0 : i32
    %dma_start3A_5 = arith.constant 0 : i32
    %dma_start3A_6 = tpu.memref_slice %arg7[%dma_start3A_3, %dma_start3A_4, %dma_start3A_5] : memref<6x2x80xi32, #tpu.memory_space<vmem>> -> memref<1x2x80xi32, #tpu.memory_space<vmem>>
    %dma_start3A_7 = tpu.memref_squeeze %dma_start3A_6 : memref<1x2x80xi32, #tpu.memory_space<vmem>> -> memref<2x80xi32, #tpu.memory_space<vmem>>
    %dma_start3A_8 = arith.constant 0 : i32
    %dma_start3A_9 = arith.constant 0 : i32
    %dma_start3A_10 = tpu.memref_slice %arg4[%arg1, %dma_start3A, %dma_start3A_8, %dma_start3A_9] : memref<16x125x2x80xi32, #tpu.memory_space<hbm>> -> memref<1x1x2x80xi32, #tpu.memory_space<hbm>>
    %dma_start3A_11 = tpu.memref_squeeze %dma_start3A_10 : memref<1x1x2x80xi32, #tpu.memory_space<hbm>> -> memref<2x80xi32, #tpu.memory_space<hbm>>
    %dma_start3A_12 = arith.constant 0 : i32
    %dma_start3A_13 = arith.constant 0 : i32
    %dma_start3A_14 = tpu.memref_slice %arg7[%dma_start3A_3, %dma_start3A_12, %dma_start3A_13] : memref<6x2x80xi32, #tpu.memory_space<vmem>> -> memref<1x2x80xi32, #tpu.memory_space<vmem>>
    %dma_start3A_15 = tpu.memref_squeeze %dma_start3A_14 : memref<1x2x80xi32, #tpu.memory_space<vmem>> -> memref<2x80xi32, #tpu.memory_space<vmem>>
    %dma_start3A_16 = arith.constant 0 : i32
    %dma_start3A_17 = arith.constant 0 : i32
    %dma_start3A_18 = tpu.memref_slice %arg4[%arg1, %dma_start3A, %dma_start3A_16, %dma_start3A_17] : memref<16x125x2x80xi32, #tpu.memory_space<hbm>> -> memref<1x1x2x80xi32, #tpu.memory_space<hbm>>
    %dma_start3A_19 = tpu.memref_squeeze %dma_start3A_18 : memref<1x1x2x80xi32, #tpu.memory_space<hbm>> -> memref<2x80xi32, #tpu.memory_space<hbm>>
    tpu.enqueue_dma source(%dma_start3A_19 : memref<2x80xi32, #tpu.memory_space<hbm>>) target(%dma_start3A_15 : memref<2x80xi32, #tpu.memory_space<vmem>>) target_semaphore(%arg11 : memref<!tpu.dma_semaphore, #tpu.memory_space<semaphore_mem>>)
    %dma_start3A_20 = arith.constant 1 : i32
    %dma_start3A_21 = arith.constant 1 : i32
    %dma_start3A_22 = arith.constant 0 : i32
    %dma_start3A_23 = arith.constant 0 : i32
    %dma_start3A_24 = tpu.memref_slice %arg7[%dma_start3A_21, %dma_start3A_22, %dma_start3A_23] : memref<6x2x80xi32, #tpu.memory_space<vmem>> -> memref<1x2x80xi32, #tpu.memory_space<vmem>>
    %dma_start3A_25 = tpu.memref_squeeze %dma_start3A_24 : memref<1x2x80xi32, #tpu.memory_space<vmem>> -> memref<2x80xi32, #tpu.memory_space<vmem>>
    %dma_start3A_26 = arith.constant 0 : i32
    %dma_start3A_27 = arith.constant 0 : i32
    %dma_start3A_28 = tpu.memref_slice %arg4[%arg1, %dma_start3A_20, %dma_start3A_26, %dma_start3A_27] : memref<16x125x2x80xi32, #tpu.memory_space<hbm>> -> memref<1x1x2x80xi32, #tpu.memory_space<hbm>>
    %dma_start3A_29 = tpu.memref_squeeze %dma_start3A_28 : memref<1x1x2x80xi32, #tpu.memory_space<hbm>> -> memref<2x80xi32, #tpu.memory_space<hbm>>
    %dma_start3A_30 = arith.constant 0 : i32
    %dma_start3A_31 = arith.constant 0 : i32
    %dma_start3A_32 = tpu.memref_slice %arg7[%dma_start3A_21, %dma_start3A_30, %dma_start3A_31] : memref<6x2x80xi32, #tpu.memory_space<vmem>> -> memref<1x2x80xi32, #tpu.memory_space<vmem>>
    %dma_start3A_33 = tpu.memref_squeeze %dma_start3A_32 : memref<1x2x80xi32, #tpu.memory_space<vmem>> -> memref<2x80xi32, #tpu.memory_space<vmem>>
    %dma_start3A_34 = arith.constant 0 : i32
    %dma_start3A_35 = arith.constant 0 : i32
    %dma_start3A_36 = tpu.memref_slice %arg4[%arg1, %dma_start3A_20, %dma_start3A_34, %dma_start3A_35] : memref<16x125x2x80xi32, #tpu.memory_space<hbm>> -> memref<1x1x2x80xi32, #tpu.memory_space<hbm>>
    %dma_start3A_37 = tpu.memref_squeeze %dma_start3A_36 : memref<1x1x2x80xi32, #tpu.memory_space<hbm>> -> memref<2x80xi32, #tpu.memory_space<hbm>>
    tpu.enqueue_dma source(%dma_start3A_37 : memref<2x80xi32, #tpu.memory_space<hbm>>) target(%dma_start3A_33 : memref<2x80xi32, #tpu.memory_space<vmem>>) target_semaphore(%arg11 : memref<!tpu.dma_semaphore, #tpu.memory_space<semaphore_mem>>)
    %dma_start3A_38 = arith.constant 2 : i32
    %dma_start3A_39 = arith.constant 2 : i32
    %dma_start3A_40 = arith.constant 0 : i32
    %dma_start3A_41 = arith.constant 0 : i32
    %dma_start3A_42 = tpu.memref_slice %arg7[%dma_start3A_39, %dma_start3A_40, %dma_start3A_41] : memref<6x2x80xi32, #tpu.memory_space<vmem>> -> memref<1x2x80xi32, #tpu.memory_space<vmem>>
    %dma_start3A_43 = tpu.memref_squeeze %dma_start3A_42 : memref<1x2x80xi32, #tpu.memory_space<vmem>> -> memref<2x80xi32, #tpu.memory_space<vmem>>
    %dma_start3A_44 = arith.constant 0 : i32
    %dma_start3A_45 = arith.constant 0 : i32
    %dma_start3A_46 = tpu.memref_slice %arg4[%arg1, %dma_start3A_38, %dma_start3A_44, %dma_start3A_45] : memref<16x125x2x80xi32, #tpu.memory_space<hbm>> -> memref<1x1x2x80xi32, #tpu.memory_space<hbm>>
    %dma_start3A_47 = tpu.memref_squeeze %dma_start3A_46 : memref<1x1x2x80xi32, #tpu.memory_space<hbm>> -> memref<2x80xi32, #tpu.memory_space<hbm>>
    %dma_start3A_48 = arith.constant 0 : i32
    %dma_start3A_49 = arith.constant 0 : i32
    %dma_start3A_50 = tpu.memref_slice %arg7[%dma_start3A_39, %dma_start3A_48, %dma_start3A_49] : memref<6x2x80xi32, #tpu.memory_space<vmem>> -> memref<1x2x80xi32, #tpu.memory_space<vmem>>
    %dma_start3A_51 = tpu.memref_squeeze %dma_start3A_50 : memref<1x2x80xi32, #tpu.memory_space<vmem>> -> memref<2x80xi32, #tpu.memory_space<vmem>>
    %dma_start3A_52 = arith.constant 0 : i32
    %dma_start3A_53 = arith.constant 0 : i32
    %dma_start3A_54 = tpu.memref_slice %arg4[%arg1, %dma_start3A_38, %dma_start3A_52, %dma_start3A_53] : memref<16x125x2x80xi32, #tpu.memory_space<hbm>> -> memref<1x1x2x80xi32, #tpu.memory_space<hbm>>
    %dma_start3A_55 = tpu.memref_squeeze %dma_start3A_54 : memref<1x1x2x80xi32, #tpu.memory_space<hbm>> -> memref<2x80xi32, #tpu.memory_space<hbm>>
    tpu.enqueue_dma source(%dma_start3A_55 : memref<2x80xi32, #tpu.memory_space<hbm>>) target(%dma_start3A_51 : memref<2x80xi32, #tpu.memory_space<vmem>>) target_semaphore(%arg11 : memref<!tpu.dma_semaphore, #tpu.memory_space<semaphore_mem>>)
    %dma_start3A_56 = arith.constant 3 : i32
    %dma_start3A_57 = arith.constant 3 : i32
    %dma_start3A_58 = arith.constant 0 : i32
    %dma_start3A_59 = arith.constant 0 : i32
    %dma_start3A_60 = tpu.memref_slice %arg7[%dma_start3A_57, %dma_start3A_58, %dma_start3A_59] : memref<6x2x80xi32, #tpu.memory_space<vmem>> -> memref<1x2x80xi32, #tpu.memory_space<vmem>>
    %dma_start3A_61 = tpu.memref_squeeze %dma_start3A_60 : memref<1x2x80xi32, #tpu.memory_space<vmem>> -> memref<2x80xi32, #tpu.memory_space<vmem>>
    %dma_start3A_62 = arith.constant 0 : i32
    %dma_start3A_63 = arith.constant 0 : i32
    %dma_start3A_64 = tpu.memref_slice %arg4[%arg1, %dma_start3A_56, %dma_start3A_62, %dma_start3A_63] : memref<16x125x2x80xi32, #tpu.memory_space<hbm>> -> memref<1x1x2x80xi32, #tpu.memory_space<hbm>>
    %dma_start3A_65 = tpu.memref_squeeze %dma_start3A_64 : memref<1x1x2x80xi32, #tpu.memory_space<hbm>> -> memref<2x80xi32, #tpu.memory_space<hbm>>
    %dma_start3A_66 = arith.constant 0 : i32
    %dma_start3A_67 = arith.constant 0 : i32
    %dma_start3A_68 = tpu.memref_slice %arg7[%dma_start3A_57, %dma_start3A_66, %dma_start3A_67] : memref<6x2x80xi32, #tpu.memory_space<vmem>> -> memref<1x2x80xi32, #tpu.memory_space<vmem>>
    %dma_start3A_69 = tpu.memref_squeeze %dma_start3A_68 : memref<1x2x80xi32, #tpu.memory_space<vmem>> -> memref<2x80xi32, #tpu.memory_space<vmem>>
    %dma_start3A_70 = arith.constant 0 : i32
    %dma_start3A_71 = arith.constant 0 : i32
    %dma_start3A_72 = tpu.memref_slice %arg4[%arg1, %dma_start3A_56, %dma_start3A_70, %dma_start3A_71] : memref<16x125x2x80xi32, #tpu.memory_space<hbm>> -> memref<1x1x2x80xi32, #tpu.memory_space<hbm>>
    %dma_start3A_73 = tpu.memref_squeeze %dma_start3A_72 : memref<1x1x2x80xi32, #tpu.memory_space<hbm>> -> memref<2x80xi32, #tpu.memory_space<hbm>>
    tpu.enqueue_dma source(%dma_start3A_73 : memref<2x80xi32, #tpu.memory_space<hbm>>) target(%dma_start3A_69 : memref<2x80xi32, #tpu.memory_space<vmem>>) target_semaphore(%arg11 : memref<!tpu.dma_semaphore, #tpu.memory_space<semaphore_mem>>)
    %barrier3A = arith.constant 0 : index
    tpu.barrier barrier_id(%barrier3A)
    %eq3A = arith.constant 0 : i32
    %eq3A_74 = arith.cmpi eq, %arg0, %eq3A : i32
    %convert_element_type3A = arith.extui %eq3A_74 : i1 to i32
    %cond3A = arith.constant 0 : i32
    %cond3A_75 = arith.cmpi ne, %convert_element_type3A, %cond3A : i32
    scf.if %cond3A_75 {
      %dma_wait3A = arith.constant 0 : i32
      %dma_wait3A_88 = arith.constant 0 : i32
      %dma_wait3A_89 = arith.constant 0 : i32
      %dma_wait3A_90 = arith.constant 0 : i32
      %dma_wait3A_91 = tpu.memref_slice %arg7[%dma_wait3A_88, %dma_wait3A_89, %dma_wait3A_90] : memref<6x2x80xi32, #tpu.memory_space<vmem>> -> memref<1x2x80xi32, #tpu.memory_space<vmem>>
      %dma_wait3A_92 = tpu.memref_squeeze %dma_wait3A_91 : memref<1x2x80xi32, #tpu.memory_space<vmem>> -> memref<2x80xi32, #tpu.memory_space<vmem>>
      %dma_wait3A_93 = arith.constant 0 : i32
      %dma_wait3A_94 = arith.constant 0 : i32
      %dma_wait3A_95 = tpu.memref_slice %arg4[%arg1, %dma_wait3A, %dma_wait3A_93, %dma_wait3A_94] : memref<16x125x2x80xi32, #tpu.memory_space<hbm>> -> memref<1x1x2x80xi32, #tpu.memory_space<hbm>>
      %dma_wait3A_96 = tpu.memref_squeeze %dma_wait3A_95 : memref<1x1x2x80xi32, #tpu.memory_space<hbm>> -> memref<2x80xi32, #tpu.memory_space<hbm>>
      %dma_wait3A_97 = arith.constant 0 : i32
      %dma_wait3A_98 = arith.constant 0 : i32
      %dma_wait3A_99 = tpu.memref_slice %arg7[%dma_wait3A_88, %dma_wait3A_97, %dma_wait3A_98] : memref<6x2x80xi32, #tpu.memory_space<vmem>> -> memref<1x2x80xi32, #tpu.memory_space<vmem>>
      %dma_wait3A_100 = tpu.memref_squeeze %dma_wait3A_99 : memref<1x2x80xi32, #tpu.memory_space<vmem>> -> memref<2x80xi32, #tpu.memory_space<vmem>>
      %dma_wait3A_101 = arith.constant 0 : i32
      %dma_wait3A_102 = arith.constant 0 : i32
      %dma_wait3A_103 = tpu.memref_slice %arg4[%arg1, %dma_wait3A, %dma_wait3A_101, %dma_wait3A_102] : memref<16x125x2x80xi32, #tpu.memory_space<hbm>> -> memref<1x1x2x80xi32, #tpu.memory_space<hbm>>
      %dma_wait3A_104 = tpu.memref_squeeze %dma_wait3A_103 : memref<1x1x2x80xi32, #tpu.memory_space<hbm>> -> memref<2x80xi32, #tpu.memory_space<hbm>>
      tpu.wait_dma2 semaphore(%arg11 : memref<!tpu.dma_semaphore, #tpu.memory_space<semaphore_mem>>) src(%dma_wait3A_104 : memref<2x80xi32, #tpu.memory_space<hbm>>) dst(%dma_wait3A_100 : memref<2x80xi32, #tpu.memory_space<vmem>>)
      %dma_start3A_105 = arith.constant 0 : i32
      %dma_start3A_106 = arith.constant 0 : i32
      %dma_start3A_107 = arith.constant 0 : i32
      %dma_start3A_108 = arith.constant 0 : i32
      %dma_start3A_109 = arith.constant 0 : i32
      %dma_start3A_110 = arith.constant 0 : i32
      %dma_start3A_111 = tpu.memref_slice %arg8[%dma_start3A_107, %dma_start3A_109, %dma_start3A_110] : memref<4x80x128xf32, #tpu.memory_space<vmem>> -> memref<1x80x128xf32, #tpu.memory_space<vmem>>
      %dma_start3A_112 = tpu.memref_squeeze %dma_start3A_111 : memref<1x80x128xf32, #tpu.memory_space<vmem>> -> memref<80x128xf32, #tpu.memory_space<vmem>>
      %dma_start3A_113 = arith.constant 0 : i32
      %dma_start3A_114 = tpu.memref_slice %arg7[%dma_start3A_105, %dma_start3A_106, %dma_start3A_113] : memref<6x2x80xi32, #tpu.memory_space<vmem>> -> memref<1x1x80xi32, #tpu.memory_space<vmem>>
      %dma_start3A_115 = tpu.memref_squeeze %dma_start3A_114 : memref<1x1x80xi32, #tpu.memory_space<vmem>> -> memref<80xi32, #tpu.memory_space<vmem>>
      %dma_start3A_116 = arith.constant 0 : i32
      %dma_start3A_117 = arith.constant 0 : i32
      %dma_start3A_118 = tpu.memref_slice %arg2[%dma_start3A_116, %dma_start3A_117] : memref<10000x128xf32, #tpu.memory_space<hbm>> -> memref<10000x128xf32, #tpu.memory_space<hbm>>
      %dma_start3A_119 = tpu.memref_slice %arg10[%dma_start3A_108] : memref<2x!tpu.dma_semaphore, #tpu.memory_space<semaphore_mem>> -> memref<1x!tpu.dma_semaphore, #tpu.memory_space<semaphore_mem>>
      %dma_start3A_120 = tpu.memref_squeeze %dma_start3A_119 : memref<1x!tpu.dma_semaphore, #tpu.memory_space<semaphore_mem>> -> memref<!tpu.dma_semaphore, #tpu.memory_space<semaphore_mem>>
      tpu.enqueue_indirect_dma source(%dma_start3A_118 : memref<10000x128xf32, #tpu.memory_space<hbm>>) target(%dma_start3A_112 : memref<80x128xf32, #tpu.memory_space<vmem>>) offsets(%dma_start3A_115 : memref<80xi32, #tpu.memory_space<vmem>>) semaphore(%dma_start3A_120 : memref<!tpu.dma_semaphore, #tpu.memory_space<semaphore_mem>>)
      %dma_wait3A_121 = arith.constant 1 : i32
      %dma_wait3A_122 = arith.constant 1 : i32
      %dma_wait3A_123 = arith.constant 0 : i32
      %dma_wait3A_124 = arith.constant 0 : i32
      %dma_wait3A_125 = tpu.memref_slice %arg7[%dma_wait3A_122, %dma_wait3A_123, %dma_wait3A_124] : memref<6x2x80xi32, #tpu.memory_space<vmem>> -> memref<1x2x80xi32, #tpu.memory_space<vmem>>
      %dma_wait3A_126 = tpu.memref_squeeze %dma_wait3A_125 : memref<1x2x80xi32, #tpu.memory_space<vmem>> -> memref<2x80xi32, #tpu.memory_space<vmem>>
      %dma_wait3A_127 = arith.constant 0 : i32
      %dma_wait3A_128 = arith.constant 0 : i32
      %dma_wait3A_129 = tpu.memref_slice %arg4[%arg1, %dma_wait3A_121, %dma_wait3A_127, %dma_wait3A_128] : memref<16x125x2x80xi32, #tpu.memory_space<hbm>> -> memref<1x1x2x80xi32, #tpu.memory_space<hbm>>
      %dma_wait3A_130 = tpu.memref_squeeze %dma_wait3A_129 : memref<1x1x2x80xi32, #tpu.memory_space<hbm>> -> memref<2x80xi32, #tpu.memory_space<hbm>>
      %dma_wait3A_131 = arith.constant 0 : i32
      %dma_wait3A_132 = arith.constant 0 : i32
      %dma_wait3A_133 = tpu.memref_slice %arg7[%dma_wait3A_122, %dma_wait3A_131, %dma_wait3A_132] : memref<6x2x80xi32, #tpu.memory_space<vmem>> -> memref<1x2x80xi32, #tpu.memory_space<vmem>>
      %dma_wait3A_134 = tpu.memref_squeeze %dma_wait3A_133 : memref<1x2x80xi32, #tpu.memory_space<vmem>> -> memref<2x80xi32, #tpu.memory_space<vmem>>
      %dma_wait3A_135 = arith.constant 0 : i32
      %dma_wait3A_136 = arith.constant 0 : i32
      %dma_wait3A_137 = tpu.memref_slice %arg4[%arg1, %dma_wait3A_121, %dma_wait3A_135, %dma_wait3A_136] : memref<16x125x2x80xi32, #tpu.memory_space<hbm>> -> memref<1x1x2x80xi32, #tpu.memory_space<hbm>>
      %dma_wait3A_138 = tpu.memref_squeeze %dma_wait3A_137 : memref<1x1x2x80xi32, #tpu.memory_space<hbm>> -> memref<2x80xi32, #tpu.memory_space<hbm>>
      tpu.wait_dma2 semaphore(%arg11 : memref<!tpu.dma_semaphore, #tpu.memory_space<semaphore_mem>>) src(%dma_wait3A_138 : memref<2x80xi32, #tpu.memory_space<hbm>>) dst(%dma_wait3A_134 : memref<2x80xi32, #tpu.memory_space<vmem>>)
      %dma_start3A_139 = arith.constant 1 : i32
      %dma_start3A_140 = arith.constant 0 : i32
      %dma_start3A_141 = arith.constant 1 : i32
      %dma_start3A_142 = arith.constant 1 : i32
      %dma_start3A_143 = arith.constant 0 : i32
      %dma_start3A_144 = arith.constant 0 : i32
      %dma_start3A_145 = tpu.memref_slice %arg8[%dma_start3A_141, %dma_start3A_143, %dma_start3A_144] : memref<4x80x128xf32, #tpu.memory_space<vmem>> -> memref<1x80x128xf32, #tpu.memory_space<vmem>>
      %dma_start3A_146 = tpu.memref_squeeze %dma_start3A_145 : memref<1x80x128xf32, #tpu.memory_space<vmem>> -> memref<80x128xf32, #tpu.memory_space<vmem>>
      %dma_start3A_147 = arith.constant 0 : i32
      %dma_start3A_148 = tpu.memref_slice %arg7[%dma_start3A_139, %dma_start3A_140, %dma_start3A_147] : memref<6x2x80xi32, #tpu.memory_space<vmem>> -> memref<1x1x80xi32, #tpu.memory_space<vmem>>
      %dma_start3A_149 = tpu.memref_squeeze %dma_start3A_148 : memref<1x1x80xi32, #tpu.memory_space<vmem>> -> memref<80xi32, #tpu.memory_space<vmem>>
      %dma_start3A_150 = arith.constant 0 : i32
      %dma_start3A_151 = arith.constant 0 : i32
      %dma_start3A_152 = tpu.memref_slice %arg2[%dma_start3A_150, %dma_start3A_151] : memref<10000x128xf32, #tpu.memory_space<hbm>> -> memref<10000x128xf32, #tpu.memory_space<hbm>>
      %dma_start3A_153 = tpu.memref_slice %arg10[%dma_start3A_142] : memref<2x!tpu.dma_semaphore, #tpu.memory_space<semaphore_mem>> -> memref<1x!tpu.dma_semaphore, #tpu.memory_space<semaphore_mem>>
      %dma_start3A_154 = tpu.memref_squeeze %dma_start3A_153 : memref<1x!tpu.dma_semaphore, #tpu.memory_space<semaphore_mem>> -> memref<!tpu.dma_semaphore, #tpu.memory_space<semaphore_mem>>
      tpu.enqueue_indirect_dma source(%dma_start3A_152 : memref<10000x128xf32, #tpu.memory_space<hbm>>) target(%dma_start3A_146 : memref<80x128xf32, #tpu.memory_space<vmem>>) offsets(%dma_start3A_149 : memref<80xi32, #tpu.memory_space<vmem>>) semaphore(%dma_start3A_154 : memref<!tpu.dma_semaphore, #tpu.memory_space<semaphore_mem>>)
      %scan3A = arith.constant 0 : i32
      %scan3A_155 = arith.constant 0 : i32
      %scan3A_156 = arith.constant 125 : i32
      %scan3A_157 = arith.addi %scan3A_155, %scan3A_156 : i32
      %scan3A_158 = arith.constant 1 : i32
      %scan3A_159 = scf.for %scan3A_187 = %scan3A_155 to %scan3A_157 step %scan3A_158 iter_args(%scan3A_188 = %scan3A) -> (i32)  : i32 {
        %rem3A = arith.constant 4 : i32
        %rem3A_189 = arith.remsi %scan3A_187, %rem3A : i32
        %rem3A_190 = arith.constant 6 : i32
        %rem3A_191 = arith.remsi %scan3A_187, %rem3A_190 : i32
        %rem3A_192 = arith.constant 2 : i32
        %rem3A_193 = arith.remsi %scan3A_187, %rem3A_192 : i32
        %dma_wait3A_194 = arith.constant 0 : i32
        %dma_wait3A_195 = arith.constant 0 : i32
        %dma_wait3A_196 = arith.constant 0 : i32
        %dma_wait3A_197 = tpu.memref_slice %arg8[%rem3A_189, %dma_wait3A_195, %dma_wait3A_196] : memref<4x80x128xf32, #tpu.memory_space<vmem>> -> memref<1x80x128xf32, #tpu.memory_space<vmem>>
        %dma_wait3A_198 = tpu.memref_squeeze %dma_wait3A_197 : memref<1x80x128xf32, #tpu.memory_space<vmem>> -> memref<80x128xf32, #tpu.memory_space<vmem>>
        %dma_wait3A_199 = arith.constant 0 : i32
        %dma_wait3A_200 = tpu.memref_slice %arg7[%rem3A_191, %dma_wait3A_194, %dma_wait3A_199] : memref<6x2x80xi32, #tpu.memory_space<vmem>> -> memref<1x1x80xi32, #tpu.memory_space<vmem>>
        %dma_wait3A_201 = tpu.memref_squeeze %dma_wait3A_200 : memref<1x1x80xi32, #tpu.memory_space<vmem>> -> memref<80xi32, #tpu.memory_space<vmem>>
        %dma_wait3A_202 = arith.constant 0 : i32
        %dma_wait3A_203 = arith.constant 0 : i32
        %dma_wait3A_204 = tpu.memref_slice %arg2[%dma_wait3A_202, %dma_wait3A_203] : memref<10000x128xf32, #tpu.memory_space<hbm>> -> memref<10000x128xf32, #tpu.memory_space<hbm>>
        %dma_wait3A_205 = tpu.memref_slice %arg10[%rem3A_193] : memref<2x!tpu.dma_semaphore, #tpu.memory_space<semaphore_mem>> -> memref<1x!tpu.dma_semaphore, #tpu.memory_space<semaphore_mem>>
        %dma_wait3A_206 = tpu.memref_squeeze %dma_wait3A_205 : memref<1x!tpu.dma_semaphore, #tpu.memory_space<semaphore_mem>> -> memref<!tpu.dma_semaphore, #tpu.memory_space<semaphore_mem>>
        tpu.wait_indirect_dma semaphore(%dma_wait3A_206 : memref<!tpu.dma_semaphore, #tpu.memory_space<semaphore_mem>>) src(%dma_wait3A_204 : memref<10000x128xf32, #tpu.memory_space<hbm>>) dst(%dma_wait3A_198 : memref<80x128xf32, #tpu.memory_space<vmem>>)
        %ge3A = arith.constant 2 : i32
        %ge3A_207 = arith.cmpi sge, %scan3A_187, %ge3A : i32
        %convert_element_type3A_208 = arith.extui %ge3A_207 : i1 to i32
        %cond3A_209 = arith.constant 0 : i32
        %cond3A_210 = arith.cmpi ne, %convert_element_type3A_208, %cond3A_209 : i32
        scf.if %cond3A_210 {
          %dma_wait3A_236 = arith.constant 1 : i32
          %dma_wait3A_237 = arith.constant 0 : i32
          %dma_wait3A_238 = arith.constant 0 : i32
          %dma_wait3A_239 = tpu.memref_slice %arg8[%rem3A_189, %dma_wait3A_237, %dma_wait3A_238] : memref<4x80x128xf32, #tpu.memory_space<vmem>> -> memref<1x80x128xf32, #tpu.memory_space<vmem>>
          %dma_wait3A_240 = tpu.memref_squeeze %dma_wait3A_239 : memref<1x80x128xf32, #tpu.memory_space<vmem>> -> memref<80x128xf32, #tpu.memory_space<vmem>>
          %dma_wait3A_241 = arith.constant 0 : i32
          %dma_wait3A_242 = tpu.memref_slice %arg7[%rem3A_191, %dma_wait3A_236, %dma_wait3A_241] : memref<6x2x80xi32, #tpu.memory_space<vmem>> -> memref<1x1x80xi32, #tpu.memory_space<vmem>>
          %dma_wait3A_243 = tpu.memref_squeeze %dma_wait3A_242 : memref<1x1x80xi32, #tpu.memory_space<vmem>> -> memref<80xi32, #tpu.memory_space<vmem>>
          %dma_wait3A_244 = arith.constant 0 : i32
          %dma_wait3A_245 = arith.constant 0 : i32
          %dma_wait3A_246 = tpu.memref_slice %arg9[%dma_wait3A_244, %dma_wait3A_245] : memref<10240x128xf32, #tpu.memory_space<vmem_shared>> -> memref<10240x128xf32, #tpu.memory_space<vmem_shared>>
          tpu.wait_indirect_dma semaphore(%arg12 : memref<!tpu.dma_semaphore, #tpu.memory_space<semaphore_mem>>) src(%dma_wait3A_240 : memref<80x128xf32, #tpu.memory_space<vmem>>) dst(%dma_wait3A_246 : memref<10240x128xf32, #tpu.memory_space<vmem_shared>>)
        } else {
        }
        %add3A_211 = arith.constant 4 : i32
        %add3A_212 = arith.addi %scan3A_187, %add3A_211 : i32
        %lt3A = arith.constant 125 : i32
        %lt3A_213 = arith.cmpi slt, %add3A_212, %lt3A : i32
        %convert_element_type3A_214 = arith.extui %lt3A_213 : i1 to i32
        %cond3A_215 = arith.constant 0 : i32
        %cond3A_216 = arith.cmpi ne, %convert_element_type3A_214, %cond3A_215 : i32
        scf.if %cond3A_216 {
          %add3A_236 = arith.constant 4 : i32
          %add3A_237 = arith.addi %scan3A_187, %add3A_236 : i32
          %add3A_238 = arith.constant 4 : i32
          %add3A_239 = arith.addi %scan3A_187, %add3A_238 : i32
          %rem3A_240 = arith.constant 6 : i32
          %rem3A_241 = arith.remsi %add3A_239, %rem3A_240 : i32
          %dma_start3A_242 = arith.constant 0 : i32
          %dma_start3A_243 = arith.constant 0 : i32
          %dma_start3A_244 = tpu.memref_slice %arg7[%rem3A_241, %dma_start3A_242, %dma_start3A_243] : memref<6x2x80xi32, #tpu.memory_space<vmem>> -> memref<1x2x80xi32, #tpu.memory_space<vmem>>
          %dma_start3A_245 = tpu.memref_squeeze %dma_start3A_244 : memref<1x2x80xi32, #tpu.memory_space<vmem>> -> memref<2x80xi32, #tpu.memory_space<vmem>>
          %dma_start3A_246 = arith.constant 0 : i32
          %dma_start3A_247 = arith.constant 0 : i32
          %dma_start3A_248 = tpu.memref_slice %arg4[%arg1, %add3A_237, %dma_start3A_246, %dma_start3A_247] : memref<16x125x2x80xi32, #tpu.memory_space<hbm>> -> memref<1x1x2x80xi32, #tpu.memory_space<hbm>>
          %dma_start3A_249 = tpu.memref_squeeze %dma_start3A_248 : memref<1x1x2x80xi32, #tpu.memory_space<hbm>> -> memref<2x80xi32, #tpu.memory_space<hbm>>
          %dma_start3A_250 = arith.constant 0 : i32
          %dma_start3A_251 = arith.constant 0 : i32
          %dma_start3A_252 = tpu.memref_slice %arg7[%rem3A_241, %dma_start3A_250, %dma_start3A_251] : memref<6x2x80xi32, #tpu.memory_space<vmem>> -> memref<1x2x80xi32, #tpu.memory_space<vmem>>
          %dma_start3A_253 = tpu.memref_squeeze %dma_start3A_252 : memref<1x2x80xi32, #tpu.memory_space<vmem>> -> memref<2x80xi32, #tpu.memory_space<vmem>>
          %dma_start3A_254 = arith.constant 0 : i32
          %dma_start3A_255 = arith.constant 0 : i32
          %dma_start3A_256 = tpu.memref_slice %arg4[%arg1, %add3A_237, %dma_start3A_254, %dma_start3A_255] : memref<16x125x2x80xi32, #tpu.memory_space<hbm>> -> memref<1x1x2x80xi32, #tpu.memory_space<hbm>>
          %dma_start3A_257 = tpu.memref_squeeze %dma_start3A_256 : memref<1x1x2x80xi32, #tpu.memory_space<hbm>> -> memref<2x80xi32, #tpu.memory_space<hbm>>
          tpu.enqueue_dma source(%dma_start3A_257 : memref<2x80xi32, #tpu.memory_space<hbm>>) target(%dma_start3A_253 : memref<2x80xi32, #tpu.memory_space<vmem>>) target_semaphore(%arg11 : memref<!tpu.dma_semaphore, #tpu.memory_space<semaphore_mem>>)
        } else {
        }
        %add3A_217 = arith.constant 2 : i32
        %add3A_218 = arith.addi %scan3A_187, %add3A_217 : i32
        %lt3A_219 = arith.constant 125 : i32
        %lt3A_220 = arith.cmpi slt, %add3A_218, %lt3A_219 : i32
        %convert_element_type3A_221 = arith.extui %lt3A_220 : i1 to i32
        %cond3A_222 = arith.constant 0 : i32
        %cond3A_223 = arith.cmpi ne, %convert_element_type3A_221, %cond3A_222 : i32
        scf.if %cond3A_223 {
          %add3A_236 = arith.constant 2 : i32
          %add3A_237 = arith.addi %scan3A_187, %add3A_236 : i32
          %rem3A_238 = arith.constant 6 : i32
          %rem3A_239 = arith.remsi %add3A_237, %rem3A_238 : i32
          %add3A_240 = arith.constant 2 : i32
          %add3A_241 = arith.addi %scan3A_187, %add3A_240 : i32
          %dma_wait3A_242 = arith.constant 0 : i32
          %dma_wait3A_243 = arith.constant 0 : i32
          %dma_wait3A_244 = tpu.memref_slice %arg7[%rem3A_239, %dma_wait3A_242, %dma_wait3A_243] : memref<6x2x80xi32, #tpu.memory_space<vmem>> -> memref<1x2x80xi32, #tpu.memory_space<vmem>>
          %dma_wait3A_245 = tpu.memref_squeeze %dma_wait3A_244 : memref<1x2x80xi32, #tpu.memory_space<vmem>> -> memref<2x80xi32, #tpu.memory_space<vmem>>
          %dma_wait3A_246 = arith.constant 0 : i32
          %dma_wait3A_247 = arith.constant 0 : i32
          %dma_wait3A_248 = tpu.memref_slice %arg4[%arg1, %add3A_241, %dma_wait3A_246, %dma_wait3A_247] : memref<16x125x2x80xi32, #tpu.memory_space<hbm>> -> memref<1x1x2x80xi32, #tpu.memory_space<hbm>>
          %dma_wait3A_249 = tpu.memref_squeeze %dma_wait3A_248 : memref<1x1x2x80xi32, #tpu.memory_space<hbm>> -> memref<2x80xi32, #tpu.memory_space<hbm>>
          %dma_wait3A_250 = arith.constant 0 : i32
          %dma_wait3A_251 = arith.constant 0 : i32
          %dma_wait3A_252 = tpu.memref_slice %arg7[%rem3A_239, %dma_wait3A_250, %dma_wait3A_251] : memref<6x2x80xi32, #tpu.memory_space<vmem>> -> memref<1x2x80xi32, #tpu.memory_space<vmem>>
          %dma_wait3A_253 = tpu.memref_squeeze %dma_wait3A_252 : memref<1x2x80xi32, #tpu.memory_space<vmem>> -> memref<2x80xi32, #tpu.memory_space<vmem>>
          %dma_wait3A_254 = arith.constant 0 : i32
          %dma_wait3A_255 = arith.constant 0 : i32
          %dma_wait3A_256 = tpu.memref_slice %arg4[%arg1, %add3A_241, %dma_wait3A_254, %dma_wait3A_255] : memref<16x125x2x80xi32, #tpu.memory_space<hbm>> -> memref<1x1x2x80xi32, #tpu.memory_space<hbm>>
          %dma_wait3A_257 = tpu.memref_squeeze %dma_wait3A_256 : memref<1x1x2x80xi32, #tpu.memory_space<hbm>> -> memref<2x80xi32, #tpu.memory_space<hbm>>
          tpu.wait_dma2 semaphore(%arg11 : memref<!tpu.dma_semaphore, #tpu.memory_space<semaphore_mem>>) src(%dma_wait3A_257 : memref<2x80xi32, #tpu.memory_space<hbm>>) dst(%dma_wait3A_253 : memref<2x80xi32, #tpu.memory_space<vmem>>)
          %add3A_258 = arith.constant 2 : i32
          %add3A_259 = arith.addi %scan3A_187, %add3A_258 : i32
          %rem3A_260 = arith.constant 4 : i32
          %rem3A_261 = arith.remsi %add3A_259, %rem3A_260 : i32
          %dma_start3A_262 = arith.constant 0 : i32
          %dma_start3A_263 = arith.constant 0 : i32
          %dma_start3A_264 = arith.constant 0 : i32
          %dma_start3A_265 = tpu.memref_slice %arg8[%rem3A_261, %dma_start3A_263, %dma_start3A_264] : memref<4x80x128xf32, #tpu.memory_space<vmem>> -> memref<1x80x128xf32, #tpu.memory_space<vmem>>
          %dma_start3A_266 = tpu.memref_squeeze %dma_start3A_265 : memref<1x80x128xf32, #tpu.memory_space<vmem>> -> memref<80x128xf32, #tpu.memory_space<vmem>>
          %dma_start3A_267 = arith.constant 0 : i32
          %dma_start3A_268 = tpu.memref_slice %arg7[%rem3A_239, %dma_start3A_262, %dma_start3A_267] : memref<6x2x80xi32, #tpu.memory_space<vmem>> -> memref<1x1x80xi32, #tpu.memory_space<vmem>>
          %dma_start3A_269 = tpu.memref_squeeze %dma_start3A_268 : memref<1x1x80xi32, #tpu.memory_space<vmem>> -> memref<80xi32, #tpu.memory_space<vmem>>
          %dma_start3A_270 = arith.constant 0 : i32
          %dma_start3A_271 = arith.constant 0 : i32
          %dma_start3A_272 = tpu.memref_slice %arg2[%dma_start3A_270, %dma_start3A_271] : memref<10000x128xf32, #tpu.memory_space<hbm>> -> memref<10000x128xf32, #tpu.memory_space<hbm>>
          %dma_start3A_273 = tpu.memref_slice %arg10[%rem3A_193] : memref<2x!tpu.dma_semaphore, #tpu.memory_space<semaphore_mem>> -> memref<1x!tpu.dma_semaphore, #tpu.memory_space<semaphore_mem>>
          %dma_start3A_274 = tpu.memref_squeeze %dma_start3A_273 : memref<1x!tpu.dma_semaphore, #tpu.memory_space<semaphore_mem>> -> memref<!tpu.dma_semaphore, #tpu.memory_space<semaphore_mem>>
          tpu.enqueue_indirect_dma source(%dma_start3A_272 : memref<10000x128xf32, #tpu.memory_space<hbm>>) target(%dma_start3A_266 : memref<80x128xf32, #tpu.memory_space<vmem>>) offsets(%dma_start3A_269 : memref<80xi32, #tpu.memory_space<vmem>>) semaphore(%dma_start3A_274 : memref<!tpu.dma_semaphore, #tpu.memory_space<semaphore_mem>>)
        } else {
        }
        %dma_start3A_224 = arith.constant 1 : i32
        %dma_start3A_225 = arith.constant 0 : i32
        %dma_start3A_226 = arith.constant 0 : i32
        %dma_start3A_227 = tpu.memref_slice %arg8[%rem3A_189, %dma_start3A_225, %dma_start3A_226] : memref<4x80x128xf32, #tpu.memory_space<vmem>> -> memref<1x80x128xf32, #tpu.memory_space<vmem>>
        %dma_start3A_228 = tpu.memref_squeeze %dma_start3A_227 : memref<1x80x128xf32, #tpu.memory_space<vmem>> -> memref<80x128xf32, #tpu.memory_space<vmem>>
        %dma_start3A_229 = arith.constant 0 : i32
        %dma_start3A_230 = tpu.memref_slice %arg7[%rem3A_191, %dma_start3A_224, %dma_start3A_229] : memref<6x2x80xi32, #tpu.memory_space<vmem>> -> memref<1x1x80xi32, #tpu.memory_space<vmem>>
        %dma_start3A_231 = tpu.memref_squeeze %dma_start3A_230 : memref<1x1x80xi32, #tpu.memory_space<vmem>> -> memref<80xi32, #tpu.memory_space<vmem>>
        %dma_start3A_232 = arith.constant 0 : i32
        %dma_start3A_233 = arith.constant 0 : i32
        %dma_start3A_234 = tpu.memref_slice %arg9[%dma_start3A_232, %dma_start3A_233] : memref<10240x128xf32, #tpu.memory_space<vmem_shared>> -> memref<10240x128xf32, #tpu.memory_space<vmem_shared>>
        tpu.enqueue_indirect_dma source(%dma_start3A_228 : memref<80x128xf32, #tpu.memory_space<vmem>>) target(%dma_start3A_234 : memref<10240x128xf32, #tpu.memory_space<vmem_shared>>) offsets(%dma_start3A_231 : memref<80xi32, #tpu.memory_space<vmem>>) semaphore(%arg12 : memref<!tpu.dma_semaphore, #tpu.memory_space<semaphore_mem>>) {add = true}
        %scan3A_235 = arith.constant 0 : i32
        scf.yield %scan3A_235 : i32
      }
      %scan3A_160 = arith.constant 125 : i32
      %dma_wait3A_161 = arith.constant 0 : i32
      %dma_wait3A_162 = arith.constant 0 : i32
      %dma_wait3A_163 = arith.constant 1 : i32
      %dma_wait3A_164 = arith.constant 0 : i32
      %dma_wait3A_165 = arith.constant 0 : i32
      %dma_wait3A_166 = tpu.memref_slice %arg8[%dma_wait3A_161, %dma_wait3A_164, %dma_wait3A_165] : memref<4x80x128xf32, #tpu.memory_space<vmem>> -> memref<1x80x128xf32, #tpu.memory_space<vmem>>
      %dma_wait3A_167 = tpu.memref_squeeze %dma_wait3A_166 : memref<1x80x128xf32, #tpu.memory_space<vmem>> -> memref<80x128xf32, #tpu.memory_space<vmem>>
      %dma_wait3A_168 = arith.constant 0 : i32
      %dma_wait3A_169 = tpu.memref_slice %arg7[%dma_wait3A_162, %dma_wait3A_163, %dma_wait3A_168] : memref<6x2x80xi32, #tpu.memory_space<vmem>> -> memref<1x1x80xi32, #tpu.memory_space<vmem>>
      %dma_wait3A_170 = tpu.memref_squeeze %dma_wait3A_169 : memref<1x1x80xi32, #tpu.memory_space<vmem>> -> memref<80xi32, #tpu.memory_space<vmem>>
      %dma_wait3A_171 = arith.constant 0 : i32
      %dma_wait3A_172 = arith.constant 0 : i32
      %dma_wait3A_173 = tpu.memref_slice %arg9[%dma_wait3A_171, %dma_wait3A_172] : memref<10240x128xf32, #tpu.memory_space<vmem_shared>> -> memref<10240x128xf32, #tpu.memory_space<vmem_shared>>
      tpu.wait_indirect_dma semaphore(%arg12 : memref<!tpu.dma_semaphore, #tpu.memory_space<semaphore_mem>>) src(%dma_wait3A_167 : memref<80x128xf32, #tpu.memory_space<vmem>>) dst(%dma_wait3A_173 : memref<10240x128xf32, #tpu.memory_space<vmem_shared>>)
      %dma_wait3A_174 = arith.constant 0 : i32
      %dma_wait3A_175 = arith.constant 0 : i32
      %dma_wait3A_176 = arith.constant 1 : i32
      %dma_wait3A_177 = arith.constant 0 : i32
      %dma_wait3A_178 = arith.constant 0 : i32
      %dma_wait3A_179 = tpu.memref_slice %arg8[%dma_wait3A_174, %dma_wait3A_177, %dma_wait3A_178] : memref<4x80x128xf32, #tpu.memory_space<vmem>> -> memref<1x80x128xf32, #tpu.memory_space<vmem>>
      %dma_wait3A_180 = tpu.memref_squeeze %dma_wait3A_179 : memref<1x80x128xf32, #tpu.memory_space<vmem>> -> memref<80x128xf32, #tpu.memory_space<vmem>>
      %dma_wait3A_181 = arith.constant 0 : i32
      %dma_wait3A_182 = tpu.memref_slice %arg7[%dma_wait3A_175, %dma_wait3A_176, %dma_wait3A_181] : memref<6x2x80xi32, #tpu.memory_space<vmem>> -> memref<1x1x80xi32, #tpu.memory_space<vmem>>
      %dma_wait3A_183 = tpu.memref_squeeze %dma_wait3A_182 : memref<1x1x80xi32, #tpu.memory_space<vmem>> -> memref<80xi32, #tpu.memory_space<vmem>>
      %dma_wait3A_184 = arith.constant 0 : i32
      %dma_wait3A_185 = arith.constant 0 : i32
      %dma_wait3A_186 = tpu.memref_slice %arg9[%dma_wait3A_184, %dma_wait3A_185] : memref<10240x128xf32, #tpu.memory_space<vmem_shared>> -> memref<10240x128xf32, #tpu.memory_space<vmem_shared>>
      tpu.wait_indirect_dma semaphore(%arg12 : memref<!tpu.dma_semaphore, #tpu.memory_space<semaphore_mem>>) src(%dma_wait3A_180 : memref<80x128xf32, #tpu.memory_space<vmem>>) dst(%dma_wait3A_186 : memref<10240x128xf32, #tpu.memory_space<vmem_shared>>)
    } else {
    }
    %eq3A_76 = arith.constant 1 : i32
    %eq3A_77 = arith.cmpi eq, %arg0, %eq3A_76 : i32
    %convert_element_type3A_78 = arith.extui %eq3A_77 : i1 to i32
    %cond3A_79 = arith.constant 0 : i32
    %cond3A_80 = arith.cmpi ne, %convert_element_type3A_78, %cond3A_79 : i32
    scf.if %cond3A_80 {
      %dma_wait3A = arith.constant 0 : i32
      %dma_wait3A_88 = arith.constant 0 : i32
      %dma_wait3A_89 = arith.constant 0 : i32
      %dma_wait3A_90 = arith.constant 0 : i32
      %dma_wait3A_91 = tpu.memref_slice %arg7[%dma_wait3A_88, %dma_wait3A_89, %dma_wait3A_90] : memref<6x2x80xi32, #tpu.memory_space<vmem>> -> memref<1x2x80xi32, #tpu.memory_space<vmem>>
      %dma_wait3A_92 = tpu.memref_squeeze %dma_wait3A_91 : memref<1x2x80xi32, #tpu.memory_space<vmem>> -> memref<2x80xi32, #tpu.memory_space<vmem>>
      %dma_wait3A_93 = arith.constant 0 : i32
      %dma_wait3A_94 = arith.constant 0 : i32
      %dma_wait3A_95 = tpu.memref_slice %arg4[%arg1, %dma_wait3A, %dma_wait3A_93, %dma_wait3A_94] : memref<16x125x2x80xi32, #tpu.memory_space<hbm>> -> memref<1x1x2x80xi32, #tpu.memory_space<hbm>>
      %dma_wait3A_96 = tpu.memref_squeeze %dma_wait3A_95 : memref<1x1x2x80xi32, #tpu.memory_space<hbm>> -> memref<2x80xi32, #tpu.memory_space<hbm>>
      %dma_wait3A_97 = arith.constant 0 : i32
      %dma_wait3A_98 = arith.constant 0 : i32
      %dma_wait3A_99 = tpu.memref_slice %arg7[%dma_wait3A_88, %dma_wait3A_97, %dma_wait3A_98] : memref<6x2x80xi32, #tpu.memory_space<vmem>> -> memref<1x2x80xi32, #tpu.memory_space<vmem>>
      %dma_wait3A_100 = tpu.memref_squeeze %dma_wait3A_99 : memref<1x2x80xi32, #tpu.memory_space<vmem>> -> memref<2x80xi32, #tpu.memory_space<vmem>>
      %dma_wait3A_101 = arith.constant 0 : i32
      %dma_wait3A_102 = arith.constant 0 : i32
      %dma_wait3A_103 = tpu.memref_slice %arg4[%arg1, %dma_wait3A, %dma_wait3A_101, %dma_wait3A_102] : memref<16x125x2x80xi32, #tpu.memory_space<hbm>> -> memref<1x1x2x80xi32, #tpu.memory_space<hbm>>
      %dma_wait3A_104 = tpu.memref_squeeze %dma_wait3A_103 : memref<1x1x2x80xi32, #tpu.memory_space<hbm>> -> memref<2x80xi32, #tpu.memory_space<hbm>>
      tpu.wait_dma2 semaphore(%arg11 : memref<!tpu.dma_semaphore, #tpu.memory_space<semaphore_mem>>) src(%dma_wait3A_104 : memref<2x80xi32, #tpu.memory_space<hbm>>) dst(%dma_wait3A_100 : memref<2x80xi32, #tpu.memory_space<vmem>>)
      %dma_start3A_105 = arith.constant 0 : i32
      %dma_start3A_106 = arith.constant 0 : i32
      %dma_start3A_107 = arith.constant 0 : i32
      %dma_start3A_108 = arith.constant 0 : i32
      %dma_start3A_109 = arith.constant 0 : i32
      %dma_start3A_110 = arith.constant 0 : i32
      %dma_start3A_111 = tpu.memref_slice %arg8[%dma_start3A_107, %dma_start3A_109, %dma_start3A_110] : memref<4x80x128xf32, #tpu.memory_space<vmem>> -> memref<1x80x128xf32, #tpu.memory_space<vmem>>
      %dma_start3A_112 = tpu.memref_squeeze %dma_start3A_111 : memref<1x80x128xf32, #tpu.memory_space<vmem>> -> memref<80x128xf32, #tpu.memory_space<vmem>>
      %dma_start3A_113 = arith.constant 0 : i32
      %dma_start3A_114 = tpu.memref_slice %arg7[%dma_start3A_105, %dma_start3A_106, %dma_start3A_113] : memref<6x2x80xi32, #tpu.memory_space<vmem>> -> memref<1x1x80xi32, #tpu.memory_space<vmem>>
      %dma_start3A_115 = tpu.memref_squeeze %dma_start3A_114 : memref<1x1x80xi32, #tpu.memory_space<vmem>> -> memref<80xi32, #tpu.memory_space<vmem>>
      %dma_start3A_116 = arith.constant 0 : i32
      %dma_start3A_117 = arith.constant 0 : i32
      %dma_start3A_118 = tpu.memref_slice %arg3[%dma_start3A_116, %dma_start3A_117] : memref<10000x128xf32, #tpu.memory_space<hbm>> -> memref<10000x128xf32, #tpu.memory_space<hbm>>
      %dma_start3A_119 = tpu.memref_slice %arg10[%dma_start3A_108] : memref<2x!tpu.dma_semaphore, #tpu.memory_space<semaphore_mem>> -> memref<1x!tpu.dma_semaphore, #tpu.memory_space<semaphore_mem>>
      %dma_start3A_120 = tpu.memref_squeeze %dma_start3A_119 : memref<1x!tpu.dma_semaphore, #tpu.memory_space<semaphore_mem>> -> memref<!tpu.dma_semaphore, #tpu.memory_space<semaphore_mem>>
      tpu.enqueue_indirect_dma source(%dma_start3A_118 : memref<10000x128xf32, #tpu.memory_space<hbm>>) target(%dma_start3A_112 : memref<80x128xf32, #tpu.memory_space<vmem>>) offsets(%dma_start3A_115 : memref<80xi32, #tpu.memory_space<vmem>>) semaphore(%dma_start3A_120 : memref<!tpu.dma_semaphore, #tpu.memory_space<semaphore_mem>>)
      %dma_wait3A_121 = arith.constant 1 : i32
      %dma_wait3A_122 = arith.constant 1 : i32
      %dma_wait3A_123 = arith.constant 0 : i32
      %dma_wait3A_124 = arith.constant 0 : i32
      %dma_wait3A_125 = tpu.memref_slice %arg7[%dma_wait3A_122, %dma_wait3A_123, %dma_wait3A_124] : memref<6x2x80xi32, #tpu.memory_space<vmem>> -> memref<1x2x80xi32, #tpu.memory_space<vmem>>
      %dma_wait3A_126 = tpu.memref_squeeze %dma_wait3A_125 : memref<1x2x80xi32, #tpu.memory_space<vmem>> -> memref<2x80xi32, #tpu.memory_space<vmem>>
      %dma_wait3A_127 = arith.constant 0 : i32
      %dma_wait3A_128 = arith.constant 0 : i32
      %dma_wait3A_129 = tpu.memref_slice %arg4[%arg1, %dma_wait3A_121, %dma_wait3A_127, %dma_wait3A_128] : memref<16x125x2x80xi32, #tpu.memory_space<hbm>> -> memref<1x1x2x80xi32, #tpu.memory_space<hbm>>
      %dma_wait3A_130 = tpu.memref_squeeze %dma_wait3A_129 : memref<1x1x2x80xi32, #tpu.memory_space<hbm>> -> memref<2x80xi32, #tpu.memory_space<hbm>>
      %dma_wait3A_131 = arith.constant 0 : i32
      %dma_wait3A_132 = arith.constant 0 : i32
      %dma_wait3A_133 = tpu.memref_slice %arg7[%dma_wait3A_122, %dma_wait3A_131, %dma_wait3A_132] : memref<6x2x80xi32, #tpu.memory_space<vmem>> -> memref<1x2x80xi32, #tpu.memory_space<vmem>>
      %dma_wait3A_134 = tpu.memref_squeeze %dma_wait3A_133 : memref<1x2x80xi32, #tpu.memory_space<vmem>> -> memref<2x80xi32, #tpu.memory_space<vmem>>
      %dma_wait3A_135 = arith.constant 0 : i32
      %dma_wait3A_136 = arith.constant 0 : i32
      %dma_wait3A_137 = tpu.memref_slice %arg4[%arg1, %dma_wait3A_121, %dma_wait3A_135, %dma_wait3A_136] : memref<16x125x2x80xi32, #tpu.memory_space<hbm>> -> memref<1x1x2x80xi32, #tpu.memory_space<hbm>>
      %dma_wait3A_138 = tpu.memref_squeeze %dma_wait3A_137 : memref<1x1x2x80xi32, #tpu.memory_space<hbm>> -> memref<2x80xi32, #tpu.memory_space<hbm>>
      tpu.wait_dma2 semaphore(%arg11 : memref<!tpu.dma_semaphore, #tpu.memory_space<semaphore_mem>>) src(%dma_wait3A_138 : memref<2x80xi32, #tpu.memory_space<hbm>>) dst(%dma_wait3A_134 : memref<2x80xi32, #tpu.memory_space<vmem>>)
      %dma_start3A_139 = arith.constant 1 : i32
      %dma_start3A_140 = arith.constant 0 : i32
      %dma_start3A_141 = arith.constant 1 : i32
      %dma_start3A_142 = arith.constant 1 : i32
      %dma_start3A_143 = arith.constant 0 : i32
      %dma_start3A_144 = arith.constant 0 : i32
      %dma_start3A_145 = tpu.memref_slice %arg8[%dma_start3A_141, %dma_start3A_143, %dma_start3A_144] : memref<4x80x128xf32, #tpu.memory_space<vmem>> -> memref<1x80x128xf32, #tpu.memory_space<vmem>>
      %dma_start3A_146 = tpu.memref_squeeze %dma_start3A_145 : memref<1x80x128xf32, #tpu.memory_space<vmem>> -> memref<80x128xf32, #tpu.memory_space<vmem>>
      %dma_start3A_147 = arith.constant 0 : i32
      %dma_start3A_148 = tpu.memref_slice %arg7[%dma_start3A_139, %dma_start3A_140, %dma_start3A_147] : memref<6x2x80xi32, #tpu.memory_space<vmem>> -> memref<1x1x80xi32, #tpu.memory_space<vmem>>
      %dma_start3A_149 = tpu.memref_squeeze %dma_start3A_148 : memref<1x1x80xi32, #tpu.memory_space<vmem>> -> memref<80xi32, #tpu.memory_space<vmem>>
      %dma_start3A_150 = arith.constant 0 : i32
      %dma_start3A_151 = arith.constant 0 : i32
      %dma_start3A_152 = tpu.memref_slice %arg3[%dma_start3A_150, %dma_start3A_151] : memref<10000x128xf32, #tpu.memory_space<hbm>> -> memref<10000x128xf32, #tpu.memory_space<hbm>>
      %dma_start3A_153 = tpu.memref_slice %arg10[%dma_start3A_142] : memref<2x!tpu.dma_semaphore, #tpu.memory_space<semaphore_mem>> -> memref<1x!tpu.dma_semaphore, #tpu.memory_space<semaphore_mem>>
      %dma_start3A_154 = tpu.memref_squeeze %dma_start3A_153 : memref<1x!tpu.dma_semaphore, #tpu.memory_space<semaphore_mem>> -> memref<!tpu.dma_semaphore, #tpu.memory_space<semaphore_mem>>
      tpu.enqueue_indirect_dma source(%dma_start3A_152 : memref<10000x128xf32, #tpu.memory_space<hbm>>) target(%dma_start3A_146 : memref<80x128xf32, #tpu.memory_space<vmem>>) offsets(%dma_start3A_149 : memref<80xi32, #tpu.memory_space<vmem>>) semaphore(%dma_start3A_154 : memref<!tpu.dma_semaphore, #tpu.memory_space<semaphore_mem>>)
      %scan3A = arith.constant 0 : i32
      %scan3A_155 = arith.constant 0 : i32
      %scan3A_156 = arith.constant 125 : i32
      %scan3A_157 = arith.addi %scan3A_155, %scan3A_156 : i32
      %scan3A_158 = arith.constant 1 : i32
      %scan3A_159 = scf.for %scan3A_187 = %scan3A_155 to %scan3A_157 step %scan3A_158 iter_args(%scan3A_188 = %scan3A) -> (i32)  : i32 {
        %rem3A = arith.constant 4 : i32
        %rem3A_189 = arith.remsi %scan3A_187, %rem3A : i32
        %rem3A_190 = arith.constant 6 : i32
        %rem3A_191 = arith.remsi %scan3A_187, %rem3A_190 : i32
        %rem3A_192 = arith.constant 2 : i32
        %rem3A_193 = arith.remsi %scan3A_187, %rem3A_192 : i32
        %dma_wait3A_194 = arith.constant 0 : i32
        %dma_wait3A_195 = arith.constant 0 : i32
        %dma_wait3A_196 = arith.constant 0 : i32
        %dma_wait3A_197 = tpu.memref_slice %arg8[%rem3A_189, %dma_wait3A_195, %dma_wait3A_196] : memref<4x80x128xf32, #tpu.memory_space<vmem>> -> memref<1x80x128xf32, #tpu.memory_space<vmem>>
        %dma_wait3A_198 = tpu.memref_squeeze %dma_wait3A_197 : memref<1x80x128xf32, #tpu.memory_space<vmem>> -> memref<80x128xf32, #tpu.memory_space<vmem>>
        %dma_wait3A_199 = arith.constant 0 : i32
        %dma_wait3A_200 = tpu.memref_slice %arg7[%rem3A_191, %dma_wait3A_194, %dma_wait3A_199] : memref<6x2x80xi32, #tpu.memory_space<vmem>> -> memref<1x1x80xi32, #tpu.memory_space<vmem>>
        %dma_wait3A_201 = tpu.memref_squeeze %dma_wait3A_200 : memref<1x1x80xi32, #tpu.memory_space<vmem>> -> memref<80xi32, #tpu.memory_space<vmem>>
        %dma_wait3A_202 = arith.constant 0 : i32
        %dma_wait3A_203 = arith.constant 0 : i32
        %dma_wait3A_204 = tpu.memref_slice %arg3[%dma_wait3A_202, %dma_wait3A_203] : memref<10000x128xf32, #tpu.memory_space<hbm>> -> memref<10000x128xf32, #tpu.memory_space<hbm>>
        %dma_wait3A_205 = tpu.memref_slice %arg10[%rem3A_193] : memref<2x!tpu.dma_semaphore, #tpu.memory_space<semaphore_mem>> -> memref<1x!tpu.dma_semaphore, #tpu.memory_space<semaphore_mem>>
        %dma_wait3A_206 = tpu.memref_squeeze %dma_wait3A_205 : memref<1x!tpu.dma_semaphore, #tpu.memory_space<semaphore_mem>> -> memref<!tpu.dma_semaphore, #tpu.memory_space<semaphore_mem>>
        tpu.wait_indirect_dma semaphore(%dma_wait3A_206 : memref<!tpu.dma_semaphore, #tpu.memory_space<semaphore_mem>>) src(%dma_wait3A_204 : memref<10000x128xf32, #tpu.memory_space<hbm>>) dst(%dma_wait3A_198 : memref<80x128xf32, #tpu.memory_space<vmem>>)
        %ge3A = arith.constant 2 : i32
        %ge3A_207 = arith.cmpi sge, %scan3A_187, %ge3A : i32
        %convert_element_type3A_208 = arith.extui %ge3A_207 : i1 to i32
        %cond3A_209 = arith.constant 0 : i32
        %cond3A_210 = arith.cmpi ne, %convert_element_type3A_208, %cond3A_209 : i32
        scf.if %cond3A_210 {
          %dma_wait3A_236 = arith.constant 1 : i32
          %dma_wait3A_237 = arith.constant 0 : i32
          %dma_wait3A_238 = arith.constant 0 : i32
          %dma_wait3A_239 = tpu.memref_slice %arg8[%rem3A_189, %dma_wait3A_237, %dma_wait3A_238] : memref<4x80x128xf32, #tpu.memory_space<vmem>> -> memref<1x80x128xf32, #tpu.memory_space<vmem>>
          %dma_wait3A_240 = tpu.memref_squeeze %dma_wait3A_239 : memref<1x80x128xf32, #tpu.memory_space<vmem>> -> memref<80x128xf32, #tpu.memory_space<vmem>>
          %dma_wait3A_241 = arith.constant 0 : i32
          %dma_wait3A_242 = tpu.memref_slice %arg7[%rem3A_191, %dma_wait3A_236, %dma_wait3A_241] : memref<6x2x80xi32, #tpu.memory_space<vmem>> -> memref<1x1x80xi32, #tpu.memory_space<vmem>>
          %dma_wait3A_243 = tpu.memref_squeeze %dma_wait3A_242 : memref<1x1x80xi32, #tpu.memory_space<vmem>> -> memref<80xi32, #tpu.memory_space<vmem>>
          %dma_wait3A_244 = arith.constant 0 : i32
          %dma_wait3A_245 = arith.constant 0 : i32
          %dma_wait3A_246 = tpu.memref_slice %arg9[%dma_wait3A_244, %dma_wait3A_245] : memref<10240x128xf32, #tpu.memory_space<vmem_shared>> -> memref<10240x128xf32, #tpu.memory_space<vmem_shared>>
          tpu.wait_indirect_dma semaphore(%arg12 : memref<!tpu.dma_semaphore, #tpu.memory_space<semaphore_mem>>) src(%dma_wait3A_240 : memref<80x128xf32, #tpu.memory_space<vmem>>) dst(%dma_wait3A_246 : memref<10240x128xf32, #tpu.memory_space<vmem_shared>>)
        } else {
        }
        %add3A_211 = arith.constant 4 : i32
        %add3A_212 = arith.addi %scan3A_187, %add3A_211 : i32
        %lt3A = arith.constant 125 : i32
        %lt3A_213 = arith.cmpi slt, %add3A_212, %lt3A : i32
        %convert_element_type3A_214 = arith.extui %lt3A_213 : i1 to i32
        %cond3A_215 = arith.constant 0 : i32
        %cond3A_216 = arith.cmpi ne, %convert_element_type3A_214, %cond3A_215 : i32
        scf.if %cond3A_216 {
          %add3A_236 = arith.constant 4 : i32
          %add3A_237 = arith.addi %scan3A_187, %add3A_236 : i32
          %add3A_238 = arith.constant 4 : i32
          %add3A_239 = arith.addi %scan3A_187, %add3A_238 : i32
          %rem3A_240 = arith.constant 6 : i32
          %rem3A_241 = arith.remsi %add3A_239, %rem3A_240 : i32
          %dma_start3A_242 = arith.constant 0 : i32
          %dma_start3A_243 = arith.constant 0 : i32
          %dma_start3A_244 = tpu.memref_slice %arg7[%rem3A_241, %dma_start3A_242, %dma_start3A_243] : memref<6x2x80xi32, #tpu.memory_space<vmem>> -> memref<1x2x80xi32, #tpu.memory_space<vmem>>
          %dma_start3A_245 = tpu.memref_squeeze %dma_start3A_244 : memref<1x2x80xi32, #tpu.memory_space<vmem>> -> memref<2x80xi32, #tpu.memory_space<vmem>>
          %dma_start3A_246 = arith.constant 0 : i32
          %dma_start3A_247 = arith.constant 0 : i32
          %dma_start3A_248 = tpu.memref_slice %arg4[%arg1, %add3A_237, %dma_start3A_246, %dma_start3A_247] : memref<16x125x2x80xi32, #tpu.memory_space<hbm>> -> memref<1x1x2x80xi32, #tpu.memory_space<hbm>>
          %dma_start3A_249 = tpu.memref_squeeze %dma_start3A_248 : memref<1x1x2x80xi32, #tpu.memory_space<hbm>> -> memref<2x80xi32, #tpu.memory_space<hbm>>
          %dma_start3A_250 = arith.constant 0 : i32
          %dma_start3A_251 = arith.constant 0 : i32
          %dma_start3A_252 = tpu.memref_slice %arg7[%rem3A_241, %dma_start3A_250, %dma_start3A_251] : memref<6x2x80xi32, #tpu.memory_space<vmem>> -> memref<1x2x80xi32, #tpu.memory_space<vmem>>
          %dma_start3A_253 = tpu.memref_squeeze %dma_start3A_252 : memref<1x2x80xi32, #tpu.memory_space<vmem>> -> memref<2x80xi32, #tpu.memory_space<vmem>>
          %dma_start3A_254 = arith.constant 0 : i32
          %dma_start3A_255 = arith.constant 0 : i32
          %dma_start3A_256 = tpu.memref_slice %arg4[%arg1, %add3A_237, %dma_start3A_254, %dma_start3A_255] : memref<16x125x2x80xi32, #tpu.memory_space<hbm>> -> memref<1x1x2x80xi32, #tpu.memory_space<hbm>>
          %dma_start3A_257 = tpu.memref_squeeze %dma_start3A_256 : memref<1x1x2x80xi32, #tpu.memory_space<hbm>> -> memref<2x80xi32, #tpu.memory_space<hbm>>
          tpu.enqueue_dma source(%dma_start3A_257 : memref<2x80xi32, #tpu.memory_space<hbm>>) target(%dma_start3A_253 : memref<2x80xi32, #tpu.memory_space<vmem>>) target_semaphore(%arg11 : memref<!tpu.dma_semaphore, #tpu.memory_space<semaphore_mem>>)
        } else {
        }
        %add3A_217 = arith.constant 2 : i32
        %add3A_218 = arith.addi %scan3A_187, %add3A_217 : i32
        %lt3A_219 = arith.constant 125 : i32
        %lt3A_220 = arith.cmpi slt, %add3A_218, %lt3A_219 : i32
        %convert_element_type3A_221 = arith.extui %lt3A_220 : i1 to i32
        %cond3A_222 = arith.constant 0 : i32
        %cond3A_223 = arith.cmpi ne, %convert_element_type3A_221, %cond3A_222 : i32
        scf.if %cond3A_223 {
          %add3A_236 = arith.constant 2 : i32
          %add3A_237 = arith.addi %scan3A_187, %add3A_236 : i32
          %rem3A_238 = arith.constant 6 : i32
          %rem3A_239 = arith.remsi %add3A_237, %rem3A_238 : i32
          %add3A_240 = arith.constant 2 : i32
          %add3A_241 = arith.addi %scan3A_187, %add3A_240 : i32
          %dma_wait3A_242 = arith.constant 0 : i32
          %dma_wait3A_243 = arith.constant 0 : i32
          %dma_wait3A_244 = tpu.memref_slice %arg7[%rem3A_239, %dma_wait3A_242, %dma_wait3A_243] : memref<6x2x80xi32, #tpu.memory_space<vmem>> -> memref<1x2x80xi32, #tpu.memory_space<vmem>>
          %dma_wait3A_245 = tpu.memref_squeeze %dma_wait3A_244 : memref<1x2x80xi32, #tpu.memory_space<vmem>> -> memref<2x80xi32, #tpu.memory_space<vmem>>
          %dma_wait3A_246 = arith.constant 0 : i32
          %dma_wait3A_247 = arith.constant 0 : i32
          %dma_wait3A_248 = tpu.memref_slice %arg4[%arg1, %add3A_241, %dma_wait3A_246, %dma_wait3A_247] : memref<16x125x2x80xi32, #tpu.memory_space<hbm>> -> memref<1x1x2x80xi32, #tpu.memory_space<hbm>>
          %dma_wait3A_249 = tpu.memref_squeeze %dma_wait3A_248 : memref<1x1x2x80xi32, #tpu.memory_space<hbm>> -> memref<2x80xi32, #tpu.memory_space<hbm>>
          %dma_wait3A_250 = arith.constant 0 : i32
          %dma_wait3A_251 = arith.constant 0 : i32
          %dma_wait3A_252 = tpu.memref_slice %arg7[%rem3A_239, %dma_wait3A_250, %dma_wait3A_251] : memref<6x2x80xi32, #tpu.memory_space<vmem>> -> memref<1x2x80xi32, #tpu.memory_space<vmem>>
          %dma_wait3A_253 = tpu.memref_squeeze %dma_wait3A_252 : memref<1x2x80xi32, #tpu.memory_space<vmem>> -> memref<2x80xi32, #tpu.memory_space<vmem>>
          %dma_wait3A_254 = arith.constant 0 : i32
          %dma_wait3A_255 = arith.constant 0 : i32
          %dma_wait3A_256 = tpu.memref_slice %arg4[%arg1, %add3A_241, %dma_wait3A_254, %dma_wait3A_255] : memref<16x125x2x80xi32, #tpu.memory_space<hbm>> -> memref<1x1x2x80xi32, #tpu.memory_space<hbm>>
          %dma_wait3A_257 = tpu.memref_squeeze %dma_wait3A_256 : memref<1x1x2x80xi32, #tpu.memory_space<hbm>> -> memref<2x80xi32, #tpu.memory_space<hbm>>
          tpu.wait_dma2 semaphore(%arg11 : memref<!tpu.dma_semaphore, #tpu.memory_space<semaphore_mem>>) src(%dma_wait3A_257 : memref<2x80xi32, #tpu.memory_space<hbm>>) dst(%dma_wait3A_253 : memref<2x80xi32, #tpu.memory_space<vmem>>)
          %add3A_258 = arith.constant 2 : i32
          %add3A_259 = arith.addi %scan3A_187, %add3A_258 : i32
          %rem3A_260 = arith.constant 4 : i32
          %rem3A_261 = arith.remsi %add3A_259, %rem3A_260 : i32
          %dma_start3A_262 = arith.constant 0 : i32
          %dma_start3A_263 = arith.constant 0 : i32
          %dma_start3A_264 = arith.constant 0 : i32
          %dma_start3A_265 = tpu.memref_slice %arg8[%rem3A_261, %dma_start3A_263, %dma_start3A_264] : memref<4x80x128xf32, #tpu.memory_space<vmem>> -> memref<1x80x128xf32, #tpu.memory_space<vmem>>
          %dma_start3A_266 = tpu.memref_squeeze %dma_start3A_265 : memref<1x80x128xf32, #tpu.memory_space<vmem>> -> memref<80x128xf32, #tpu.memory_space<vmem>>
          %dma_start3A_267 = arith.constant 0 : i32
          %dma_start3A_268 = tpu.memref_slice %arg7[%rem3A_239, %dma_start3A_262, %dma_start3A_267] : memref<6x2x80xi32, #tpu.memory_space<vmem>> -> memref<1x1x80xi32, #tpu.memory_space<vmem>>
          %dma_start3A_269 = tpu.memref_squeeze %dma_start3A_268 : memref<1x1x80xi32, #tpu.memory_space<vmem>> -> memref<80xi32, #tpu.memory_space<vmem>>
          %dma_start3A_270 = arith.constant 0 : i32
          %dma_start3A_271 = arith.constant 0 : i32
          %dma_start3A_272 = tpu.memref_slice %arg3[%dma_start3A_270, %dma_start3A_271] : memref<10000x128xf32, #tpu.memory_space<hbm>> -> memref<10000x128xf32, #tpu.memory_space<hbm>>
          %dma_start3A_273 = tpu.memref_slice %arg10[%rem3A_193] : memref<2x!tpu.dma_semaphore, #tpu.memory_space<semaphore_mem>> -> memref<1x!tpu.dma_semaphore, #tpu.memory_space<semaphore_mem>>
          %dma_start3A_274 = tpu.memref_squeeze %dma_start3A_273 : memref<1x!tpu.dma_semaphore, #tpu.memory_space<semaphore_mem>> -> memref<!tpu.dma_semaphore, #tpu.memory_space<semaphore_mem>>
          tpu.enqueue_indirect_dma source(%dma_start3A_272 : memref<10000x128xf32, #tpu.memory_space<hbm>>) target(%dma_start3A_266 : memref<80x128xf32, #tpu.memory_space<vmem>>) offsets(%dma_start3A_269 : memref<80xi32, #tpu.memory_space<vmem>>) semaphore(%dma_start3A_274 : memref<!tpu.dma_semaphore, #tpu.memory_space<semaphore_mem>>)
        } else {
        }
        %dma_start3A_224 = arith.constant 1 : i32
        %dma_start3A_225 = arith.constant 0 : i32
        %dma_start3A_226 = arith.constant 0 : i32
        %dma_start3A_227 = tpu.memref_slice %arg8[%rem3A_189, %dma_start3A_225, %dma_start3A_226] : memref<4x80x128xf32, #tpu.memory_space<vmem>> -> memref<1x80x128xf32, #tpu.memory_space<vmem>>
        %dma_start3A_228 = tpu.memref_squeeze %dma_start3A_227 : memref<1x80x128xf32, #tpu.memory_space<vmem>> -> memref<80x128xf32, #tpu.memory_space<vmem>>
        %dma_start3A_229 = arith.constant 0 : i32
        %dma_start3A_230 = tpu.memref_slice %arg7[%rem3A_191, %dma_start3A_224, %dma_start3A_229] : memref<6x2x80xi32, #tpu.memory_space<vmem>> -> memref<1x1x80xi32, #tpu.memory_space<vmem>>
        %dma_start3A_231 = tpu.memref_squeeze %dma_start3A_230 : memref<1x1x80xi32, #tpu.memory_space<vmem>> -> memref<80xi32, #tpu.memory_space<vmem>>
        %dma_start3A_232 = arith.constant 0 : i32
        %dma_start3A_233 = arith.constant 0 : i32
        %dma_start3A_234 = tpu.memref_slice %arg9[%dma_start3A_232, %dma_start3A_233] : memref<10240x128xf32, #tpu.memory_space<vmem_shared>> -> memref<10240x128xf32, #tpu.memory_space<vmem_shared>>
        tpu.enqueue_indirect_dma source(%dma_start3A_228 : memref<80x128xf32, #tpu.memory_space<vmem>>) target(%dma_start3A_234 : memref<10240x128xf32, #tpu.memory_space<vmem_shared>>) offsets(%dma_start3A_231 : memref<80xi32, #tpu.memory_space<vmem>>) semaphore(%arg12 : memref<!tpu.dma_semaphore, #tpu.memory_space<semaphore_mem>>) {add = true}
        %scan3A_235 = arith.constant 0 : i32
        scf.yield %scan3A_235 : i32
      }
      %scan3A_160 = arith.constant 125 : i32
      %dma_wait3A_161 = arith.constant 0 : i32
      %dma_wait3A_162 = arith.constant 0 : i32
      %dma_wait3A_163 = arith.constant 1 : i32
      %dma_wait3A_164 = arith.constant 0 : i32
      %dma_wait3A_165 = arith.constant 0 : i32
      %dma_wait3A_166 = tpu.memref_slice %arg8[%dma_wait3A_161, %dma_wait3A_164, %dma_wait3A_165] : memref<4x80x128xf32, #tpu.memory_space<vmem>> -> memref<1x80x128xf32, #tpu.memory_space<vmem>>
      %dma_wait3A_167 = tpu.memref_squeeze %dma_wait3A_166 : memref<1x80x128xf32, #tpu.memory_space<vmem>> -> memref<80x128xf32, #tpu.memory_space<vmem>>
      %dma_wait3A_168 = arith.constant 0 : i32
      %dma_wait3A_169 = tpu.memref_slice %arg7[%dma_wait3A_162, %dma_wait3A_163, %dma_wait3A_168] : memref<6x2x80xi32, #tpu.memory_space<vmem>> -> memref<1x1x80xi32, #tpu.memory_space<vmem>>
      %dma_wait3A_170 = tpu.memref_squeeze %dma_wait3A_169 : memref<1x1x80xi32, #tpu.memory_space<vmem>> -> memref<80xi32, #tpu.memory_space<vmem>>
      %dma_wait3A_171 = arith.constant 0 : i32
      %dma_wait3A_172 = arith.constant 0 : i32
      %dma_wait3A_173 = tpu.memref_slice %arg9[%dma_wait3A_171, %dma_wait3A_172] : memref<10240x128xf32, #tpu.memory_space<vmem_shared>> -> memref<10240x128xf32, #tpu.memory_space<vmem_shared>>
      tpu.wait_indirect_dma semaphore(%arg12 : memref<!tpu.dma_semaphore, #tpu.memory_space<semaphore_mem>>) src(%dma_wait3A_167 : memref<80x128xf32, #tpu.memory_space<vmem>>) dst(%dma_wait3A_173 : memref<10240x128xf32, #tpu.memory_space<vmem_shared>>)
      %dma_wait3A_174 = arith.constant 0 : i32
      %dma_wait3A_175 = arith.constant 0 : i32
      %dma_wait3A_176 = arith.constant 1 : i32
      %dma_wait3A_177 = arith.constant 0 : i32
      %dma_wait3A_178 = arith.constant 0 : i32
      %dma_wait3A_179 = tpu.memref_slice %arg8[%dma_wait3A_174, %dma_wait3A_177, %dma_wait3A_178] : memref<4x80x128xf32, #tpu.memory_space<vmem>> -> memref<1x80x128xf32, #tpu.memory_space<vmem>>
      %dma_wait3A_180 = tpu.memref_squeeze %dma_wait3A_179 : memref<1x80x128xf32, #tpu.memory_space<vmem>> -> memref<80x128xf32, #tpu.memory_space<vmem>>
      %dma_wait3A_181 = arith.constant 0 : i32
      %dma_wait3A_182 = tpu.memref_slice %arg7[%dma_wait3A_175, %dma_wait3A_176, %dma_wait3A_181] : memref<6x2x80xi32, #tpu.memory_space<vmem>> -> memref<1x1x80xi32, #tpu.memory_space<vmem>>
      %dma_wait3A_183 = tpu.memref_squeeze %dma_wait3A_182 : memref<1x1x80xi32, #tpu.memory_space<vmem>> -> memref<80xi32, #tpu.memory_space<vmem>>
      %dma_wait3A_184 = arith.constant 0 : i32
      %dma_wait3A_185 = arith.constant 0 : i32
      %dma_wait3A_186 = tpu.memref_slice %arg9[%dma_wait3A_184, %dma_wait3A_185] : memref<10240x128xf32, #tpu.memory_space<vmem_shared>> -> memref<10240x128xf32, #tpu.memory_space<vmem_shared>>
      tpu.wait_indirect_dma semaphore(%arg12 : memref<!tpu.dma_semaphore, #tpu.memory_space<semaphore_mem>>) src(%dma_wait3A_180 : memref<80x128xf32, #tpu.memory_space<vmem>>) dst(%dma_wait3A_186 : memref<10240x128xf32, #tpu.memory_space<vmem_shared>>)
    } else {
    }
    %barrier3A_81 = arith.constant 0 : index
    tpu.barrier barrier_id(%barrier3A_81)
    %mul3A_82 = arith.constant 640 : i32
    %mul3A_83 = arith.muli %arg1, %mul3A_82 : i32
    %mul3A_84 = arith.constant 10240 : i32
    %mul3A_85 = arith.muli %arg0, %mul3A_84 : i32
    %mul3A_86 = arith.constant 640 : i32
    %mul3A_87 = arith.muli %arg1, %mul3A_86 : i32
    %add3A = arith.addi %mul3A_85, %mul3A_87 : i32
    "tpu.region"() ({
      %run_scoped3A = tpu.sem_alloc : memref<!tpu.dma_semaphore, #tpu.memory_space<semaphore_mem>>
      %dma_start3A_88 = arith.constant 0 : i32
      %dma_start3A_89 = tpu.memref_slice %arg6[%add3A, %dma_start3A_88] : memref<20480x128xf32, #tpu.memory_space<hbm>> -> memref<640x128xf32, #tpu.memory_space<hbm>>
      %dma_start3A_90 = arith.constant 0 : i32
      %dma_start3A_91 = tpu.memref_slice %arg9[%mul3A_83, %dma_start3A_90] : memref<10240x128xf32, #tpu.memory_space<vmem_shared>> -> memref<640x128xf32, #tpu.memory_space<vmem_shared>>
      tpu.enqueue_dma source(%dma_start3A_91 : memref<640x128xf32, #tpu.memory_space<vmem_shared>>) target(%dma_start3A_89 : memref<640x128xf32, #tpu.memory_space<hbm>>) target_semaphore(%run_scoped3A : memref<!tpu.dma_semaphore, #tpu.memory_space<semaphore_mem>>)
      %dma_wait3A = arith.constant 0 : i32
      %dma_wait3A_92 = tpu.memref_slice %arg6[%add3A, %dma_wait3A] : memref<20480x128xf32, #tpu.memory_space<hbm>> -> memref<640x128xf32, #tpu.memory_space<hbm>>
      %dma_wait3A_93 = arith.constant 0 : i32
      %dma_wait3A_94 = tpu.memref_slice %arg9[%mul3A_83, %dma_wait3A_93] : memref<10240x128xf32, #tpu.memory_space<vmem_shared>> -> memref<640x128xf32, #tpu.memory_space<vmem_shared>>
      tpu.wait_dma2 semaphore(%run_scoped3A : memref<!tpu.dma_semaphore, #tpu.memory_space<semaphore_mem>>) src(%dma_wait3A_94 : memref<640x128xf32, #tpu.memory_space<vmem_shared>>) dst(%dma_wait3A_92 : memref<640x128xf32, #tpu.memory_space<hbm>>)
      tpu.yield
    }) : () -> ()
    return
  }
}

module attributes {stable_mosaic.version = 14 : i64} {
  func.func @_tc_a1_body(%arg0: i32, %arg1: memref<1000x256xf32, #tpu.memory_space<vmem>>, %arg2: memref<256x256xf32, #tpu.memory_space<vmem>>, %arg3: memref<256x256xf32, #tpu.memory_space<vmem>>, %arg4: memref<1000x256xf32, #tpu.memory_space<vmem>>, %arg5: memref<1000x256xf32, #tpu.memory_space<vmem>>) attributes {dimension_semantics = [#tpu.dimension_semantics<arbitrary>], iteration_bounds = array<i64: 10>, scalar_prefetch = 0 : i64, scratch_operands = 0 : i64, tpu.core_type = #tpu.core_type<tc>, window_params = [{transform_indices = @transform_0, window_bounds = array<i64: 1000, 256>}, {pipeline_mode = #tpu.pipeline_mode<synchronous>, transform_indices = @transform_1, window_bounds = array<i64: 256, 256>}, {pipeline_mode = #tpu.pipeline_mode<synchronous>, transform_indices = @transform_2, window_bounds = array<i64: 256, 256>}, {transform_indices = @transform_3, window_bounds = array<i64: 1000, 256>}, {transform_indices = @transform_4, window_bounds = array<i64: 1000, 256>}]} {
    %get3A = arith.constant 0 : index
    %get3A_0 = arith.constant 0 : index
    %get3A_1 = vector.load %arg1[%get3A, %get3A_0] : memref<1000x256xf32, #tpu.memory_space<vmem>>, vector<1000x256xf32>
    %get3A_2 = arith.constant 0 : index
    %get3A_3 = arith.constant 0 : index
    %get3A_4 = vector.load %arg2[%get3A_2, %get3A_3] : memref<256x256xf32, #tpu.memory_space<vmem>>, vector<256x256xf32>
    %dot_general3A = arith.constant dense<0.000000e+00> : vector<1000x256xf32>
    %dot_general3A_5 = tpu.matmul %get3A_1, %get3A_4, %dot_general3A {dimension_numbers = #tpu.dot_dimension_numbers<[1], [0], [0], [1], [0, 0, 1, 1], [], []>, transpose_lhs_hint = false} : vector<1000x256xf32>, vector<256x256xf32>, vector<1000x256xf32> -> vector<1000x256xf32>
    %swap3A = arith.constant 0 : index
    %swap3A_6 = arith.constant 0 : index
    %swap3A_7 = vector.load %arg4[%swap3A, %swap3A_6] : memref<1000x256xf32, #tpu.memory_space<vmem>>, vector<1000x256xf32>
    tpu.vector_store %arg4[%swap3A, %swap3A_6], %dot_general3A_5 {strides = array<i32>} : memref<1000x256xf32, #tpu.memory_space<vmem>>, vector<1000x256xf32>,
    %get3A_8 = arith.constant 0 : index
    %get3A_9 = arith.constant 0 : index
    %get3A_10 = vector.load %arg3[%get3A_8, %get3A_9] : memref<256x256xf32, #tpu.memory_space<vmem>>, vector<256x256xf32>
    %dot_general3A_11 = arith.constant dense<0.000000e+00> : vector<1000x256xf32>
    %dot_general3A_12 = tpu.matmul %get3A_1, %get3A_10, %dot_general3A_11 {dimension_numbers = #tpu.dot_dimension_numbers<[1], [0], [0], [1], [0, 0, 1, 1], [], []>, transpose_lhs_hint = false} : vector<1000x256xf32>, vector<256x256xf32>, vector<1000x256xf32> -> vector<1000x256xf32>
    %swap3A_13 = arith.constant 0 : index
    %swap3A_14 = arith.constant 0 : index
    %swap3A_15 = vector.load %arg5[%swap3A_13, %swap3A_14] : memref<1000x256xf32, #tpu.memory_space<vmem>>, vector<1000x256xf32>
    tpu.vector_store %arg5[%swap3A_13, %swap3A_14], %dot_general3A_12 {strides = array<i32>} : memref<1000x256xf32, #tpu.memory_space<vmem>>, vector<1000x256xf32>,
    return
  }
  func.func @transform_0(%arg0: i32) -> (i32, i32) {
    %c0_i32 = arith.constant 0 : i32
    %c0_i32_0 = arith.constant 0 : i32
    return %arg0, %c0_i32 : i32, i32
  }
  func.func @transform_1(%arg0: i32) -> (i32, i32) {
    %c0_i32 = arith.constant 0 : i32
    %c0_i32_0 = arith.constant 0 : i32
    %c0_i32_1 = arith.constant 0 : i32
    return %c0_i32, %c0_i32_0 : i32, i32
  }
  func.func @transform_2(%arg0: i32) -> (i32, i32) {
    %c0_i32 = arith.constant 0 : i32
    %c0_i32_0 = arith.constant 0 : i32
    %c0_i32_1 = arith.constant 0 : i32
    return %c0_i32, %c0_i32_0 : i32, i32
  }
  func.func @transform_3(%arg0: i32) -> (i32, i32) {
    %c0_i32 = arith.constant 0 : i32
    %c0_i32_0 = arith.constant 0 : i32
    return %arg0, %c0_i32 : i32, i32
  }
  func.func @transform_4(%arg0: i32) -> (i32, i32) {
    %c0_i32 = arith.constant 0 : i32
    %c0_i32_0 = arith.constant 0 : i32
    return %arg0, %c0_i32 : i32, i32
  }
}

module attributes {stable_mosaic.version = 14 : i64} {
  func.func @_tc_a2_body(%arg0: i32, %arg1: memref<1000x256xf32, #tpu.memory_space<vmem>>, %arg2: memref<1000x128xf32, #tpu.memory_space<vmem>>, %arg3: memref<1000x128xf32, #tpu.memory_space<vmem>>, %arg4: memref<1000x128xf32, #tpu.memory_space<vmem>>, %arg5: memref<1000x128xf32, #tpu.memory_space<vmem>>) attributes {dimension_semantics = [#tpu.dimension_semantics<arbitrary>], iteration_bounds = array<i64: 10>, scalar_prefetch = 0 : i64, scratch_operands = 0 : i64, tpu.core_type = #tpu.core_type<tc>, window_params = [{transform_indices = @transform_0, window_bounds = array<i64: 1000, 256>}, {transform_indices = @transform_1, window_bounds = array<i64: 1000, 128>}, {transform_indices = @transform_2, window_bounds = array<i64: 1000, 128>}, {transform_indices = @transform_3, window_bounds = array<i64: 1000, 128>}, {transform_indices = @transform_4, window_bounds = array<i64: 1000, 128>}]} {
    %get3A = arith.constant 0 : index
    %get3A_0 = arith.constant 0 : index
    %get3A_1 = vector.load %arg2[%get3A, %get3A_0] : memref<1000x128xf32, #tpu.memory_space<vmem>>, vector<1000x128xf32>
    %get3A_2 = arith.constant 0 : index
    %get3A_3 = arith.constant 0 : index
    %get3A_4 = vector.load %arg3[%get3A_2, %get3A_3] : memref<1000x128xf32, #tpu.memory_space<vmem>>, vector<1000x128xf32>
    %add3A = arith.addf %get3A_1, %get3A_4 : vector<1000x128xf32>
    %gt3A = arith.constant 0.000000e+00 : f32
    %gt3A_5 = vector.broadcast %gt3A : f32 to vector<1000x128xf32>
    %gt3A_6 = arith.cmpf ogt, %add3A, %gt3A_5 : vector<1000x128xf32>
    %max3A = arith.constant 9.99999996E-13 : f32
    %max3A_7 = vector.broadcast %max3A : f32 to vector<1000x128xf32>
    %max3A_8 = arith.maximumf %add3A, %max3A_7 : vector<1000x128xf32>
    %rsqrt3A = math.rsqrt %max3A_8 : vector<1000x128xf32>
    %jit3A = arith.constant 0.000000e+00 : f32
    %broadcast_in_dim3A = vector.broadcast %jit3A : f32 to vector<1000x128xf32>
    %select_n3A = arith.select %gt3A_6, %rsqrt3A, %broadcast_in_dim3A : vector<1000x128xi1>, vector<1000x128xf32>
    %slice3A = vector.extract_strided_slice %select_n3A {offsets = [0, 0], sizes = [1000, 1], strides = [1, 1]} : vector<1000x128xf32> to vector<1000x1xf32>
    %get3A_9 = arith.constant 0 : index
    %get3A_10 = arith.constant 0 : index
    %get3A_11 = vector.load %arg1[%get3A_9, %get3A_10] : memref<1000x256xf32, #tpu.memory_space<vmem>>, vector<1000x256xf32>
    %mul3A = vector.broadcast %slice3A : vector<1000x1xf32> to vector<1000x256xf32>
    %mul3A_12 = arith.mulf %get3A_11, %mul3A : vector<1000x256xf32>
    %slice3A_13 = vector.extract_strided_slice %mul3A_12 {offsets = [0, 0], sizes = [1000, 128], strides = [1, 1]} : vector<1000x256xf32> to vector<1000x128xf32>
    %swap3A = arith.constant 0 : index
    %swap3A_14 = arith.constant 0 : index
    %swap3A_15 = vector.load %arg4[%swap3A, %swap3A_14] : memref<1000x128xf32, #tpu.memory_space<vmem>>, vector<1000x128xf32>
    tpu.vector_store %arg4[%swap3A, %swap3A_14], %slice3A_13 {strides = array<i32>} : memref<1000x128xf32, #tpu.memory_space<vmem>>, vector<1000x128xf32>,
    %slice3A_16 = vector.extract_strided_slice %mul3A_12 {offsets = [0, 128], sizes = [1000, 128], strides = [1, 1]} : vector<1000x256xf32> to vector<1000x128xf32>
    %swap3A_17 = arith.constant 0 : index
    %swap3A_18 = arith.constant 0 : index
    %swap3A_19 = vector.load %arg5[%swap3A_17, %swap3A_18] : memref<1000x128xf32, #tpu.memory_space<vmem>>, vector<1000x128xf32>
    tpu.vector_store %arg5[%swap3A_17, %swap3A_18], %slice3A_16 {strides = array<i32>} : memref<1000x128xf32, #tpu.memory_space<vmem>>, vector<1000x128xf32>,
    return
  }
  func.func @transform_0(%arg0: i32) -> (i32, i32) {
    %c0_i32 = arith.constant 0 : i32
    %c0_i32_0 = arith.constant 0 : i32
    return %arg0, %c0_i32 : i32, i32
  }
  func.func @transform_1(%arg0: i32) -> (i32, i32) {
    %c0_i32 = arith.constant 0 : i32
    %c0_i32_0 = arith.constant 0 : i32
    return %arg0, %c0_i32 : i32, i32
  }
  func.func @transform_2(%arg0: i32) -> (i32, i32) {
    %c0_i32 = arith.constant 0 : i32
    %c0_i32_0 = arith.constant 0 : i32
    return %arg0, %c0_i32 : i32, i32
  }
  func.func @transform_3(%arg0: i32) -> (i32, i32) {
    %c0_i32 = arith.constant 0 : i32
    %c0_i32_0 = arith.constant 0 : i32
    return %arg0, %c0_i32 : i32, i32
  }
  func.func @transform_4(%arg0: i32) -> (i32, i32) {
    %c0_i32 = arith.constant 0 : i32
    %c0_i32_0 = arith.constant 0 : i32
    return %arg0, %c0_i32 : i32, i32
  }
}

module attributes {stable_mosaic.version = 14 : i64} {
  func.func @_tc_b_body(%arg0: i32, %arg1: memref<1000x128xf32, #tpu.memory_space<vmem>>, %arg2: memref<1000x128xf32, #tpu.memory_space<vmem>>, %arg3: memref<1000x256xf32, #tpu.memory_space<vmem>>, %arg4: memref<1000x128xf32, #tpu.memory_space<vmem>>, %arg5: memref<1000x128xf32, #tpu.memory_space<vmem>>, %arg6: memref<1x256xf32, #tpu.memory_space<vmem>>, %arg7: memref<20x256xf32, #tpu.memory_space<vmem>>, %arg8: memref<256x256xf32, #tpu.memory_space<vmem>>, %arg9: memref<256x256xf32, #tpu.memory_space<vmem>>, %arg10: memref<1000x128xf32, #tpu.memory_space<vmem>>, %arg11: memref<1000x128xf32, #tpu.memory_space<vmem>>, %arg12: memref<1000x256xf32, #tpu.memory_space<vmem>>) attributes {dimension_semantics = [#tpu.dimension_semantics<arbitrary>], iteration_bounds = array<i64: 10>, scalar_prefetch = 0 : i64, scratch_operands = 0 : i64, tpu.core_type = #tpu.core_type<tc>, window_params = [{transform_indices = @transform_0, window_bounds = array<i64: 1000, 128>}, {transform_indices = @transform_1, window_bounds = array<i64: 1000, 128>}, {transform_indices = @transform_2, window_bounds = array<i64: 1000, 256>}, {transform_indices = @transform_3, window_bounds = array<i64: 1000, 128>}, {transform_indices = @transform_4, window_bounds = array<i64: 1000, 128>}, {pipeline_mode = #tpu.pipeline_mode<synchronous>, transform_indices = @transform_5, window_bounds = array<i64: 1, 256>}, {pipeline_mode = #tpu.pipeline_mode<synchronous>, transform_indices = @transform_6, window_bounds = array<i64: 20, 256>}, {pipeline_mode = #tpu.pipeline_mode<synchronous>, transform_indices = @transform_7, window_bounds = array<i64: 256, 256>}, {pipeline_mode = #tpu.pipeline_mode<synchronous>, transform_indices = @transform_8, window_bounds = array<i64: 256, 256>}, {transform_indices = @transform_9, window_bounds = array<i64: 1000, 128>}, {transform_indices = @transform_10, window_bounds = array<i64: 1000, 128>}, {transform_indices = @transform_11, window_bounds = array<i64: 1000, 256>}]} {
    %get3A = arith.constant 0 : index
    %get3A_0 = arith.constant 0 : index
    %get3A_1 = vector.load %arg4[%get3A, %get3A_0] : memref<1000x128xf32, #tpu.memory_space<vmem>>, vector<1000x128xf32>
    %get3A_2 = arith.constant 0 : index
    %get3A_3 = arith.constant 0 : index
    %get3A_4 = vector.load %arg5[%get3A_2, %get3A_3] : memref<1000x128xf32, #tpu.memory_space<vmem>>, vector<1000x128xf32>
    %add3A = arith.addf %get3A_1, %get3A_4 : vector<1000x128xf32>
    %gt3A = arith.constant 0.000000e+00 : f32
    %gt3A_5 = vector.broadcast %gt3A : f32 to vector<1000x128xf32>
    %gt3A_6 = arith.cmpf ogt, %add3A, %gt3A_5 : vector<1000x128xf32>
    %max3A = arith.constant 9.99999996E-13 : f32
    %max3A_7 = vector.broadcast %max3A : f32 to vector<1000x128xf32>
    %max3A_8 = arith.maximumf %add3A, %max3A_7 : vector<1000x128xf32>
    %rsqrt3A = math.rsqrt %max3A_8 : vector<1000x128xf32>
    %jit3A = arith.constant 0.000000e+00 : f32
    %broadcast_in_dim3A = vector.broadcast %jit3A : f32 to vector<1000x128xf32>
    %select_n3A = arith.select %gt3A_6, %rsqrt3A, %broadcast_in_dim3A : vector<1000x128xi1>, vector<1000x128xf32>
    %slice3A = vector.extract_strided_slice %select_n3A {offsets = [0, 0], sizes = [1000, 1], strides = [1, 1]} : vector<1000x128xf32> to vector<1000x1xf32>
    %get3A_9 = arith.constant 0 : index
    %get3A_10 = arith.constant 0 : index
    %get3A_11 = vector.load %arg1[%get3A_9, %get3A_10] : memref<1000x128xf32, #tpu.memory_space<vmem>>, vector<1000x128xf32>
    %get3A_12 = arith.constant 0 : index
    %get3A_13 = arith.constant 0 : index
    %get3A_14 = vector.load %arg2[%get3A_12, %get3A_13] : memref<1000x128xf32, #tpu.memory_space<vmem>>, vector<1000x128xf32>
    %concatenate3A = tpu.concatenate %get3A_11, %get3A_14 in 1 : vector<1000x128xf32>, vector<1000x128xf32> -> vector<1000x256xf32>
    %mul3A = vector.broadcast %slice3A : vector<1000x1xf32> to vector<1000x256xf32>
    %mul3A_15 = arith.mulf %concatenate3A, %mul3A : vector<1000x256xf32>
    %get3A_16 = arith.constant 0 : index
    %get3A_17 = arith.constant 0 : index
    %get3A_18 = vector.load %arg3[%get3A_16, %get3A_17] : memref<1000x256xf32, #tpu.memory_space<vmem>>, vector<1000x256xf32>
    %add3A_19 = arith.addf %mul3A_15, %get3A_18 : vector<1000x256xf32>
    %get3A_20 = arith.constant 0 : index
    %get3A_21 = arith.constant 0 : index
    %get3A_22 = vector.load %arg6[%get3A_20, %get3A_21] : memref<1x256xf32, #tpu.memory_space<vmem>>, vector<1x256xf32>
    %add3A_23 = vector.broadcast %get3A_22 : vector<1x256xf32> to vector<1000x256xf32>
    %add3A_24 = arith.addf %add3A_19, %add3A_23 : vector<1000x256xf32>
    %get3A_25 = arith.constant 0 : index
    %get3A_26 = arith.constant 0 : index
    %get3A_27 = vector.load %arg7[%get3A_25, %get3A_26] : memref<20x256xf32, #tpu.memory_space<vmem>>, vector<20x256xf32>
    %mul3A_28 = arith.constant 2.37499952 : f32
    %mul3A_29 = vector.broadcast %mul3A_28 : f32 to vector<1000x256xf32>
    %mul3A_30 = arith.mulf %mul3A_29, %add3A_24 : vector<1000x256xf32>
    %min3A = arith.constant 6.000000e+01 : f32
    %min3A_31 = vector.broadcast %min3A : f32 to vector<1000x256xf32>
    %min3A_32 = arith.minimumf %mul3A_30, %min3A_31 : vector<1000x256xf32>
    %exp3A = math.exp %min3A_32 : vector<1000x256xf32>
    %mul3A_33 = arith.constant -2.37499952 : f32
    %mul3A_34 = vector.broadcast %mul3A_33 : f32 to vector<1000x256xf32>
    %mul3A_35 = arith.mulf %mul3A_34, %add3A_24 : vector<1000x256xf32>
    %min3A_36 = arith.constant 6.000000e+01 : f32
    %min3A_37 = vector.broadcast %min3A_36 : f32 to vector<1000x256xf32>
    %min3A_38 = arith.minimumf %mul3A_35, %min3A_37 : vector<1000x256xf32>
    %exp3A_39 = math.exp %min3A_38 : vector<1000x256xf32>
    %sub3A = arith.constant -0.210526317 : f32
    %sub3A_40 = vector.broadcast %sub3A : f32 to vector<1000x256xf32>
    %sub3A_41 = arith.subf %add3A_24, %sub3A_40 : vector<1000x256xf32>
    %integer_pow3A = arith.mulf %sub3A_41, %sub3A_41 : vector<1000x256xf32>
    %mul3A_42 = arith.constant -2.82031155 : f32
    %mul3A_43 = vector.broadcast %mul3A_42 : f32 to vector<1000x256xf32>
    %mul3A_44 = arith.mulf %mul3A_43, %integer_pow3A : vector<1000x256xf32>
    %exp3A_45 = math.exp %mul3A_44 : vector<1000x256xf32>
    %slice3A_46 = vector.extract_strided_slice %get3A_27 {offsets = [9, 0], sizes = [1, 256], strides = [1, 1]} : vector<20x256xf32> to vector<1x256xf32>
    %mul3A_47 = vector.broadcast %slice3A_46 : vector<1x256xf32> to vector<1000x256xf32>
    %mul3A_48 = arith.mulf %mul3A_47, %exp3A_45 : vector<1000x256xf32>
    %mul3A_49 = arith.mulf %exp3A_45, %exp3A : vector<1000x256xf32>
    %slice3A_50 = vector.extract_strided_slice %get3A_27 {offsets = [10, 0], sizes = [1, 256], strides = [1, 1]} : vector<20x256xf32> to vector<1x256xf32>
    %mul3A_51 = vector.broadcast %slice3A_50 : vector<1x256xf32> to vector<1000x256xf32>
    %mul3A_52 = arith.mulf %mul3A_51, %mul3A_49 : vector<1000x256xf32>
    %add3A_53 = arith.addf %mul3A_48, %mul3A_52 : vector<1000x256xf32>
    %mul3A_54 = arith.mulf %mul3A_49, %exp3A : vector<1000x256xf32>
    %slice3A_55 = vector.extract_strided_slice %get3A_27 {offsets = [11, 0], sizes = [1, 256], strides = [1, 1]} : vector<20x256xf32> to vector<1x256xf32>
    %mul3A_56 = vector.broadcast %slice3A_55 : vector<1x256xf32> to vector<1000x256xf32>
    %mul3A_57 = arith.mulf %mul3A_56, %mul3A_54 : vector<1000x256xf32>
    %add3A_58 = arith.addf %add3A_53, %mul3A_57 : vector<1000x256xf32>
    %mul3A_59 = arith.mulf %mul3A_54, %exp3A : vector<1000x256xf32>
    %slice3A_60 = vector.extract_strided_slice %get3A_27 {offsets = [12, 0], sizes = [1, 256], strides = [1, 1]} : vector<20x256xf32> to vector<1x256xf32>
    %mul3A_61 = vector.broadcast %slice3A_60 : vector<1x256xf32> to vector<1000x256xf32>
    %mul3A_62 = arith.mulf %mul3A_61, %mul3A_59 : vector<1000x256xf32>
    %add3A_63 = arith.addf %add3A_58, %mul3A_62 : vector<1000x256xf32>
    %mul3A_64 = arith.mulf %mul3A_59, %exp3A : vector<1000x256xf32>
    %slice3A_65 = vector.extract_strided_slice %get3A_27 {offsets = [13, 0], sizes = [1, 256], strides = [1, 1]} : vector<20x256xf32> to vector<1x256xf32>
    %mul3A_66 = vector.broadcast %slice3A_65 : vector<1x256xf32> to vector<1000x256xf32>
    %mul3A_67 = arith.mulf %mul3A_66, %mul3A_64 : vector<1000x256xf32>
    %add3A_68 = arith.addf %add3A_63, %mul3A_67 : vector<1000x256xf32>
    %mul3A_69 = arith.mulf %mul3A_64, %exp3A : vector<1000x256xf32>
    %slice3A_70 = vector.extract_strided_slice %get3A_27 {offsets = [14, 0], sizes = [1, 256], strides = [1, 1]} : vector<20x256xf32> to vector<1x256xf32>
    %mul3A_71 = vector.broadcast %slice3A_70 : vector<1x256xf32> to vector<1000x256xf32>
    %mul3A_72 = arith.mulf %mul3A_71, %mul3A_69 : vector<1000x256xf32>
    %add3A_73 = arith.addf %add3A_68, %mul3A_72 : vector<1000x256xf32>
    %mul3A_74 = arith.mulf %mul3A_69, %exp3A : vector<1000x256xf32>
    %slice3A_75 = vector.extract_strided_slice %get3A_27 {offsets = [15, 0], sizes = [1, 256], strides = [1, 1]} : vector<20x256xf32> to vector<1x256xf32>
    %mul3A_76 = vector.broadcast %slice3A_75 : vector<1x256xf32> to vector<1000x256xf32>
    %mul3A_77 = arith.mulf %mul3A_76, %mul3A_74 : vector<1000x256xf32>
    %add3A_78 = arith.addf %add3A_73, %mul3A_77 : vector<1000x256xf32>
    %mul3A_79 = arith.mulf %mul3A_74, %exp3A : vector<1000x256xf32>
    %slice3A_80 = vector.extract_strided_slice %get3A_27 {offsets = [16, 0], sizes = [1, 256], strides = [1, 1]} : vector<20x256xf32> to vector<1x256xf32>
    %mul3A_81 = vector.broadcast %slice3A_80 : vector<1x256xf32> to vector<1000x256xf32>
    %mul3A_82 = arith.mulf %mul3A_81, %mul3A_79 : vector<1000x256xf32>
    %add3A_83 = arith.addf %add3A_78, %mul3A_82 : vector<1000x256xf32>
    %mul3A_84 = arith.mulf %mul3A_79, %exp3A : vector<1000x256xf32>
    %slice3A_85 = vector.extract_strided_slice %get3A_27 {offsets = [17, 0], sizes = [1, 256], strides = [1, 1]} : vector<20x256xf32> to vector<1x256xf32>
    %mul3A_86 = vector.broadcast %slice3A_85 : vector<1x256xf32> to vector<1000x256xf32>
    %mul3A_87 = arith.mulf %mul3A_86, %mul3A_84 : vector<1000x256xf32>
    %add3A_88 = arith.addf %add3A_83, %mul3A_87 : vector<1000x256xf32>
    %mul3A_89 = arith.mulf %mul3A_84, %exp3A : vector<1000x256xf32>
    %slice3A_90 = vector.extract_strided_slice %get3A_27 {offsets = [18, 0], sizes = [1, 256], strides = [1, 1]} : vector<20x256xf32> to vector<1x256xf32>
    %mul3A_91 = vector.broadcast %slice3A_90 : vector<1x256xf32> to vector<1000x256xf32>
    %mul3A_92 = arith.mulf %mul3A_91, %mul3A_89 : vector<1000x256xf32>
    %add3A_93 = arith.addf %add3A_88, %mul3A_92 : vector<1000x256xf32>
    %mul3A_94 = arith.mulf %mul3A_89, %exp3A : vector<1000x256xf32>
    %slice3A_95 = vector.extract_strided_slice %get3A_27 {offsets = [19, 0], sizes = [1, 256], strides = [1, 1]} : vector<20x256xf32> to vector<1x256xf32>
    %mul3A_96 = vector.broadcast %slice3A_95 : vector<1x256xf32> to vector<1000x256xf32>
    %mul3A_97 = arith.mulf %mul3A_96, %mul3A_94 : vector<1000x256xf32>
    %add3A_98 = arith.addf %add3A_93, %mul3A_97 : vector<1000x256xf32>
    %mul3A_99 = arith.mulf %exp3A_45, %exp3A_39 : vector<1000x256xf32>
    %slice3A_100 = vector.extract_strided_slice %get3A_27 {offsets = [8, 0], sizes = [1, 256], strides = [1, 1]} : vector<20x256xf32> to vector<1x256xf32>
    %mul3A_101 = vector.broadcast %slice3A_100 : vector<1x256xf32> to vector<1000x256xf32>
    %mul3A_102 = arith.mulf %mul3A_101, %mul3A_99 : vector<1000x256xf32>
    %add3A_103 = arith.addf %add3A_98, %mul3A_102 : vector<1000x256xf32>
    %mul3A_104 = arith.mulf %mul3A_99, %exp3A_39 : vector<1000x256xf32>
    %slice3A_105 = vector.extract_strided_slice %get3A_27 {offsets = [7, 0], sizes = [1, 256], strides = [1, 1]} : vector<20x256xf32> to vector<1x256xf32>
    %mul3A_106 = vector.broadcast %slice3A_105 : vector<1x256xf32> to vector<1000x256xf32>
    %mul3A_107 = arith.mulf %mul3A_106, %mul3A_104 : vector<1000x256xf32>
    %add3A_108 = arith.addf %add3A_103, %mul3A_107 : vector<1000x256xf32>
    %mul3A_109 = arith.mulf %mul3A_104, %exp3A_39 : vector<1000x256xf32>
    %slice3A_110 = vector.extract_strided_slice %get3A_27 {offsets = [6, 0], sizes = [1, 256], strides = [1, 1]} : vector<20x256xf32> to vector<1x256xf32>
    %mul3A_111 = vector.broadcast %slice3A_110 : vector<1x256xf32> to vector<1000x256xf32>
    %mul3A_112 = arith.mulf %mul3A_111, %mul3A_109 : vector<1000x256xf32>
    %add3A_113 = arith.addf %add3A_108, %mul3A_112 : vector<1000x256xf32>
    %mul3A_114 = arith.mulf %mul3A_109, %exp3A_39 : vector<1000x256xf32>
    %slice3A_115 = vector.extract_strided_slice %get3A_27 {offsets = [5, 0], sizes = [1, 256], strides = [1, 1]} : vector<20x256xf32> to vector<1x256xf32>
    %mul3A_116 = vector.broadcast %slice3A_115 : vector<1x256xf32> to vector<1000x256xf32>
    %mul3A_117 = arith.mulf %mul3A_116, %mul3A_114 : vector<1000x256xf32>
    %add3A_118 = arith.addf %add3A_113, %mul3A_117 : vector<1000x256xf32>
    %mul3A_119 = arith.mulf %mul3A_114, %exp3A_39 : vector<1000x256xf32>
    %slice3A_120 = vector.extract_strided_slice %get3A_27 {offsets = [4, 0], sizes = [1, 256], strides = [1, 1]} : vector<20x256xf32> to vector<1x256xf32>
    %mul3A_121 = vector.broadcast %slice3A_120 : vector<1x256xf32> to vector<1000x256xf32>
    %mul3A_122 = arith.mulf %mul3A_121, %mul3A_119 : vector<1000x256xf32>
    %add3A_123 = arith.addf %add3A_118, %mul3A_122 : vector<1000x256xf32>
    %mul3A_124 = arith.mulf %mul3A_119, %exp3A_39 : vector<1000x256xf32>
    %slice3A_125 = vector.extract_strided_slice %get3A_27 {offsets = [3, 0], sizes = [1, 256], strides = [1, 1]} : vector<20x256xf32> to vector<1x256xf32>
    %mul3A_126 = vector.broadcast %slice3A_125 : vector<1x256xf32> to vector<1000x256xf32>
    %mul3A_127 = arith.mulf %mul3A_126, %mul3A_124 : vector<1000x256xf32>
    %add3A_128 = arith.addf %add3A_123, %mul3A_127 : vector<1000x256xf32>
    %mul3A_129 = arith.mulf %mul3A_124, %exp3A_39 : vector<1000x256xf32>
    %slice3A_130 = vector.extract_strided_slice %get3A_27 {offsets = [2, 0], sizes = [1, 256], strides = [1, 1]} : vector<20x256xf32> to vector<1x256xf32>
    %mul3A_131 = vector.broadcast %slice3A_130 : vector<1x256xf32> to vector<1000x256xf32>
    %mul3A_132 = arith.mulf %mul3A_131, %mul3A_129 : vector<1000x256xf32>
    %add3A_133 = arith.addf %add3A_128, %mul3A_132 : vector<1000x256xf32>
    %mul3A_134 = arith.mulf %mul3A_129, %exp3A_39 : vector<1000x256xf32>
    %slice3A_135 = vector.extract_strided_slice %get3A_27 {offsets = [1, 0], sizes = [1, 256], strides = [1, 1]} : vector<20x256xf32> to vector<1x256xf32>
    %mul3A_136 = vector.broadcast %slice3A_135 : vector<1x256xf32> to vector<1000x256xf32>
    %mul3A_137 = arith.mulf %mul3A_136, %mul3A_134 : vector<1000x256xf32>
    %add3A_138 = arith.addf %add3A_133, %mul3A_137 : vector<1000x256xf32>
    %mul3A_139 = arith.mulf %mul3A_134, %exp3A_39 : vector<1000x256xf32>
    %slice3A_140 = vector.extract_strided_slice %get3A_27 {offsets = [0, 0], sizes = [1, 256], strides = [1, 1]} : vector<20x256xf32> to vector<1x256xf32>
    %mul3A_141 = vector.broadcast %slice3A_140 : vector<1x256xf32> to vector<1000x256xf32>
    %mul3A_142 = arith.mulf %mul3A_141, %mul3A_139 : vector<1000x256xf32>
    %add3A_143 = arith.addf %add3A_138, %mul3A_142 : vector<1000x256xf32>
    %get3A_144 = arith.constant 0 : index
    %get3A_145 = arith.constant 0 : index
    %get3A_146 = vector.load %arg8[%get3A_144, %get3A_145] : memref<256x256xf32, #tpu.memory_space<vmem>>, vector<256x256xf32>
    %dot_general3A = arith.constant dense<0.000000e+00> : vector<1000x256xf32>
    %dot_general3A_147 = tpu.matmul %add3A_143, %get3A_146, %dot_general3A {dimension_numbers = #tpu.dot_dimension_numbers<[1], [0], [0], [1], [0, 0, 1, 1], [], []>, transpose_lhs_hint = false} : vector<1000x256xf32>, vector<256x256xf32>, vector<1000x256xf32> -> vector<1000x256xf32>
    %mul3A_148 = vector.broadcast %slice3A : vector<1000x1xf32> to vector<1000x256xf32>
    %mul3A_149 = arith.mulf %dot_general3A_147, %mul3A_148 : vector<1000x256xf32>
    %slice3A_150 = vector.extract_strided_slice %mul3A_149 {offsets = [0, 0], sizes = [1000, 128], strides = [1, 1]} : vector<1000x256xf32> to vector<1000x128xf32>
    %swap3A = arith.constant 0 : index
    %swap3A_151 = arith.constant 0 : index
    %swap3A_152 = vector.load %arg10[%swap3A, %swap3A_151] : memref<1000x128xf32, #tpu.memory_space<vmem>>, vector<1000x128xf32>
    tpu.vector_store %arg10[%swap3A, %swap3A_151], %slice3A_150 {strides = array<i32>} : memref<1000x128xf32, #tpu.memory_space<vmem>>, vector<1000x128xf32>,
    %slice3A_153 = vector.extract_strided_slice %mul3A_149 {offsets = [0, 128], sizes = [1000, 128], strides = [1, 1]} : vector<1000x256xf32> to vector<1000x128xf32>
    %swap3A_154 = arith.constant 0 : index
    %swap3A_155 = arith.constant 0 : index
    %swap3A_156 = vector.load %arg11[%swap3A_154, %swap3A_155] : memref<1000x128xf32, #tpu.memory_space<vmem>>, vector<1000x128xf32>
    tpu.vector_store %arg11[%swap3A_154, %swap3A_155], %slice3A_153 {strides = array<i32>} : memref<1000x128xf32, #tpu.memory_space<vmem>>, vector<1000x128xf32>,
    %get3A_157 = arith.constant 0 : index
    %get3A_158 = arith.constant 0 : index
    %get3A_159 = vector.load %arg9[%get3A_157, %get3A_158] : memref<256x256xf32, #tpu.memory_space<vmem>>, vector<256x256xf32>
    %dot_general3A_160 = arith.constant dense<0.000000e+00> : vector<1000x256xf32>
    %dot_general3A_161 = tpu.matmul %add3A_143, %get3A_159, %dot_general3A_160 {dimension_numbers = #tpu.dot_dimension_numbers<[1], [0], [0], [1], [0, 0, 1, 1], [], []>, transpose_lhs_hint = false} : vector<1000x256xf32>, vector<256x256xf32>, vector<1000x256xf32> -> vector<1000x256xf32>
    %swap3A_162 = arith.constant 0 : index
    %swap3A_163 = arith.constant 0 : index
    %swap3A_164 = vector.load %arg12[%swap3A_162, %swap3A_163] : memref<1000x256xf32, #tpu.memory_space<vmem>>, vector<1000x256xf32>
    tpu.vector_store %arg12[%swap3A_162, %swap3A_163], %dot_general3A_161 {strides = array<i32>} : memref<1000x256xf32, #tpu.memory_space<vmem>>, vector<1000x256xf32>,
    return
  }
  func.func @transform_0(%arg0: i32) -> (i32, i32) {
    %c0_i32 = arith.constant 0 : i32
    %c0_i32_0 = arith.constant 0 : i32
    return %arg0, %c0_i32 : i32, i32
  }
  func.func @transform_1(%arg0: i32) -> (i32, i32) {
    %c0_i32 = arith.constant 0 : i32
    %c0_i32_0 = arith.constant 0 : i32
    return %arg0, %c0_i32 : i32, i32
  }
  func.func @transform_2(%arg0: i32) -> (i32, i32) {
    %c0_i32 = arith.constant 0 : i32
    %c0_i32_0 = arith.constant 0 : i32
    return %arg0, %c0_i32 : i32, i32
  }
  func.func @transform_3(%arg0: i32) -> (i32, i32) {
    %c0_i32 = arith.constant 0 : i32
    %c0_i32_0 = arith.constant 0 : i32
    return %arg0, %c0_i32 : i32, i32
  }
  func.func @transform_4(%arg0: i32) -> (i32, i32) {
    %c0_i32 = arith.constant 0 : i32
    %c0_i32_0 = arith.constant 0 : i32
    return %arg0, %c0_i32 : i32, i32
  }
  func.func @transform_5(%arg0: i32) -> (i32, i32) {
    %c0_i32 = arith.constant 0 : i32
    %c0_i32_0 = arith.constant 0 : i32
    %c0_i32_1 = arith.constant 0 : i32
    return %c0_i32, %c0_i32_0 : i32, i32
  }
  func.func @transform_6(%arg0: i32) -> (i32, i32) {
    %c0_i32 = arith.constant 0 : i32
    %c0_i32_0 = arith.constant 0 : i32
    %c0_i32_1 = arith.constant 0 : i32
    return %c0_i32, %c0_i32_0 : i32, i32
  }
  func.func @transform_7(%arg0: i32) -> (i32, i32) {
    %c0_i32 = arith.constant 0 : i32
    %c0_i32_0 = arith.constant 0 : i32
    %c0_i32_1 = arith.constant 0 : i32
    return %c0_i32, %c0_i32_0 : i32, i32
  }
  func.func @transform_8(%arg0: i32) -> (i32, i32) {
    %c0_i32 = arith.constant 0 : i32
    %c0_i32_0 = arith.constant 0 : i32
    %c0_i32_1 = arith.constant 0 : i32
    return %c0_i32, %c0_i32_0 : i32, i32
  }
  func.func @transform_9(%arg0: i32) -> (i32, i32) {
    %c0_i32 = arith.constant 0 : i32
    %c0_i32_0 = arith.constant 0 : i32
    return %arg0, %c0_i32 : i32, i32
  }
  func.func @transform_10(%arg0: i32) -> (i32, i32) {
    %c0_i32 = arith.constant 0 : i32
    %c0_i32_0 = arith.constant 0 : i32
    return %arg0, %c0_i32 : i32, i32
  }
  func.func @transform_11(%arg0: i32) -> (i32, i32) {
    %c0_i32 = arith.constant 0 : i32
    %c0_i32_0 = arith.constant 0 : i32
    return %arg0, %c0_i32 : i32, i32
  }
}

module attributes {stable_mosaic.version = 14 : i64} {
  func.func @_tc_c_body(%arg0: i32, %arg1: memref<1000x128xf32, #tpu.memory_space<vmem>>, %arg2: memref<1000x128xf32, #tpu.memory_space<vmem>>, %arg3: memref<1000x256xf32, #tpu.memory_space<vmem>>, %arg4: memref<1000x128xf32, #tpu.memory_space<vmem>>, %arg5: memref<1000x128xf32, #tpu.memory_space<vmem>>, %arg6: memref<1x256xf32, #tpu.memory_space<vmem>>, %arg7: memref<20x256xf32, #tpu.memory_space<vmem>>, %arg8: memref<1000x256xf32, #tpu.memory_space<vmem>>) attributes {dimension_semantics = [#tpu.dimension_semantics<arbitrary>], iteration_bounds = array<i64: 10>, scalar_prefetch = 0 : i64, scratch_operands = 0 : i64, tpu.core_type = #tpu.core_type<tc>, window_params = [{transform_indices = @transform_0, window_bounds = array<i64: 1000, 128>}, {transform_indices = @transform_1, window_bounds = array<i64: 1000, 128>}, {transform_indices = @transform_2, window_bounds = array<i64: 1000, 256>}, {transform_indices = @transform_3, window_bounds = array<i64: 1000, 128>}, {transform_indices = @transform_4, window_bounds = array<i64: 1000, 128>}, {pipeline_mode = #tpu.pipeline_mode<synchronous>, transform_indices = @transform_5, window_bounds = array<i64: 1, 256>}, {pipeline_mode = #tpu.pipeline_mode<synchronous>, transform_indices = @transform_6, window_bounds = array<i64: 20, 256>}, {transform_indices = @transform_7, window_bounds = array<i64: 1000, 256>}]} {
    %get3A = arith.constant 0 : index
    %get3A_0 = arith.constant 0 : index
    %get3A_1 = vector.load %arg4[%get3A, %get3A_0] : memref<1000x128xf32, #tpu.memory_space<vmem>>, vector<1000x128xf32>
    %get3A_2 = arith.constant 0 : index
    %get3A_3 = arith.constant 0 : index
    %get3A_4 = vector.load %arg5[%get3A_2, %get3A_3] : memref<1000x128xf32, #tpu.memory_space<vmem>>, vector<1000x128xf32>
    %add3A = arith.addf %get3A_1, %get3A_4 : vector<1000x128xf32>
    %gt3A = arith.constant 0.000000e+00 : f32
    %gt3A_5 = vector.broadcast %gt3A : f32 to vector<1000x128xf32>
    %gt3A_6 = arith.cmpf ogt, %add3A, %gt3A_5 : vector<1000x128xf32>
    %max3A = arith.constant 9.99999996E-13 : f32
    %max3A_7 = vector.broadcast %max3A : f32 to vector<1000x128xf32>
    %max3A_8 = arith.maximumf %add3A, %max3A_7 : vector<1000x128xf32>
    %rsqrt3A = math.rsqrt %max3A_8 : vector<1000x128xf32>
    %jit3A = arith.constant 0.000000e+00 : f32
    %broadcast_in_dim3A = vector.broadcast %jit3A : f32 to vector<1000x128xf32>
    %select_n3A = arith.select %gt3A_6, %rsqrt3A, %broadcast_in_dim3A : vector<1000x128xi1>, vector<1000x128xf32>
    %slice3A = vector.extract_strided_slice %select_n3A {offsets = [0, 0], sizes = [1000, 1], strides = [1, 1]} : vector<1000x128xf32> to vector<1000x1xf32>
    %get3A_9 = arith.constant 0 : index
    %get3A_10 = arith.constant 0 : index
    %get3A_11 = vector.load %arg1[%get3A_9, %get3A_10] : memref<1000x128xf32, #tpu.memory_space<vmem>>, vector<1000x128xf32>
    %get3A_12 = arith.constant 0 : index
    %get3A_13 = arith.constant 0 : index
    %get3A_14 = vector.load %arg2[%get3A_12, %get3A_13] : memref<1000x128xf32, #tpu.memory_space<vmem>>, vector<1000x128xf32>
    %concatenate3A = tpu.concatenate %get3A_11, %get3A_14 in 1 : vector<1000x128xf32>, vector<1000x128xf32> -> vector<1000x256xf32>
    %mul3A = vector.broadcast %slice3A : vector<1000x1xf32> to vector<1000x256xf32>
    %mul3A_15 = arith.mulf %concatenate3A, %mul3A : vector<1000x256xf32>
    %get3A_16 = arith.constant 0 : index
    %get3A_17 = arith.constant 0 : index
    %get3A_18 = vector.load %arg3[%get3A_16, %get3A_17] : memref<1000x256xf32, #tpu.memory_space<vmem>>, vector<1000x256xf32>
    %add3A_19 = arith.addf %mul3A_15, %get3A_18 : vector<1000x256xf32>
    %get3A_20 = arith.constant 0 : index
    %get3A_21 = arith.constant 0 : index
    %get3A_22 = vector.load %arg6[%get3A_20, %get3A_21] : memref<1x256xf32, #tpu.memory_space<vmem>>, vector<1x256xf32>
    %add3A_23 = vector.broadcast %get3A_22 : vector<1x256xf32> to vector<1000x256xf32>
    %add3A_24 = arith.addf %add3A_19, %add3A_23 : vector<1000x256xf32>
    %get3A_25 = arith.constant 0 : index
    %get3A_26 = arith.constant 0 : index
    %get3A_27 = vector.load %arg7[%get3A_25, %get3A_26] : memref<20x256xf32, #tpu.memory_space<vmem>>, vector<20x256xf32>
    %mul3A_28 = arith.constant 2.37499952 : f32
    %mul3A_29 = vector.broadcast %mul3A_28 : f32 to vector<1000x256xf32>
    %mul3A_30 = arith.mulf %mul3A_29, %add3A_24 : vector<1000x256xf32>
    %min3A = arith.constant 6.000000e+01 : f32
    %min3A_31 = vector.broadcast %min3A : f32 to vector<1000x256xf32>
    %min3A_32 = arith.minimumf %mul3A_30, %min3A_31 : vector<1000x256xf32>
    %exp3A = math.exp %min3A_32 : vector<1000x256xf32>
    %mul3A_33 = arith.constant -2.37499952 : f32
    %mul3A_34 = vector.broadcast %mul3A_33 : f32 to vector<1000x256xf32>
    %mul3A_35 = arith.mulf %mul3A_34, %add3A_24 : vector<1000x256xf32>
    %min3A_36 = arith.constant 6.000000e+01 : f32
    %min3A_37 = vector.broadcast %min3A_36 : f32 to vector<1000x256xf32>
    %min3A_38 = arith.minimumf %mul3A_35, %min3A_37 : vector<1000x256xf32>
    %exp3A_39 = math.exp %min3A_38 : vector<1000x256xf32>
    %sub3A = arith.constant -0.210526317 : f32
    %sub3A_40 = vector.broadcast %sub3A : f32 to vector<1000x256xf32>
    %sub3A_41 = arith.subf %add3A_24, %sub3A_40 : vector<1000x256xf32>
    %integer_pow3A = arith.mulf %sub3A_41, %sub3A_41 : vector<1000x256xf32>
    %mul3A_42 = arith.constant -2.82031155 : f32
    %mul3A_43 = vector.broadcast %mul3A_42 : f32 to vector<1000x256xf32>
    %mul3A_44 = arith.mulf %mul3A_43, %integer_pow3A : vector<1000x256xf32>
    %exp3A_45 = math.exp %mul3A_44 : vector<1000x256xf32>
    %slice3A_46 = vector.extract_strided_slice %get3A_27 {offsets = [9, 0], sizes = [1, 256], strides = [1, 1]} : vector<20x256xf32> to vector<1x256xf32>
    %mul3A_47 = vector.broadcast %slice3A_46 : vector<1x256xf32> to vector<1000x256xf32>
    %mul3A_48 = arith.mulf %mul3A_47, %exp3A_45 : vector<1000x256xf32>
    %mul3A_49 = arith.mulf %exp3A_45, %exp3A : vector<1000x256xf32>
    %slice3A_50 = vector.extract_strided_slice %get3A_27 {offsets = [10, 0], sizes = [1, 256], strides = [1, 1]} : vector<20x256xf32> to vector<1x256xf32>
    %mul3A_51 = vector.broadcast %slice3A_50 : vector<1x256xf32> to vector<1000x256xf32>
    %mul3A_52 = arith.mulf %mul3A_51, %mul3A_49 : vector<1000x256xf32>
    %add3A_53 = arith.addf %mul3A_48, %mul3A_52 : vector<1000x256xf32>
    %mul3A_54 = arith.mulf %mul3A_49, %exp3A : vector<1000x256xf32>
    %slice3A_55 = vector.extract_strided_slice %get3A_27 {offsets = [11, 0], sizes = [1, 256], strides = [1, 1]} : vector<20x256xf32> to vector<1x256xf32>
    %mul3A_56 = vector.broadcast %slice3A_55 : vector<1x256xf32> to vector<1000x256xf32>
    %mul3A_57 = arith.mulf %mul3A_56, %mul3A_54 : vector<1000x256xf32>
    %add3A_58 = arith.addf %add3A_53, %mul3A_57 : vector<1000x256xf32>
    %mul3A_59 = arith.mulf %mul3A_54, %exp3A : vector<1000x256xf32>
    %slice3A_60 = vector.extract_strided_slice %get3A_27 {offsets = [12, 0], sizes = [1, 256], strides = [1, 1]} : vector<20x256xf32> to vector<1x256xf32>
    %mul3A_61 = vector.broadcast %slice3A_60 : vector<1x256xf32> to vector<1000x256xf32>
    %mul3A_62 = arith.mulf %mul3A_61, %mul3A_59 : vector<1000x256xf32>
    %add3A_63 = arith.addf %add3A_58, %mul3A_62 : vector<1000x256xf32>
    %mul3A_64 = arith.mulf %mul3A_59, %exp3A : vector<1000x256xf32>
    %slice3A_65 = vector.extract_strided_slice %get3A_27 {offsets = [13, 0], sizes = [1, 256], strides = [1, 1]} : vector<20x256xf32> to vector<1x256xf32>
    %mul3A_66 = vector.broadcast %slice3A_65 : vector<1x256xf32> to vector<1000x256xf32>
    %mul3A_67 = arith.mulf %mul3A_66, %mul3A_64 : vector<1000x256xf32>
    %add3A_68 = arith.addf %add3A_63, %mul3A_67 : vector<1000x256xf32>
    %mul3A_69 = arith.mulf %mul3A_64, %exp3A : vector<1000x256xf32>
    %slice3A_70 = vector.extract_strided_slice %get3A_27 {offsets = [14, 0], sizes = [1, 256], strides = [1, 1]} : vector<20x256xf32> to vector<1x256xf32>
    %mul3A_71 = vector.broadcast %slice3A_70 : vector<1x256xf32> to vector<1000x256xf32>
    %mul3A_72 = arith.mulf %mul3A_71, %mul3A_69 : vector<1000x256xf32>
    %add3A_73 = arith.addf %add3A_68, %mul3A_72 : vector<1000x256xf32>
    %mul3A_74 = arith.mulf %mul3A_69, %exp3A : vector<1000x256xf32>
    %slice3A_75 = vector.extract_strided_slice %get3A_27 {offsets = [15, 0], sizes = [1, 256], strides = [1, 1]} : vector<20x256xf32> to vector<1x256xf32>
    %mul3A_76 = vector.broadcast %slice3A_75 : vector<1x256xf32> to vector<1000x256xf32>
    %mul3A_77 = arith.mulf %mul3A_76, %mul3A_74 : vector<1000x256xf32>
    %add3A_78 = arith.addf %add3A_73, %mul3A_77 : vector<1000x256xf32>
    %mul3A_79 = arith.mulf %mul3A_74, %exp3A : vector<1000x256xf32>
    %slice3A_80 = vector.extract_strided_slice %get3A_27 {offsets = [16, 0], sizes = [1, 256], strides = [1, 1]} : vector<20x256xf32> to vector<1x256xf32>
    %mul3A_81 = vector.broadcast %slice3A_80 : vector<1x256xf32> to vector<1000x256xf32>
    %mul3A_82 = arith.mulf %mul3A_81, %mul3A_79 : vector<1000x256xf32>
    %add3A_83 = arith.addf %add3A_78, %mul3A_82 : vector<1000x256xf32>
    %mul3A_84 = arith.mulf %mul3A_79, %exp3A : vector<1000x256xf32>
    %slice3A_85 = vector.extract_strided_slice %get3A_27 {offsets = [17, 0], sizes = [1, 256], strides = [1, 1]} : vector<20x256xf32> to vector<1x256xf32>
    %mul3A_86 = vector.broadcast %slice3A_85 : vector<1x256xf32> to vector<1000x256xf32>
    %mul3A_87 = arith.mulf %mul3A_86, %mul3A_84 : vector<1000x256xf32>
    %add3A_88 = arith.addf %add3A_83, %mul3A_87 : vector<1000x256xf32>
    %mul3A_89 = arith.mulf %mul3A_84, %exp3A : vector<1000x256xf32>
    %slice3A_90 = vector.extract_strided_slice %get3A_27 {offsets = [18, 0], sizes = [1, 256], strides = [1, 1]} : vector<20x256xf32> to vector<1x256xf32>
    %mul3A_91 = vector.broadcast %slice3A_90 : vector<1x256xf32> to vector<1000x256xf32>
    %mul3A_92 = arith.mulf %mul3A_91, %mul3A_89 : vector<1000x256xf32>
    %add3A_93 = arith.addf %add3A_88, %mul3A_92 : vector<1000x256xf32>
    %mul3A_94 = arith.mulf %mul3A_89, %exp3A : vector<1000x256xf32>
    %slice3A_95 = vector.extract_strided_slice %get3A_27 {offsets = [19, 0], sizes = [1, 256], strides = [1, 1]} : vector<20x256xf32> to vector<1x256xf32>
    %mul3A_96 = vector.broadcast %slice3A_95 : vector<1x256xf32> to vector<1000x256xf32>
    %mul3A_97 = arith.mulf %mul3A_96, %mul3A_94 : vector<1000x256xf32>
    %add3A_98 = arith.addf %add3A_93, %mul3A_97 : vector<1000x256xf32>
    %mul3A_99 = arith.mulf %exp3A_45, %exp3A_39 : vector<1000x256xf32>
    %slice3A_100 = vector.extract_strided_slice %get3A_27 {offsets = [8, 0], sizes = [1, 256], strides = [1, 1]} : vector<20x256xf32> to vector<1x256xf32>
    %mul3A_101 = vector.broadcast %slice3A_100 : vector<1x256xf32> to vector<1000x256xf32>
    %mul3A_102 = arith.mulf %mul3A_101, %mul3A_99 : vector<1000x256xf32>
    %add3A_103 = arith.addf %add3A_98, %mul3A_102 : vector<1000x256xf32>
    %mul3A_104 = arith.mulf %mul3A_99, %exp3A_39 : vector<1000x256xf32>
    %slice3A_105 = vector.extract_strided_slice %get3A_27 {offsets = [7, 0], sizes = [1, 256], strides = [1, 1]} : vector<20x256xf32> to vector<1x256xf32>
    %mul3A_106 = vector.broadcast %slice3A_105 : vector<1x256xf32> to vector<1000x256xf32>
    %mul3A_107 = arith.mulf %mul3A_106, %mul3A_104 : vector<1000x256xf32>
    %add3A_108 = arith.addf %add3A_103, %mul3A_107 : vector<1000x256xf32>
    %mul3A_109 = arith.mulf %mul3A_104, %exp3A_39 : vector<1000x256xf32>
    %slice3A_110 = vector.extract_strided_slice %get3A_27 {offsets = [6, 0], sizes = [1, 256], strides = [1, 1]} : vector<20x256xf32> to vector<1x256xf32>
    %mul3A_111 = vector.broadcast %slice3A_110 : vector<1x256xf32> to vector<1000x256xf32>
    %mul3A_112 = arith.mulf %mul3A_111, %mul3A_109 : vector<1000x256xf32>
    %add3A_113 = arith.addf %add3A_108, %mul3A_112 : vector<1000x256xf32>
    %mul3A_114 = arith.mulf %mul3A_109, %exp3A_39 : vector<1000x256xf32>
    %slice3A_115 = vector.extract_strided_slice %get3A_27 {offsets = [5, 0], sizes = [1, 256], strides = [1, 1]} : vector<20x256xf32> to vector<1x256xf32>
    %mul3A_116 = vector.broadcast %slice3A_115 : vector<1x256xf32> to vector<1000x256xf32>
    %mul3A_117 = arith.mulf %mul3A_116, %mul3A_114 : vector<1000x256xf32>
    %add3A_118 = arith.addf %add3A_113, %mul3A_117 : vector<1000x256xf32>
    %mul3A_119 = arith.mulf %mul3A_114, %exp3A_39 : vector<1000x256xf32>
    %slice3A_120 = vector.extract_strided_slice %get3A_27 {offsets = [4, 0], sizes = [1, 256], strides = [1, 1]} : vector<20x256xf32> to vector<1x256xf32>
    %mul3A_121 = vector.broadcast %slice3A_120 : vector<1x256xf32> to vector<1000x256xf32>
    %mul3A_122 = arith.mulf %mul3A_121, %mul3A_119 : vector<1000x256xf32>
    %add3A_123 = arith.addf %add3A_118, %mul3A_122 : vector<1000x256xf32>
    %mul3A_124 = arith.mulf %mul3A_119, %exp3A_39 : vector<1000x256xf32>
    %slice3A_125 = vector.extract_strided_slice %get3A_27 {offsets = [3, 0], sizes = [1, 256], strides = [1, 1]} : vector<20x256xf32> to vector<1x256xf32>
    %mul3A_126 = vector.broadcast %slice3A_125 : vector<1x256xf32> to vector<1000x256xf32>
    %mul3A_127 = arith.mulf %mul3A_126, %mul3A_124 : vector<1000x256xf32>
    %add3A_128 = arith.addf %add3A_123, %mul3A_127 : vector<1000x256xf32>
    %mul3A_129 = arith.mulf %mul3A_124, %exp3A_39 : vector<1000x256xf32>
    %slice3A_130 = vector.extract_strided_slice %get3A_27 {offsets = [2, 0], sizes = [1, 256], strides = [1, 1]} : vector<20x256xf32> to vector<1x256xf32>
    %mul3A_131 = vector.broadcast %slice3A_130 : vector<1x256xf32> to vector<1000x256xf32>
    %mul3A_132 = arith.mulf %mul3A_131, %mul3A_129 : vector<1000x256xf32>
    %add3A_133 = arith.addf %add3A_128, %mul3A_132 : vector<1000x256xf32>
    %mul3A_134 = arith.mulf %mul3A_129, %exp3A_39 : vector<1000x256xf32>
    %slice3A_135 = vector.extract_strided_slice %get3A_27 {offsets = [1, 0], sizes = [1, 256], strides = [1, 1]} : vector<20x256xf32> to vector<1x256xf32>
    %mul3A_136 = vector.broadcast %slice3A_135 : vector<1x256xf32> to vector<1000x256xf32>
    %mul3A_137 = arith.mulf %mul3A_136, %mul3A_134 : vector<1000x256xf32>
    %add3A_138 = arith.addf %add3A_133, %mul3A_137 : vector<1000x256xf32>
    %mul3A_139 = arith.mulf %mul3A_134, %exp3A_39 : vector<1000x256xf32>
    %slice3A_140 = vector.extract_strided_slice %get3A_27 {offsets = [0, 0], sizes = [1, 256], strides = [1, 1]} : vector<20x256xf32> to vector<1x256xf32>
    %mul3A_141 = vector.broadcast %slice3A_140 : vector<1x256xf32> to vector<1000x256xf32>
    %mul3A_142 = arith.mulf %mul3A_141, %mul3A_139 : vector<1000x256xf32>
    %add3A_143 = arith.addf %add3A_138, %mul3A_142 : vector<1000x256xf32>
    %swap3A = arith.constant 0 : index
    %swap3A_144 = arith.constant 0 : index
    %swap3A_145 = vector.load %arg8[%swap3A, %swap3A_144] : memref<1000x256xf32, #tpu.memory_space<vmem>>, vector<1000x256xf32>
    tpu.vector_store %arg8[%swap3A, %swap3A_144], %add3A_143 {strides = array<i32>} : memref<1000x256xf32, #tpu.memory_space<vmem>>, vector<1000x256xf32>,
    return
  }
  func.func @transform_0(%arg0: i32) -> (i32, i32) {
    %c0_i32 = arith.constant 0 : i32
    %c0_i32_0 = arith.constant 0 : i32
    return %arg0, %c0_i32 : i32, i32
  }
  func.func @transform_1(%arg0: i32) -> (i32, i32) {
    %c0_i32 = arith.constant 0 : i32
    %c0_i32_0 = arith.constant 0 : i32
    return %arg0, %c0_i32 : i32, i32
  }
  func.func @transform_2(%arg0: i32) -> (i32, i32) {
    %c0_i32 = arith.constant 0 : i32
    %c0_i32_0 = arith.constant 0 : i32
    return %arg0, %c0_i32 : i32, i32
  }
  func.func @transform_3(%arg0: i32) -> (i32, i32) {
    %c0_i32 = arith.constant 0 : i32
    %c0_i32_0 = arith.constant 0 : i32
    return %arg0, %c0_i32 : i32, i32
  }
  func.func @transform_4(%arg0: i32) -> (i32, i32) {
    %c0_i32 = arith.constant 0 : i32
    %c0_i32_0 = arith.constant 0 : i32
    return %arg0, %c0_i32 : i32, i32
  }
  func.func @transform_5(%arg0: i32) -> (i32, i32) {
    %c0_i32 = arith.constant 0 : i32
    %c0_i32_0 = arith.constant 0 : i32
    %c0_i32_1 = arith.constant 0 : i32
    return %c0_i32, %c0_i32_0 : i32, i32
  }
  func.func @transform_6(%arg0: i32) -> (i32, i32) {
    %c0_i32 = arith.constant 0 : i32
    %c0_i32_0 = arith.constant 0 : i32
    %c0_i32_1 = arith.constant 0 : i32
    return %c0_i32, %c0_i32_0 : i32, i32
  }
  func.func @transform_7(%arg0: i32) -> (i32, i32) {
    %c0_i32 = arith.constant 0 : i32
    %c0_i32_0 = arith.constant 0 : i32
    return %arg0, %c0_i32 : i32, i32
  }
}

</mosaic_0001>

<sc_bundles>
// kernel: kernel.12.cloned.1.call-start
scs
__scs_entry_jumppad:
0x0: {  	(pc) =	sbr.rel $0x88, $3  }
0x1: {  	(tag) =	ssettag $0x0;
	lr =	simm.s32 $0x1  }
0x2: {  	[smem:$0x3F98] =	sst lr;
	_ =	strace $0xD0000000  }
0x3: {  	_ = 	snop  }
0x4: {  	_ = 	snop  }
0x5: {  	_ = 	snop  }
0x6: {  	_ = 	snop  }
0x7: {  	_ = 	snop  }
__scs_overlays_trampoline_lowered:
0x8: {  	[smem:$0x3FA7] =	sst s0  }
0x9: {  	[smem:$0x3FA8] =	sst s1  }
0xa: {  	[smem:$0x3FA9] =	sst s2  }
0xb: {  	[smem:$0x3FAA] =	sst s3  }
0xc: {  	[smem:$0x3FAB] =	sst s4  }
0xd: {  	[smem:$0x3FAC] =	sst s5  }
0xe: {  	[smem:$0x3FAD] =	sst s6  }
0xf: {  	[smem:$0x3FAE] =	sst s7  }
0x10: {  	[smem:$0x3FAF] =	sst s8  }
0x11: {  	[smem:$0x3FB0] =	sst s9;
	s0 =	simm.s32 @!p0 $0x0  }
0x12: {  	s1 =	sld [smem:$0x3F96];
	s0 =	simm.s32 @p0 $0x1  }
0x13: {  	[smem:$0x3FB1] =	sst s0;
	s0 =	simm.s32 @!p1 $0x0  }
0x14: {  	s2 =	sld [smem:$0x3F95];
	s0 =	simm.s32 @p1 $0x1  }
0x15: {  	[smem:$0x3FB2] =	sst s0;
	s0 =	simm.s32 @!p2 $0x0  }
0x16: {  	s3 =	sld [smem:$0x3FDB];
	s0 =	simm.s32 @p2 $0x1  }
0x17: {  	s4 =	simm.s32 $0x1BF5;
	[smem:$0x3FB4] =	sst s0  }
0x18: {  	s0 =	sld [smem:$0x3F97];
	_ =	swait.ge [sflag:s4], $0x0  }
0x19: {  	s7 =	sld [smem:$0x3F98]  }
0x1a: {  	s8 =	sadd.s32 $0xFFFFE003, lr  }
0x1b: {  	s9 =	sadd.s32 $0xFFFFFEF7, lr;
	s5 =	simm.s32 $0xFFFFFFFF;
	p2 =	slt.u32 s8, $0xFFFFF086  }
0x1c: {  	p1 =	slt.u32 s9, $0xF7A;
	s5 =	simm.s32 @!p2 $0x0  }
0x1d: {  	s5 =	simm.s32 @p1 $0x1;
	p0 =	seq.s32 s7, s2  }
0x1e: {  	s7 =	smul.u32 @!p0 $0xF7A, s2;
	p2 =	seq.s32 @!p0 s5, $0x0  }
0x1f: {  	s9 =	smul.u32 $0xF7A, s1;
	s8 =	simm.s32 @!p0 $0x1BF5;
	p2 =	por !p2, p0  }
0x20: {  	[sflag:s8] =	ssyncset.s32 @!p0 $0xFFFFF086;
	s6 =	sadd.s32 @!p0 s3, s7;
	s7 =	simm.s32 @!p0 $0x108  }
0x21: {  	s3 =	sadd.s32 s3, s9;
	s6 =	sadd.s32 @!p0 $0x88, s6;
	s7 =	simm.s32 @p2 $0x1082  }
0x22: {  	[simem:s7], [sflag:s8] =	dma.local @!p0 [hbm:s6], $0xF7A  }
0x23: {  	s9 =	sor.u32 $0xD0000000, s2;
	s6 =	simm.s32 $0x108;
	_ =	swait.ge @!p0 [sflag:s8], $0x0  }
0x24: {  	s3 =	sadd.s32 $0x88, s3;
	s6 =	simm.s32 @!p1 $0x1082;
	[sflag:s4] =	ssyncset.s32 $0xFFFFF086  }
0x25: {  	[simem:s6], [sflag:s4] =	dma.local [hbm:s3], $0xF7A  }
0x26: {  	[smem:$0x3F98] =	sst s1;
	(tag) =	ssettag s2;
	_ =	strace s9  }
0x27: {  	s1 =	sld [smem:$0x3FA8]  }
0x28: {  	s2 =	sld [smem:$0x3FA9]  }
0x29: {  	s4 =	sld [smem:$0x3FAB]  }
0x2a: {  	p0 =	seq.s32 s5, $0x0;
	s5 =	sld [smem:$0x3FAC]  }
0x2b: {  	s6 =	sld [smem:$0x3FAD]  }
0x2c: {  	s7 =	sld [smem:$0x3FAE]  }
0x2d: {  	s3 =	simm.s32 $0x108;
	s8 =	sld [smem:$0x3FAF]  }
0x2e: {  	s3 =	simm.s32 @!p0 $0x1082;
	s9 =	sld [smem:$0x3FB0]  }
0x2f: {  	lr =	sadd.s32 s0, s3;
	s0 =	sld [smem:$0x3FA7]  }
0x30: {  	s3 =	sld [smem:$0x3FAA]  }
0x31: {  	[smem:$0x3FB3] =	sst s10  }
0x32: {  	s10 =	sld [smem:$0x3FB1];
	_ =	sdelay $0x3  }
0x33: {  	p0 =	seq.s32 s10, $0x1;
	s10 =	sld [smem:$0x3FB3];
	_ =	sdelay $0x3  }
0x34: {  	[smem:$0x3FB3] =	sst s10  }
0x35: {  	s10 =	sld [smem:$0x3FB2];
	_ =	sdelay $0x3  }
0x36: {  	p1 =	seq.s32 s10, $0x1;
	s10 =	sld [smem:$0x3FB3];
	_ =	sdelay $0x3  }
0x37: {  	[smem:$0x3FB3] =	sst s10  }
0x38: {  	s10 =	sld [smem:$0x3FB4]  }
0x39: {  	_ = 	snop;
	(pc) =	sbr.ind lr, $3  }
0x3a: {  	_ = 	snop  }
0x3b: {  	_ = 	snop  }
0x3c: {  	p2 =	seq.s32 s10, $0x1;
	s10 =	sld [smem:$0x3FB3]  }
0x3d: {  	_ =	shalt  }
0x3e: {  	_ =	shalt  }
0x3f: {  	_ =	shalt  }
0x40: {  	_ =	shalt  }
0x41: {  	_ =	shalt  }
0x42: {  	_ =	shalt  }
0x43: {  	_ =	shalt  }
0x44: {  	_ =	shalt  }
0x45: {  	_ =	shalt  }
0x46: {  	_ =	shalt  }
0x47: {  	_ =	shalt  }
0x48: {  	_ =	shalt  }
0x49: {  	_ =	shalt  }
0x4a: {  	_ =	shalt  }
0x4b: {  	_ =	shalt  }
0x4c: {  	_ =	shalt  }
0x4d: {  	_ =	shalt  }
0x4e: {  	_ =	shalt  }
0x4f: {  	_ =	shalt  }
0x50: {  	_ =	shalt  }
0x51: {  	_ =	shalt  }
0x52: {  	_ =	shalt  }
0x53: {  	_ =	shalt  }
0x54: {  	_ =	shalt  }
0x55: {  	_ =	shalt  }
0x56: {  	_ =	shalt  }
0x57: {  	_ =	shalt  }
0x58: {  	_ =	shalt  }
0x59: {  	_ =	shalt  }
0x5a: {  	_ =	shalt  }
0x5b: {  	_ =	shalt  }
0x5c: {  	_ =	shalt  }
0x5d: {  	_ =	shalt  }
0x5e: {  	_ =	shalt  }
0x5f: {  	_ =	shalt  }
0x60: {  	_ =	shalt  }
0x61: {  	_ =	shalt  }
0x62: {  	_ =	shalt  }
0x63: {  	_ =	shalt  }
0x64: {  	_ =	shalt  }
0x65: {  	_ =	shalt  }
0x66: {  	_ =	shalt  }
0x67: {  	_ =	shalt  }
0x68: {  	_ =	shalt  }
0x69: {  	_ =	shalt  }
0x6a: {  	_ =	shalt  }
0x6b: {  	_ =	shalt  }
0x6c: {  	_ =	shalt  }
0x6d: {  	_ =	shalt  }
0x6e: {  	_ =	shalt  }
0x6f: {  	_ =	shalt  }
0x70: {  	_ =	shalt  }
0x71: {  	_ =	shalt  }
0x72: {  	_ =	shalt  }
0x73: {  	_ =	shalt  }
0x74: {  	_ =	shalt  }
0x75: {  	_ =	shalt  }
0x76: {  	_ =	shalt  }
0x77: {  	_ =	shalt  }
0x78: {  	_ =	shalt  }
0x79: {  	_ =	shalt  }
0x7a: {  	_ =	shalt  }
0x7b: {  	_ =	shalt  }
0x7c: {  	_ =	shalt  }
0x7d: {  	_ =	shalt  }
0x7e: {  	_ =	shalt  }
0x7f: {  	_ =	shalt  }
0x80: {  	_ =	shalt  }
0x81: {  	_ =	shalt  }
0x82: {  	_ =	shalt  }
0x83: {  	_ =	shalt  }
0x84: {  	_ =	shalt  }
0x85: {  	_ =	shalt  }
0x86: {  	_ =	shalt  }
0x87: {  	_ =	shalt  }
.Lfunc_end0:
.L_simem_size_0:
called_computation.1_lowered:
.L_overlay_start_0:
0x88: {  	s2 =	sld [smem:$0x3FD9]  }
0x89: {  	s3 =	sld [smem:$0x3FFE];
	_ =	sdelay $0x1  }
0x8a: {  	s1 =	srdreg.scid  }
0x8b: {  	s0 =	sand.u32 $0x1, s1  }
0x8c: {  	s17 =	sshll.u32 s0, $0xA;
	s2 =	sadd.s32 s3, s2  }
0x8d: {  	s2 =	sadd.s32 s2, s17  }
0x8e: {  	[smem:$0x3FBF] =	sst s2  }
0x8f: {  	_ = 	snop  }
0x90: {  	s2 =	sld [smem:$0x3FD0];
	(tm) =	ssettm $0x1  }
0x91: {  	s18 =	sld [smem:$0x3FFB];
	_ =	sdelay $0x3  }
0x92: {  	_ =	strace s18  }
0x93: {  	s3 =	sld [smem:$0x3FFC];
	_ =	sdelay $0x3  }
0x94: {  	_ =	strace s3  }
0x95: {  	s3 =	sld [smem:$0x3FFD];
	_ =	sdelay $0x3  }
0x96: {  	_ =	strace s3  }
0x97: {  	_ =	strace $0x8FFFFFFF  }
0x98: {  	s19 =	sld [smem:$0x3FDB];
	_ =	sdelay $0x1  }
0x99: {  	s4 =	simm.s32 $_scs_section_size  }
0x9a: {  	s5 =	simm.s32 $_size__tile_overlayer_lowered;
	s6 =	simm.s32 $_tile_overlayer_lowered  }
0x9b: {  	s22 =	simm.s32 $0x1BFF;
	s21 =	sshll.u32 s6, $0x1;
	s3 =	sadd.s32 s4, s19  }
0x9c: {  	s7 =	simm.s32 $0x0;
	s20 =	sshll.u32 s5, $0x1;
	s5 =	sadd.s32 s21, s3  }
0x9d: {  	[timem:s7], [sflag:s22] =	dma.local [hbm:s5], s20  }
0x9e: {  	_ =	swait.ge [sflag:s22], s20  }
0x9f: {  	s4 =	ssub.s32 $0x0, s20;
	[sflag:s22] =	ssyncset.done $0x0  }
0xa0: {  	[sflag:s22] =	ssyncadd.s32 s4;
	_ =	sdelay $0x1  }
0xa1: {  	s23 =	simm.s32 $0x1B8B  }
0xa2: {  	_ =	swait.ge [sflag:s23], $0x1  }
0xa3: {  	[sflag:s23] =	ssyncset.done $0x0  }
0xa4: {  	s25 =	simm.s32 $0x1B8E;
	s24 =	sld [smem:$0x3FFE];
	[sflag:s23] =	ssyncadd.s32 $0xFFFFFFFF  }
0xa5: {  	s26 =	simm.s32 $execute0_lowered;
	[smem:$0x3FD2] =	sst s25  }
0xa6: {  	s5 =	sshll.u32 s26, $0x1;
	_ =	strace $0x80000049;
	[dreg:$0x1] =	wrdreg $0xFFFFFFFF  }
0xa7: {  	s28 =	simm.s32 $_size_execute0_lowered;
	s3 =	sadd.s32 s3, s5;
	[dreg:$0x0] =	wrdreg $0x0  }
0xa8: {  	s5 =	sshll.u32 s28, $0x1;
	[dreg:$0x2] =	wrdreg s3  }
0xa9: {  	[dreg:$0x3] =	wrdreg s5  }
0xaa: {  	[dreg:$0x4] =	wrdreg $0xC0  }
0xab: {  	_ =	task [dreg:s7], $0x5FFFF  }
0xac: {  	[dreg:$0x1] =	wrdreg $0xFFFFFFFF  }
0xad: {  	[dreg:$0x0] =	wrdreg $0x60  }
0xae: {  	[dreg:$0x2] =	wrdreg s2  }
0xaf: {  	[dreg:$0x3] =	wrdreg s24  }
0xb0: {  	[dreg:$0x4] =	wrdreg $0xA6000  }
0xb1: {  	[dreg:$0x5] =	wrdreg $0x9  }
0xb2: {  	_ =	task.clear_ibuf [dreg:s7], $0x6FFFF;
	_ =	strace $0x90000049  }
0xb3: {  	s29 =	simm.s32 $0x9;
	_ =	strace $0x8000004B  }
0xb4: {  	_ =	swait.ge [sflag:s29], $0x1  }
0xb5: {  	[sflag:s29] =	ssyncadd.s32 $0xFFFFFFFF  }
0xb6: {  	_ =	strace $0x9000004B  }
0xb7: {  	_ =	sfence  }
0xb8: {  	s30 =	sld [smem:$0x0];
	_ =	sdelay $0x2  }
0xb9: {  	s31 =	sshll.u32 s1, $0xD;
	s1 =	sshrl.u32 s1, $0x2  }
0xba: {  	s3 =	sand.u32 $0x4000, s31;
	s1 =	sadd.s32 s1, s30  }
0xbb: {  	s0 =	sor.u32 s3, s0;
	s1 =	sshll.u32 s1, $0x11  }
0xbc: {  	s0 =	sor.u32 s1, s0  }
0xbd: {  	s0 =	sadd.s32 $0x8F2B, s0  }
0xbe: {  	[sflag:s0] =	ssyncadd.remote.s32 $0x1  }
0xbf: {  	_ =	sfence.sel $0xFFFF  }
0xc0: {  	[dreg:$0x0] =	wrdreg $0xFFFFFFFF;
	(pc) =	sbr.abs _section_cstart, $3  }
0xc1: {  	[dreg:$0x1] =	wrdreg $0xFFFFFFFF  }
0xc2: {  	_ =	task.clear_ibuf [dreg:s7], $0x2FFFF;
	_ =	strace $0x9FFFFFFF  }
0xc3: {  	(tm) =	ssettm $0x7FFFFFFF  }
tec
execute0_lowered:
.L_overlay_start_1:
0x0: {  	(tag) =	ssettag $0x1  }
0x1: {  	s1 =	rddreg [dreg:$0x0]  }
0x2: {  	s6 =	rddreg [dreg:$0x1]  }
0x3: {  	s3 =	rddreg [dreg:$0x2];
	s4 =	simm.s32 $0x0  }
0x4: {  	s2 =	stileid.u32;
	s5 =	srdreg.scid;
	s18 =	simm.s32 $0x200  }
0x5: {  	s19 =	simm.s32 $0x300;
	s20 =	simm.s32 $0x3;
	s21 =	simm.s32 $0x50  }
0x6: {  	s22 =	simm.s32 $0x600;
	s23 =	simm.s32 $0x2E00;
	s7 =	smul.u32 $0x2800, s2  }
0x7: {  	s24 =	simm.s32 $0x4;
	s25 =	simm.s32 $0x0;
	s10 =	smul.u32 $0x50000, s2  }
0x8: {  	[smem:$0x7FF] =	sst s4;
	s12 =	sand.u32 $0x1, s5;
	s11 =	smul.u32 $0x7D00, s2  }
0x9: {  	s5 =	sadd.s32 $0xDF400, s6;
	s14 =	sadd.s32 $0xCFA00, s6;
	s17 =	smul.u32 $0xFA0, s2  }
0xa: {  	s31 =	sshll.u32 s2, $0x6;
	_ =	strace $0x8000004A;
	s8 =	smul.u32 $0x28000, s12  }
0xb: {  	s26 =	ssub.s32 $0x2, s12;
	p0 =	seq.s32 s12, $0x1;
	s9 =	sadd.s32 s7, s6  }
0xc: {  	s28 =	sshrl.u32 s26, $0x1;
	s29 =	sshrl.u32 s10, $0x2;
	s30 =	sshrl.u32 s11, $0x3  }
0xd: {  	s7 =	sadd.s32 s7, s8;
	s15 =	ssub.s32 s26, s28;
	s16 =	sadd.s32 s29, s3  }
.Ltmp0:
0xe: {  	s8 =	sor.u32 $0x1C05, s31;
	s13 =	sadd.s32 s7, s6;
	(pc) =	sbr.rel .LBB2_1-.Ltmp0, $4  }
0xf: {  	s6 =	sadd.s32 $0x9800, s9;
	s7 =	sadd.s32 s14, s30;
	s14 =	sadd.s32 s17, s14  }
0x10: {  	s17 =	simm.s32 $0x100;
	s9 =	sadd.s32 $0x20, s7;
	s10 =	sadd.s32 $0x40, s7  }
0x11: {  	s11 =	sadd.s32 $0x60, s7;
	s12 =	sadd.s32 $0x106600, s13;
	s13 =	smax.u32 s15, $0x1  }
0x12: {  	s14 =	sadd.s32 $0x80, s14;
	s15 =	sshrl.u32 s16, $0x3;
	s16 =	simm.s32 $0x5  }
.LBB2_14:
0x13: {  	_ =	swait.ge [sflag:s24], $0x2800  }
0x14: {  	[sflag:s24] =	ssyncset.done $0x0  }
0x15: {  	[sflag:s24] =	ssyncadd.s32 $0xFFFFD800  }
0x16: {  	_ =	swait.ge [sflag:s24], $0x2800  }
0x17: {  	s25 =	sadd.s32 $0x1, s25;
	[sflag:s24] =	ssyncset.done $0x0  }
0x18: {  	p1 =	sne.s32 s25, s13;
	[sflag:s24] =	ssyncadd.s32 $0xFFFFD800  }
.Ltmp1:
0x19: {  	[bflag:$0x0] =	sbarrier.arrive $0xFFFF;
	(pc) =	sbr.rel @!p1 .LBB2_15-.Ltmp1, $4  }
0x1a: {  	[hbm:s12], [sflag:s8] =	dma.local [spmem:s15], $0x2800  }
0x1b: {  	_ =	swait.ge [sflag:s16], $0x2800  }
0x1c: {  	[sflag:s16] =	ssyncset.done $0x0  }
0x1d: {  	[sflag:s16] =	ssyncadd.s32 $0xFFFFD800  }
.LBB2_1:
0x1e: {  	[spmem:s15], [sflag:s8] =	dma.local [hbm:s6], $0x2800  }
0x1f: {  	_ =	swait.ge [sflag:s16], $0x2800  }
0x20: {  	[sflag:s16] =	ssyncset.done $0x0  }
0x21: {  	[sflag:s16] =	ssyncadd.s32 $0xFFFFD800  }
0x22: {  	[tilespmem:s4], [sflag:$0x3] =	stream.linear.gather [hbm4b:s7+s4], $0x100, $0x38;
	[tilespmem:$0x1E600] =	vst v63  }
0x23: {  	_ = 	snop  }
0x24: {  	[tilespmem:s17], [sflag:$0x3] =	stream.linear.gather [hbm4b:s9+s4], $0x100, $0x38;
	[tilespmem:$0x1E600] =	vst v63  }
0x25: {  	_ = 	snop  }
0x26: {  	[tilespmem:s18], [sflag:$0x3] =	stream.linear.gather [hbm4b:s10+s4], $0x100, $0x38;
	[tilespmem:$0x1E600] =	vst v63  }
0x27: {  	_ = 	snop  }
0x28: {  	[tilespmem:s19], [sflag:$0x3] =	stream.linear.gather [hbm4b:s11+s4], $0x100, $0x38;
	[tilespmem:$0x1E600] =	vst v63  }
.Ltmp2:
0x29: {  	_ = 	snop;
	(pc) =	sbr.rel @!p0 .LBB2_2-.Ltmp2, $4  }
0x2a: {  	[bflag:$0x0] =	sbarrier.arrive $0xFFFF  }
0x2b: {  	_ =	swait.ge [sflag:s20], $0x100  }
0x2c: {  	[sflag:s20] =	ssyncset.done $0x0  }
0x2d: {  	s26 =	simm.s32 $0x0;
	[sflag:s20] =	ssyncadd.s32 $0xFFFFFF00  }
0x2e: {  	[tilespmem:s22], [sflag:$0x1] =	stream.indirect.gather [hbm4b:s5+s21], $0x80, s26, s21, $0xb8;
	[tilespmem:$0x1E600] =	vst v63  }
.Ltmp3:
0x2f: {  	_ = 	snop;
	(pc) =	sbr.rel .LBB2_9-.Ltmp3, $4  }
0x30: {  	_ =	swait.ge [sflag:s20], $0x100  }
0x31: {  	[sflag:s20] =	ssyncset.done $0x0  }
0x32: {  	s28 =	smov.u32 s14;
	[sflag:s20] =	ssyncadd.s32 $0xFFFFFF00  }
0x33: {  	[tilespmem:s23], [sflag:$0x2] =	stream.indirect.gather [hbm4b:s5+s21], $0x80, s17, s21, $0xb8;
	[tilespmem:$0x1E600] =	vst v63  }
.LBB2_10:
0x34: {  	s0 =	sadd.s32 $0x4, s26  }
0x35: {  	s30 =	smul.u32 $0xAB, s0;
	_ =	sdelay $0x1  }
0x36: {  	s30 =	sshrl.u32 s30, $0xA  }
0x37: {  	s30 =	sand.u32 $0x3F, s30  }
0x38: {  	s30 =	smul.u32 $0x6, s30;
	_ =	sdelay $0x1  }
0x39: {  	s0 =	ssub.s32 s0, s30  }
0x3a: {  	s0 =	sand.u32 $0xFF, s0  }
0x3b: {  	s0 =	sshll.u32 s0, $0x8  }
0x3c: {  	[tilespmem:s0], [sflag:$0x3] =	stream.linear.gather [hbm4b:s28+s4], $0x100, $0x38;
	[tilespmem:$0x1E600] =	vst v63  }
.LBB2_12:
0x3d: {  	s0 =	sadd.s32 $0x2, s26  }
0x3e: {  	s30 =	smul.u32 $0xAB, s0;
	_ =	sdelay $0x1  }
0x3f: {  	s30 =	sshrl.u32 s30, $0xA  }
0x40: {  	s30 =	sand.u32 $0x3F, s30  }
0x41: {  	s31 =	sand.u32 $0x3, s0;
	s30 =	smul.u32 $0x6, s30  }
0x42: {  	s31 =	smul.u32 $0xA000, s31  }
0x43: {  	_ =	swait.ge [sflag:s20], $0x100;
	s0 =	ssub.s32 s0, s30  }
0x44: {  	[sflag:s20] =	ssyncset.done $0x0;
	s31 =	sshrl.u32 s31, $0x2;
	s0 =	sand.u32 $0xFF, s0  }
0x45: {  	[sflag:s20] =	ssyncadd.s32 $0xFFFFFF00;
	s30 =	sor.u32 $0x600, s31;
	s0 =	sshll.u32 s0, $0x8  }
0x46: {  	[tilespmem:s30], [sflag:s29] =	stream.indirect.gather [hbm4b:s5+s21], $0x80, s0, s21, $0xb8;
	[tilespmem:$0x1E600] =	vst v63  }
.LBB2_13:
0x47: {  	s0 =	smul.u32 $0xAB, s26;
	_ =	sdelay $0x1  }
0x48: {  	s0 =	sshrl.u32 s0, $0xA  }
0x49: {  	s0 =	sand.u32 $0x3F, s0  }
0x4a: {  	s0 =	smul.u32 $0x6, s0;
	_ =	sdelay $0x1  }
0x4b: {  	s29 =	sand.u32 $0x3, s26;
	s0 =	ssub.s32 s26, s0;
	s26 =	sadd.s32 $0x1, s26  }
0x4c: {  	s29 =	smul.u32 $0xA000, s29;
	p1 =	sne.s32 s26, $0x7D  }
.Ltmp4:
0x4d: {  	_ = 	snop;
	(pc) =	sbr.rel @!p1 .LBB2_14-.Ltmp4, $4  }
0x4e: {  	s0 =	sand.u32 $0xFF, s0  }
0x4f: {  	s29 =	sshrl.u32 s29, $0x2;
	s0 =	sshll.u32 s0, $0x8  }
0x50: {  	s28 =	sadd.s32 $0x20, s28;
	s29 =	sor.u32 $0x600, s29;
	s0 =	sor.u32 $0x80, s0  }
0x51: {  	[spmem:s3] =	stream.indirect.scatter.add.f32 [tilespmem:s29], [sflag:$0x4], $0x80, s0, s21, $0xb8;
	[tilespmem:$0x1E600] =	vst v63  }
.LBB2_9:
0x52: {  	s0 =	sand.u32 $0x1, s26;
	p1 =	slt.u32 s26, $0x2  }
0x53: {  	s29 =	sadd.s32 $0x1, s0;
	p2 =	sgt.u32 @!p1 s26, $0x78  }
0x54: {  	_ =	swait.ge [sflag:s29], $0x2800;
	p2 =	por p1, !p2  }
.Ltmp5:
0x55: {  	[sflag:s29] =	ssyncset.done $0x0;
	(pc) =	sbr.rel @p2 .LBB2_10-.Ltmp5, $4  }
0x56: {  	s0 =	simm.s32 @!p1 $0x4;
	[sflag:s29] =	ssyncadd.s32 $0xFFFFD800  }
0x57: {  	_ =	swait.ge @!p1 [sflag:s0], $0x2800  }
0x58: {  	[sflag:s0] =	ssyncset.done @!p1 $0x0  }
0x59: {  	[sflag:s0] =	ssyncadd.s32 @!p1 $0xFFFFD800  }
0x5a: {  	p1 =	sgt.u32 s26, $0x7A  }
.Ltmp6:
0x5b: {  	_ = 	snop;
	(pc) =	sbr.rel @p1 .LBB2_13-.Ltmp6, $4  }
.Ltmp7:
0x5c: {  	_ = 	snop;
	(pc) =	sbr.rel @!p1 .LBB2_12-.Ltmp7, $4  }
0x5d: {  	_ = 	snop  }
0x5e: {  	_ = 	snop  }
0x5f: {  	_ = 	snop  }
0x60: {  	_ = 	snop  }
.LBB2_2:
0x61: {  	[tilespmem:s22], [sflag:$0x1] =	stream.indirect.gather [hbm4b:s1+s21], $0x80, s26, s21, $0xb8;
	[tilespmem:$0x1E600] =	vst v63  }
.Ltmp8:
0x62: {  	_ = 	snop;
	(pc) =	sbr.rel .LBB2_3-.Ltmp8, $4  }
0x63: {  	_ =	swait.ge [sflag:s20], $0x100  }
0x64: {  	[sflag:s20] =	ssyncset.done $0x0  }
0x65: {  	s28 =	smov.u32 s14;
	[sflag:s20] =	ssyncadd.s32 $0xFFFFFF00  }
0x66: {  	[tilespmem:s23], [sflag:$0x2] =	stream.indirect.gather [hbm4b:s1+s21], $0x80, s17, s21, $0xb8;
	[tilespmem:$0x1E600] =	vst v63  }
.LBB2_4:
0x67: {  	s30 =	sadd.s32 $0x4, s26  }
0x68: {  	s31 =	smul.u32 $0xAB, s30;
	_ =	sdelay $0x1  }
0x69: {  	s31 =	sshrl.u32 s31, $0xA  }
0x6a: {  	s31 =	sand.u32 $0x3F, s31  }
0x6b: {  	s31 =	smul.u32 $0x6, s31;
	_ =	sdelay $0x1  }
0x6c: {  	s30 =	ssub.s32 s30, s31  }
0x6d: {  	s30 =	sand.u32 $0xFF, s30  }
0x6e: {  	s30 =	sshll.u32 s30, $0x8  }
0x6f: {  	[tilespmem:s30], [sflag:$0x3] =	stream.linear.gather [hbm4b:s28+s4], $0x100, $0x38;
	[tilespmem:$0x1E600] =	vst v63  }
.LBB2_6:
0x70: {  	s30 =	sadd.s32 $0x2, s26  }
0x71: {  	s31 =	smul.u32 $0xAB, s30;
	_ =	sdelay $0x1  }
0x72: {  	s31 =	sshrl.u32 s31, $0xA  }
0x73: {  	s31 =	sand.u32 $0x3F, s31  }
0x74: {  	s0 =	sand.u32 $0x3, s30;
	s31 =	smul.u32 $0x6, s31  }
0x75: {  	s0 =	smul.u32 $0xA000, s0  }
0x76: {  	_ =	swait.ge [sflag:s20], $0x100;
	s30 =	ssub.s32 s30, s31  }
0x77: {  	[sflag:s20] =	ssyncset.done $0x0;
	s0 =	sshrl.u32 s0, $0x2;
	s30 =	sand.u32 $0xFF, s30  }
0x78: {  	[sflag:s20] =	ssyncadd.s32 $0xFFFFFF00;
	s0 =	sor.u32 $0x600, s0;
	s30 =	sshll.u32 s30, $0x8  }
0x79: {  	[tilespmem:s0], [sflag:s29] =	stream.indirect.gather [hbm4b:s1+s21], $0x80, s30, s21, $0xb8;
	[tilespmem:$0x1E600] =	vst v63  }
.LBB2_7:
0x7a: {  	s0 =	smul.u32 $0xAB, s26;
	_ =	sdelay $0x1  }
0x7b: {  	s0 =	sshrl.u32 s0, $0xA  }
0x7c: {  	s0 =	sand.u32 $0x3F, s0  }
0x7d: {  	s0 =	smul.u32 $0x6, s0;
	_ =	sdelay $0x1  }
0x7e: {  	s29 =	sand.u32 $0x3, s26;
	s0 =	ssub.s32 s26, s0;
	s26 =	sadd.s32 $0x1, s26  }
0x7f: {  	s29 =	smul.u32 $0xA000, s29;
	p1 =	seq.s32 s26, $0x7D  }
.Ltmp9:
0x80: {  	_ = 	snop;
	(pc) =	sbr.rel @p1 .LBB2_14-.Ltmp9, $4  }
0x81: {  	s0 =	sand.u32 $0xFF, s0  }
0x82: {  	s29 =	sshrl.u32 s29, $0x2;
	s0 =	sshll.u32 s0, $0x8  }
0x83: {  	s28 =	sadd.s32 $0x20, s28;
	s29 =	sor.u32 $0x600, s29;
	s0 =	sor.u32 $0x80, s0  }
0x84: {  	[spmem:s3] =	stream.indirect.scatter.add.f32 [tilespmem:s29], [sflag:$0x4], $0x80, s0, s21, $0xb8;
	[tilespmem:$0x1E600] =	vst v63  }
.LBB2_3:
0x85: {  	s29 =	sand.u32 $0x1, s26;
	p1 =	slt.u32 s26, $0x2  }
0x86: {  	s29 =	sadd.s32 $0x1, s29;
	p2 =	sgt.u32 @!p1 s26, $0x78  }
0x87: {  	_ =	swait.ge [sflag:s29], $0x2800;
	p2 =	por p1, !p2  }
.Ltmp10:
0x88: {  	[sflag:s29] =	ssyncset.done $0x0;
	(pc) =	sbr.rel @p2 .LBB2_4-.Ltmp10, $4  }
0x89: {  	s30 =	simm.s32 @!p1 $0x4;
	[sflag:s29] =	ssyncadd.s32 $0xFFFFD800  }
0x8a: {  	_ =	swait.ge @!p1 [sflag:s30], $0x2800  }
0x8b: {  	[sflag:s30] =	ssyncset.done @!p1 $0x0  }
0x8c: {  	[sflag:s30] =	ssyncadd.s32 @!p1 $0xFFFFD800  }
0x8d: {  	p1 =	sgt.u32 s26, $0x7A  }
.Ltmp11:
0x8e: {  	_ = 	snop;
	(pc) =	sbr.rel @p1 .LBB2_7-.Ltmp11, $4  }
.Ltmp12:
0x8f: {  	_ = 	snop;
	(pc) =	sbr.rel @!p1 .LBB2_6-.Ltmp12, $4  }
0x90: {  	_ = 	snop  }
0x91: {  	_ = 	snop  }
0x92: {  	_ = 	snop  }
0x93: {  	_ = 	snop  }
.LBB2_15:
0x94: {  	_ =	sfence.sel $0x180000  }
0x95: {  	[bflag:$0x0] =	sbarrier.arrive $0xFFFF  }
0x96: {  	_ =	strace $0x9000004A  }
0x97: {  	[bflag:$0x2] =	sbarrier.arrive $0xFFFF  }
0x98: {  	p0 =	sne.s32 s2, $0x0;
	s0 =	rddreg [dreg:$0x3]  }
0x99: {  	s0 =	sadd.s32 @!p0 $0x100000, s0  }
0x9a: {  	[sflag:s0] =	ssyncadd.tile.s32 @!p0 $0x1;
	_ =	shalt  }
.Lfunc_end2:
_tile_overlayer_lowered:
.L_overlay_start_2:
0x9b: {  	(tag) =	ssettag $0x2  }
0x9c: {  	s0 =	rddreg [dreg:$0x0];
	s2 =	stileid.u32  }
0x9d: {  	s1 =	rddreg [dreg:$0x1];
	p0 =	sne.s32 s2, $0x0  }
0x9e: {  	s3 =	rddreg [dreg:$0x2];
	[bflag:$0x3] =	sbarrier.arrive $0xFFFF;
	s2 =	simm.s32 @!p0 $0x1C05  }
0x9f: {  	[timem:s3], [sflag:s2] =	dma.local @!p0 [hbm:s0], s1  }
0xa0: {  	s0 =	simm.s32 @!p0 $0x5  }
0xa1: {  	_ =	swait.ge @!p0 [sflag:s0], s1  }
0xa2: {  	s1 =	ssub.s32 @!p0 $0x0, s1;
	[sflag:s0] =	ssyncset.done @!p0 $0x0  }
0xa3: {  	[sflag:s0] =	ssyncadd.s32 @!p0 s1  }
0xa4: {  	[bflag:$0x3] =	sbarrier.arrive $0xFFFF  }
0xa5: {  	_ =	shalt  }

// kernel: kernel.15.cloned.1.call-start
scs
__scs_entry_jumppad:
0x0: {  	(pc) =	sbr.rel $0x88, $3  }
0x1: {  	(tag) =	ssettag $0x0;
	lr =	simm.s32 $0x1  }
0x2: {  	[smem:$0x3F98] =	sst lr;
	_ =	strace $0xD0000000  }
0x3: {  	_ = 	snop  }
0x4: {  	_ = 	snop  }
0x5: {  	_ = 	snop  }
0x6: {  	_ = 	snop  }
0x7: {  	_ = 	snop  }
__scs_overlays_trampoline_lowered:
0x8: {  	[smem:$0x3FA7] =	sst s0  }
0x9: {  	[smem:$0x3FA8] =	sst s1  }
0xa: {  	[smem:$0x3FA9] =	sst s2  }
0xb: {  	[smem:$0x3FAA] =	sst s3  }
0xc: {  	[smem:$0x3FAB] =	sst s4  }
0xd: {  	[smem:$0x3FAC] =	sst s5  }
0xe: {  	[smem:$0x3FAD] =	sst s6  }
0xf: {  	[smem:$0x3FAE] =	sst s7  }
0x10: {  	[smem:$0x3FAF] =	sst s8  }
0x11: {  	[smem:$0x3FB0] =	sst s9;
	s0 =	simm.s32 @!p0 $0x0  }
0x12: {  	s1 =	sld [smem:$0x3F96];
	s0 =	simm.s32 @p0 $0x1  }
0x13: {  	[smem:$0x3FB1] =	sst s0;
	s0 =	simm.s32 @!p1 $0x0  }
0x14: {  	s2 =	sld [smem:$0x3F95];
	s0 =	simm.s32 @p1 $0x1  }
0x15: {  	[smem:$0x3FB2] =	sst s0;
	s0 =	simm.s32 @!p2 $0x0  }
0x16: {  	s3 =	sld [smem:$0x3FDB];
	s0 =	simm.s32 @p2 $0x1  }
0x17: {  	s4 =	simm.s32 $0x1BF5;
	[smem:$0x3FB4] =	sst s0  }
0x18: {  	s0 =	sld [smem:$0x3F97];
	_ =	swait.ge [sflag:s4], $0x0  }
0x19: {  	s7 =	sld [smem:$0x3F98]  }
0x1a: {  	s8 =	sadd.s32 $0xFFFFE003, lr  }
0x1b: {  	s9 =	sadd.s32 $0xFFFFFEF7, lr;
	s5 =	simm.s32 $0xFFFFFFFF;
	p2 =	slt.u32 s8, $0xFFFFF086  }
0x1c: {  	p1 =	slt.u32 s9, $0xF7A;
	s5 =	simm.s32 @!p2 $0x0  }
0x1d: {  	s5 =	simm.s32 @p1 $0x1;
	p0 =	seq.s32 s7, s2  }
0x1e: {  	s7 =	smul.u32 @!p0 $0xF7A, s2;
	p2 =	seq.s32 @!p0 s5, $0x0  }
0x1f: {  	s9 =	smul.u32 $0xF7A, s1;
	s8 =	simm.s32 @!p0 $0x1BF5;
	p2 =	por !p2, p0  }
0x20: {  	[sflag:s8] =	ssyncset.s32 @!p0 $0xFFFFF086;
	s6 =	sadd.s32 @!p0 s3, s7;
	s7 =	simm.s32 @!p0 $0x108  }
0x21: {  	s3 =	sadd.s32 s3, s9;
	s6 =	sadd.s32 @!p0 $0x88, s6;
	s7 =	simm.s32 @p2 $0x1082  }
0x22: {  	[simem:s7], [sflag:s8] =	dma.local @!p0 [hbm:s6], $0xF7A  }
0x23: {  	s9 =	sor.u32 $0xD0000000, s2;
	s6 =	simm.s32 $0x108;
	_ =	swait.ge @!p0 [sflag:s8], $0x0  }
0x24: {  	s3 =	sadd.s32 $0x88, s3;
	s6 =	simm.s32 @!p1 $0x1082;
	[sflag:s4] =	ssyncset.s32 $0xFFFFF086  }
0x25: {  	[simem:s6], [sflag:s4] =	dma.local [hbm:s3], $0xF7A  }
0x26: {  	[smem:$0x3F98] =	sst s1;
	(tag) =	ssettag s2;
	_ =	strace s9  }
0x27: {  	s1 =	sld [smem:$0x3FA8]  }
0x28: {  	s2 =	sld [smem:$0x3FA9]  }
0x29: {  	s4 =	sld [smem:$0x3FAB]  }
0x2a: {  	p0 =	seq.s32 s5, $0x0;
	s5 =	sld [smem:$0x3FAC]  }
0x2b: {  	s6 =	sld [smem:$0x3FAD]  }
0x2c: {  	s7 =	sld [smem:$0x3FAE]  }
0x2d: {  	s3 =	simm.s32 $0x108;
	s8 =	sld [smem:$0x3FAF]  }
0x2e: {  	s3 =	simm.s32 @!p0 $0x1082;
	s9 =	sld [smem:$0x3FB0]  }
0x2f: {  	lr =	sadd.s32 s0, s3;
	s0 =	sld [smem:$0x3FA7]  }
0x30: {  	s3 =	sld [smem:$0x3FAA]  }
0x31: {  	[smem:$0x3FB3] =	sst s10  }
0x32: {  	s10 =	sld [smem:$0x3FB1];
	_ =	sdelay $0x3  }
0x33: {  	p0 =	seq.s32 s10, $0x1;
	s10 =	sld [smem:$0x3FB3];
	_ =	sdelay $0x3  }
0x34: {  	[smem:$0x3FB3] =	sst s10  }
0x35: {  	s10 =	sld [smem:$0x3FB2];
	_ =	sdelay $0x3  }
0x36: {  	p1 =	seq.s32 s10, $0x1;
	s10 =	sld [smem:$0x3FB3];
	_ =	sdelay $0x3  }
0x37: {  	[smem:$0x3FB3] =	sst s10  }
0x38: {  	s10 =	sld [smem:$0x3FB4]  }
0x39: {  	_ = 	snop;
	(pc) =	sbr.ind lr, $3  }
0x3a: {  	_ = 	snop  }
0x3b: {  	_ = 	snop  }
0x3c: {  	p2 =	seq.s32 s10, $0x1;
	s10 =	sld [smem:$0x3FB3]  }
0x3d: {  	_ =	shalt  }
0x3e: {  	_ =	shalt  }
0x3f: {  	_ =	shalt  }
0x40: {  	_ =	shalt  }
0x41: {  	_ =	shalt  }
0x42: {  	_ =	shalt  }
0x43: {  	_ =	shalt  }
0x44: {  	_ =	shalt  }
0x45: {  	_ =	shalt  }
0x46: {  	_ =	shalt  }
0x47: {  	_ =	shalt  }
0x48: {  	_ =	shalt  }
0x49: {  	_ =	shalt  }
0x4a: {  	_ =	shalt  }
0x4b: {  	_ =	shalt  }
0x4c: {  	_ =	shalt  }
0x4d: {  	_ =	shalt  }
0x4e: {  	_ =	shalt  }
0x4f: {  	_ =	shalt  }
0x50: {  	_ =	shalt  }
0x51: {  	_ =	shalt  }
0x52: {  	_ =	shalt  }
0x53: {  	_ =	shalt  }
0x54: {  	_ =	shalt  }
0x55: {  	_ =	shalt  }
0x56: {  	_ =	shalt  }
0x57: {  	_ =	shalt  }
0x58: {  	_ =	shalt  }
0x59: {  	_ =	shalt  }
0x5a: {  	_ =	shalt  }
0x5b: {  	_ =	shalt  }
0x5c: {  	_ =	shalt  }
0x5d: {  	_ =	shalt  }
0x5e: {  	_ =	shalt  }
0x5f: {  	_ =	shalt  }
0x60: {  	_ =	shalt  }
0x61: {  	_ =	shalt  }
0x62: {  	_ =	shalt  }
0x63: {  	_ =	shalt  }
0x64: {  	_ =	shalt  }
0x65: {  	_ =	shalt  }
0x66: {  	_ =	shalt  }
0x67: {  	_ =	shalt  }
0x68: {  	_ =	shalt  }
0x69: {  	_ =	shalt  }
0x6a: {  	_ =	shalt  }
0x6b: {  	_ =	shalt  }
0x6c: {  	_ =	shalt  }
0x6d: {  	_ =	shalt  }
0x6e: {  	_ =	shalt  }
0x6f: {  	_ =	shalt  }
0x70: {  	_ =	shalt  }
0x71: {  	_ =	shalt  }
0x72: {  	_ =	shalt  }
0x73: {  	_ =	shalt  }
0x74: {  	_ =	shalt  }
0x75: {  	_ =	shalt  }
0x76: {  	_ =	shalt  }
0x77: {  	_ =	shalt  }
0x78: {  	_ =	shalt  }
0x79: {  	_ =	shalt  }
0x7a: {  	_ =	shalt  }
0x7b: {  	_ =	shalt  }
0x7c: {  	_ =	shalt  }
0x7d: {  	_ =	shalt  }
0x7e: {  	_ =	shalt  }
0x7f: {  	_ =	shalt  }
0x80: {  	_ =	shalt  }
0x81: {  	_ =	shalt  }
0x82: {  	_ =	shalt  }
0x83: {  	_ =	shalt  }
0x84: {  	_ =	shalt  }
0x85: {  	_ =	shalt  }
0x86: {  	_ =	shalt  }
0x87: {  	_ =	shalt  }
.Lfunc_end0:
.L_simem_size_0:
called_computation.2_lowered:
.L_overlay_start_0:
0x88: {  	s2 =	sld [smem:$0x3FD9]  }
0x89: {  	s3 =	sld [smem:$0x3FFE];
	_ =	sdelay $0x1  }
0x8a: {  	s1 =	srdreg.scid  }
0x8b: {  	s0 =	sand.u32 $0x1, s1  }
0x8c: {  	s17 =	sshll.u32 s0, $0xA;
	s2 =	sadd.s32 s3, s2  }
0x8d: {  	s2 =	sadd.s32 s2, s17  }
0x8e: {  	[smem:$0x3FBF] =	sst s2  }
0x8f: {  	_ = 	snop  }
0x90: {  	s2 =	sld [smem:$0x3FD0];
	(tm) =	ssettm $0x1  }
0x91: {  	s18 =	sld [smem:$0x3FFB];
	_ =	sdelay $0x3  }
0x92: {  	_ =	strace s18  }
0x93: {  	s3 =	sld [smem:$0x3FFC];
	_ =	sdelay $0x3  }
0x94: {  	_ =	strace s3  }
0x95: {  	s3 =	sld [smem:$0x3FFD];
	_ =	sdelay $0x3  }
0x96: {  	_ =	strace s3  }
0x97: {  	_ =	strace $0x8FFFFFFF  }
0x98: {  	s19 =	sld [smem:$0x3FDB];
	_ =	sdelay $0x1  }
0x99: {  	s4 =	simm.s32 $_scs_section_size  }
0x9a: {  	s5 =	simm.s32 $_size__tile_overlayer_lowered;
	s6 =	simm.s32 $_tile_overlayer_lowered  }
0x9b: {  	s22 =	simm.s32 $0x1BFF;
	s21 =	sshll.u32 s6, $0x1;
	s3 =	sadd.s32 s4, s19  }
0x9c: {  	s7 =	simm.s32 $0x0;
	s20 =	sshll.u32 s5, $0x1;
	s5 =	sadd.s32 s21, s3  }
0x9d: {  	[timem:s7], [sflag:s22] =	dma.local [hbm:s5], s20  }
0x9e: {  	_ =	swait.ge [sflag:s22], s20  }
0x9f: {  	s4 =	ssub.s32 $0x0, s20;
	[sflag:s22] =	ssyncset.done $0x0  }
0xa0: {  	[sflag:s22] =	ssyncadd.s32 s4;
	_ =	sdelay $0x1  }
0xa1: {  	s23 =	simm.s32 $0x1B8B  }
0xa2: {  	_ =	swait.ge [sflag:s23], $0x1  }
0xa3: {  	[sflag:s23] =	ssyncset.done $0x0  }
0xa4: {  	s25 =	simm.s32 $0x1B8E;
	s24 =	sld [smem:$0x3FFE];
	[sflag:s23] =	ssyncadd.s32 $0xFFFFFFFF  }
0xa5: {  	s26 =	simm.s32 $execute0_lowered;
	[smem:$0x3FD2] =	sst s25  }
0xa6: {  	s5 =	sshll.u32 s26, $0x1;
	_ =	strace $0x8000004C;
	[dreg:$0x1] =	wrdreg $0xFFFFFFFF  }
0xa7: {  	s28 =	simm.s32 $_size_execute0_lowered;
	s3 =	sadd.s32 s3, s5;
	[dreg:$0x0] =	wrdreg $0x0  }
0xa8: {  	s5 =	sshll.u32 s28, $0x1;
	[dreg:$0x2] =	wrdreg s3  }
0xa9: {  	[dreg:$0x3] =	wrdreg s5  }
0xaa: {  	[dreg:$0x4] =	wrdreg $0xC0  }
0xab: {  	_ =	task [dreg:s7], $0x5FFFF  }
0xac: {  	[dreg:$0x1] =	wrdreg $0xFFFFFFFF  }
0xad: {  	[dreg:$0x0] =	wrdreg $0x60  }
0xae: {  	[dreg:$0x2] =	wrdreg s2  }
0xaf: {  	[dreg:$0x3] =	wrdreg s24  }
0xb0: {  	[dreg:$0x4] =	wrdreg $0xA6000  }
0xb1: {  	[dreg:$0x5] =	wrdreg $0x9  }
0xb2: {  	_ =	task.clear_ibuf [dreg:s7], $0x6FFFF;
	_ =	strace $0x9000004C  }
0xb3: {  	s29 =	simm.s32 $0x9;
	_ =	strace $0x8000004E  }
0xb4: {  	_ =	swait.ge [sflag:s29], $0x1  }
0xb5: {  	[sflag:s29] =	ssyncadd.s32 $0xFFFFFFFF  }
0xb6: {  	_ =	strace $0x9000004E  }
0xb7: {  	_ =	sfence  }
0xb8: {  	s30 =	sld [smem:$0x0];
	_ =	sdelay $0x2  }
0xb9: {  	s31 =	sshll.u32 s1, $0xD;
	s1 =	sshrl.u32 s1, $0x2  }
0xba: {  	s3 =	sand.u32 $0x4000, s31;
	s1 =	sadd.s32 s1, s30  }
0xbb: {  	s0 =	sor.u32 s3, s0;
	s1 =	sshll.u32 s1, $0x11  }
0xbc: {  	s0 =	sor.u32 s1, s0  }
0xbd: {  	s0 =	sadd.s32 $0x8F2B, s0  }
0xbe: {  	[sflag:s0] =	ssyncadd.remote.s32 $0x1  }
0xbf: {  	_ =	sfence.sel $0xFFFF  }
0xc0: {  	[dreg:$0x0] =	wrdreg $0xFFFFFFFF;
	(pc) =	sbr.abs _section_cstart, $3  }
0xc1: {  	[dreg:$0x1] =	wrdreg $0xFFFFFFFF  }
0xc2: {  	_ =	task.clear_ibuf [dreg:s7], $0x2FFFF;
	_ =	strace $0x9FFFFFFF  }
0xc3: {  	(tm) =	ssettm $0x7FFFFFFF  }
tec
execute0_lowered:
.L_overlay_start_1:
0x0: {  	(tag) =	ssettag $0x1  }
0x1: {  	s1 =	rddreg [dreg:$0x0]  }
0x2: {  	s6 =	rddreg [dreg:$0x1]  }
0x3: {  	s3 =	rddreg [dreg:$0x2];
	s4 =	simm.s32 $0x0  }
0x4: {  	s2 =	stileid.u32;
	s5 =	srdreg.scid;
	s18 =	simm.s32 $0x200  }
0x5: {  	s19 =	simm.s32 $0x300;
	s20 =	simm.s32 $0x3;
	s21 =	simm.s32 $0x50  }
0x6: {  	s22 =	simm.s32 $0x600;
	s23 =	simm.s32 $0x2E00;
	s7 =	smul.u32 $0x2800, s2  }
0x7: {  	s24 =	simm.s32 $0x4;
	s25 =	simm.s32 $0x0;
	s10 =	smul.u32 $0x50000, s2  }
0x8: {  	[smem:$0x7FF] =	sst s4;
	s12 =	sand.u32 $0x1, s5;
	s11 =	smul.u32 $0x7D00, s2  }
0x9: {  	s5 =	sadd.s32 $0x7FC00, s6;
	s14 =	sadd.s32 $0xCFA00, s6;
	s17 =	smul.u32 $0xFA0, s2  }
0xa: {  	s31 =	sshll.u32 s2, $0x6;
	_ =	strace $0x8000004D;
	s8 =	smul.u32 $0x28000, s12  }
0xb: {  	s26 =	ssub.s32 $0x2, s12;
	p0 =	seq.s32 s12, $0x1;
	s9 =	sadd.s32 s7, s6  }
0xc: {  	s28 =	sshrl.u32 s26, $0x1;
	s29 =	sshrl.u32 s10, $0x2;
	s30 =	sshrl.u32 s11, $0x3  }
0xd: {  	s7 =	sadd.s32 s7, s8;
	s15 =	ssub.s32 s26, s28;
	s16 =	sadd.s32 s29, s3  }
.Ltmp0:
0xe: {  	s8 =	sor.u32 $0x1C05, s31;
	s13 =	sadd.s32 s7, s6;
	(pc) =	sbr.rel .LBB2_1-.Ltmp0, $4  }
0xf: {  	s6 =	sadd.s32 $0x9800, s9;
	s7 =	sadd.s32 s14, s30;
	s14 =	sadd.s32 s17, s14  }
0x10: {  	s17 =	simm.s32 $0x100;
	s9 =	sadd.s32 $0x20, s7;
	s10 =	sadd.s32 $0x40, s7  }
0x11: {  	s11 =	sadd.s32 $0x60, s7;
	s12 =	sadd.s32 $0x12D600, s13;
	s13 =	smax.u32 s15, $0x1  }
0x12: {  	s14 =	sadd.s32 $0x80, s14;
	s15 =	sshrl.u32 s16, $0x3;
	s16 =	simm.s32 $0x5  }
.LBB2_14:
0x13: {  	_ =	swait.ge [sflag:s24], $0x2800  }
0x14: {  	[sflag:s24] =	ssyncset.done $0x0  }
0x15: {  	[sflag:s24] =	ssyncadd.s32 $0xFFFFD800  }
0x16: {  	_ =	swait.ge [sflag:s24], $0x2800  }
0x17: {  	s25 =	sadd.s32 $0x1, s25;
	[sflag:s24] =	ssyncset.done $0x0  }
0x18: {  	p1 =	sne.s32 s25, s13;
	[sflag:s24] =	ssyncadd.s32 $0xFFFFD800  }
.Ltmp1:
0x19: {  	[bflag:$0x0] =	sbarrier.arrive $0xFFFF;
	(pc) =	sbr.rel @!p1 .LBB2_15-.Ltmp1, $4  }
0x1a: {  	[hbm:s12], [sflag:s8] =	dma.local [spmem:s15], $0x2800  }
0x1b: {  	_ =	swait.ge [sflag:s16], $0x2800  }
0x1c: {  	[sflag:s16] =	ssyncset.done $0x0  }
0x1d: {  	[sflag:s16] =	ssyncadd.s32 $0xFFFFD800  }
.LBB2_1:
0x1e: {  	[spmem:s15], [sflag:s8] =	dma.local [hbm:s6], $0x2800  }
0x1f: {  	_ =	swait.ge [sflag:s16], $0x2800  }
0x20: {  	[sflag:s16] =	ssyncset.done $0x0  }
0x21: {  	[sflag:s16] =	ssyncadd.s32 $0xFFFFD800  }
0x22: {  	[tilespmem:s4], [sflag:$0x3] =	stream.linear.gather [hbm4b:s7+s4], $0x100, $0x38;
	[tilespmem:$0x1E600] =	vst v63  }
0x23: {  	_ = 	snop  }
0x24: {  	[tilespmem:s17], [sflag:$0x3] =	stream.linear.gather [hbm4b:s9+s4], $0x100, $0x38;
	[tilespmem:$0x1E600] =	vst v63  }
0x25: {  	_ = 	snop  }
0x26: {  	[tilespmem:s18], [sflag:$0x3] =	stream.linear.gather [hbm4b:s10+s4], $0x100, $0x38;
	[tilespmem:$0x1E600] =	vst v63  }
0x27: {  	_ = 	snop  }
0x28: {  	[tilespmem:s19], [sflag:$0x3] =	stream.linear.gather [hbm4b:s11+s4], $0x100, $0x38;
	[tilespmem:$0x1E600] =	vst v63  }
.Ltmp2:
0x29: {  	_ = 	snop;
	(pc) =	sbr.rel @!p0 .LBB2_2-.Ltmp2, $4  }
0x2a: {  	[bflag:$0x0] =	sbarrier.arrive $0xFFFF  }
0x2b: {  	_ =	swait.ge [sflag:s20], $0x100  }
0x2c: {  	[sflag:s20] =	ssyncset.done $0x0  }
0x2d: {  	s26 =	simm.s32 $0x0;
	[sflag:s20] =	ssyncadd.s32 $0xFFFFFF00  }
0x2e: {  	[tilespmem:s22], [sflag:$0x1] =	stream.indirect.gather [hbm4b:s5+s21], $0x80, s26, s21, $0xb8;
	[tilespmem:$0x1E600] =	vst v63  }
.Ltmp3:
0x2f: {  	_ = 	snop;
	(pc) =	sbr.rel .LBB2_9-.Ltmp3, $4  }
0x30: {  	_ =	swait.ge [sflag:s20], $0x100  }
0x31: {  	[sflag:s20] =	ssyncset.done $0x0  }
0x32: {  	s28 =	smov.u32 s14;
	[sflag:s20] =	ssyncadd.s32 $0xFFFFFF00  }
0x33: {  	[tilespmem:s23], [sflag:$0x2] =	stream.indirect.gather [hbm4b:s5+s21], $0x80, s17, s21, $0xb8;
	[tilespmem:$0x1E600] =	vst v63  }
.LBB2_10:
0x34: {  	s0 =	sadd.s32 $0x4, s26  }
0x35: {  	s30 =	smul.u32 $0xAB, s0;
	_ =	sdelay $0x1  }
0x36: {  	s30 =	sshrl.u32 s30, $0xA  }
0x37: {  	s30 =	sand.u32 $0x3F, s30  }
0x38: {  	s30 =	smul.u32 $0x6, s30;
	_ =	sdelay $0x1  }
0x39: {  	s0 =	ssub.s32 s0, s30  }
0x3a: {  	s0 =	sand.u32 $0xFF, s0  }
0x3b: {  	s0 =	sshll.u32 s0, $0x8  }
0x3c: {  	[tilespmem:s0], [sflag:$0x3] =	stream.linear.gather [hbm4b:s28+s4], $0x100, $0x38;
	[tilespmem:$0x1E600] =	vst v63  }
.LBB2_12:
0x3d: {  	s0 =	sadd.s32 $0x2, s26  }
0x3e: {  	s30 =	smul.u32 $0xAB, s0;
	_ =	sdelay $0x1  }
0x3f: {  	s30 =	sshrl.u32 s30, $0xA  }
0x40: {  	s30 =	sand.u32 $0x3F, s30  }
0x41: {  	s31 =	sand.u32 $0x3, s0;
	s30 =	smul.u32 $0x6, s30  }
0x42: {  	s31 =	smul.u32 $0xA000, s31  }
0x43: {  	_ =	swait.ge [sflag:s20], $0x100;
	s0 =	ssub.s32 s0, s30  }
0x44: {  	[sflag:s20] =	ssyncset.done $0x0;
	s31 =	sshrl.u32 s31, $0x2;
	s0 =	sand.u32 $0xFF, s0  }
0x45: {  	[sflag:s20] =	ssyncadd.s32 $0xFFFFFF00;
	s30 =	sor.u32 $0x600, s31;
	s0 =	sshll.u32 s0, $0x8  }
0x46: {  	[tilespmem:s30], [sflag:s29] =	stream.indirect.gather [hbm4b:s5+s21], $0x80, s0, s21, $0xb8;
	[tilespmem:$0x1E600] =	vst v63  }
.LBB2_13:
0x47: {  	s0 =	smul.u32 $0xAB, s26;
	_ =	sdelay $0x1  }
0x48: {  	s0 =	sshrl.u32 s0, $0xA  }
0x49: {  	s0 =	sand.u32 $0x3F, s0  }
0x4a: {  	s0 =	smul.u32 $0x6, s0;
	_ =	sdelay $0x1  }
0x4b: {  	s29 =	sand.u32 $0x3, s26;
	s0 =	ssub.s32 s26, s0;
	s26 =	sadd.s32 $0x1, s26  }
0x4c: {  	s29 =	smul.u32 $0xA000, s29;
	p1 =	sne.s32 s26, $0x7D  }
.Ltmp4:
0x4d: {  	_ = 	snop;
	(pc) =	sbr.rel @!p1 .LBB2_14-.Ltmp4, $4  }
0x4e: {  	s0 =	sand.u32 $0xFF, s0  }
0x4f: {  	s29 =	sshrl.u32 s29, $0x2;
	s0 =	sshll.u32 s0, $0x8  }
0x50: {  	s28 =	sadd.s32 $0x20, s28;
	s29 =	sor.u32 $0x600, s29;
	s0 =	sor.u32 $0x80, s0  }
0x51: {  	[spmem:s3] =	stream.indirect.scatter.add.f32 [tilespmem:s29], [sflag:$0x4], $0x80, s0, s21, $0xb8;
	[tilespmem:$0x1E600] =	vst v63  }
.LBB2_9:
0x52: {  	s0 =	sand.u32 $0x1, s26;
	p1 =	slt.u32 s26, $0x2  }
0x53: {  	s29 =	sadd.s32 $0x1, s0;
	p2 =	sgt.u32 @!p1 s26, $0x78  }
0x54: {  	_ =	swait.ge [sflag:s29], $0x2800;
	p2 =	por p1, !p2  }
.Ltmp5:
0x55: {  	[sflag:s29] =	ssyncset.done $0x0;
	(pc) =	sbr.rel @p2 .LBB2_10-.Ltmp5, $4  }
0x56: {  	s0 =	simm.s32 @!p1 $0x4;
	[sflag:s29] =	ssyncadd.s32 $0xFFFFD800  }
0x57: {  	_ =	swait.ge @!p1 [sflag:s0], $0x2800  }
0x58: {  	[sflag:s0] =	ssyncset.done @!p1 $0x0  }
0x59: {  	[sflag:s0] =	ssyncadd.s32 @!p1 $0xFFFFD800  }
0x5a: {  	p1 =	sgt.u32 s26, $0x7A  }
.Ltmp6:
0x5b: {  	_ = 	snop;
	(pc) =	sbr.rel @p1 .LBB2_13-.Ltmp6, $4  }
.Ltmp7:
0x5c: {  	_ = 	snop;
	(pc) =	sbr.rel @!p1 .LBB2_12-.Ltmp7, $4  }
0x5d: {  	_ = 	snop  }
0x5e: {  	_ = 	snop  }
0x5f: {  	_ = 	snop  }
0x60: {  	_ = 	snop  }
.LBB2_2:
0x61: {  	[tilespmem:s22], [sflag:$0x1] =	stream.indirect.gather [hbm4b:s1+s21], $0x80, s26, s21, $0xb8;
	[tilespmem:$0x1E600] =	vst v63  }
.Ltmp8:
0x62: {  	_ = 	snop;
	(pc) =	sbr.rel .LBB2_3-.Ltmp8, $4  }
0x63: {  	_ =	swait.ge [sflag:s20], $0x100  }
0x64: {  	[sflag:s20] =	ssyncset.done $0x0  }
0x65: {  	s28 =	smov.u32 s14;
	[sflag:s20] =	ssyncadd.s32 $0xFFFFFF00  }
0x66: {  	[tilespmem:s23], [sflag:$0x2] =	stream.indirect.gather [hbm4b:s1+s21], $0x80, s17, s21, $0xb8;
	[tilespmem:$0x1E600] =	vst v63  }
.LBB2_4:
0x67: {  	s30 =	sadd.s32 $0x4, s26  }
0x68: {  	s31 =	smul.u32 $0xAB, s30;
	_ =	sdelay $0x1  }
0x69: {  	s31 =	sshrl.u32 s31, $0xA  }
0x6a: {  	s31 =	sand.u32 $0x3F, s31  }
0x6b: {  	s31 =	smul.u32 $0x6, s31;
	_ =	sdelay $0x1  }
0x6c: {  	s30 =	ssub.s32 s30, s31  }
0x6d: {  	s30 =	sand.u32 $0xFF, s30  }
0x6e: {  	s30 =	sshll.u32 s30, $0x8  }
0x6f: {  	[tilespmem:s30], [sflag:$0x3] =	stream.linear.gather [hbm4b:s28+s4], $0x100, $0x38;
	[tilespmem:$0x1E600] =	vst v63  }
.LBB2_6:
0x70: {  	s30 =	sadd.s32 $0x2, s26  }
0x71: {  	s31 =	smul.u32 $0xAB, s30;
	_ =	sdelay $0x1  }
0x72: {  	s31 =	sshrl.u32 s31, $0xA  }
0x73: {  	s31 =	sand.u32 $0x3F, s31  }
0x74: {  	s0 =	sand.u32 $0x3, s30;
	s31 =	smul.u32 $0x6, s31  }
0x75: {  	s0 =	smul.u32 $0xA000, s0  }
0x76: {  	_ =	swait.ge [sflag:s20], $0x100;
	s30 =	ssub.s32 s30, s31  }
0x77: {  	[sflag:s20] =	ssyncset.done $0x0;
	s0 =	sshrl.u32 s0, $0x2;
	s30 =	sand.u32 $0xFF, s30  }
0x78: {  	[sflag:s20] =	ssyncadd.s32 $0xFFFFFF00;
	s0 =	sor.u32 $0x600, s0;
	s30 =	sshll.u32 s30, $0x8  }
0x79: {  	[tilespmem:s0], [sflag:s29] =	stream.indirect.gather [hbm4b:s1+s21], $0x80, s30, s21, $0xb8;
	[tilespmem:$0x1E600] =	vst v63  }
.LBB2_7:
0x7a: {  	s0 =	smul.u32 $0xAB, s26;
	_ =	sdelay $0x1  }
0x7b: {  	s0 =	sshrl.u32 s0, $0xA  }
0x7c: {  	s0 =	sand.u32 $0x3F, s0  }
0x7d: {  	s0 =	smul.u32 $0x6, s0;
	_ =	sdelay $0x1  }
0x7e: {  	s29 =	sand.u32 $0x3, s26;
	s0 =	ssub.s32 s26, s0;
	s26 =	sadd.s32 $0x1, s26  }
0x7f: {  	s29 =	smul.u32 $0xA000, s29;
	p1 =	seq.s32 s26, $0x7D  }
.Ltmp9:
0x80: {  	_ = 	snop;
	(pc) =	sbr.rel @p1 .LBB2_14-.Ltmp9, $4  }
0x81: {  	s0 =	sand.u32 $0xFF, s0  }
0x82: {  	s29 =	sshrl.u32 s29, $0x2;
	s0 =	sshll.u32 s0, $0x8  }
0x83: {  	s28 =	sadd.s32 $0x20, s28;
	s29 =	sor.u32 $0x600, s29;
	s0 =	sor.u32 $0x80, s0  }
0x84: {  	[spmem:s3] =	stream.indirect.scatter.add.f32 [tilespmem:s29], [sflag:$0x4], $0x80, s0, s21, $0xb8;
	[tilespmem:$0x1E600] =	vst v63  }
.LBB2_3:
0x85: {  	s29 =	sand.u32 $0x1, s26;
	p1 =	slt.u32 s26, $0x2  }
0x86: {  	s29 =	sadd.s32 $0x1, s29;
	p2 =	sgt.u32 @!p1 s26, $0x78  }
0x87: {  	_ =	swait.ge [sflag:s29], $0x2800;
	p2 =	por p1, !p2  }
.Ltmp10:
0x88: {  	[sflag:s29] =	ssyncset.done $0x0;
	(pc) =	sbr.rel @p2 .LBB2_4-.Ltmp10, $4  }
0x89: {  	s30 =	simm.s32 @!p1 $0x4;
	[sflag:s29] =	ssyncadd.s32 $0xFFFFD800  }
0x8a: {  	_ =	swait.ge @!p1 [sflag:s30], $0x2800  }
0x8b: {  	[sflag:s30] =	ssyncset.done @!p1 $0x0  }
0x8c: {  	[sflag:s30] =	ssyncadd.s32 @!p1 $0xFFFFD800  }
0x8d: {  	p1 =	sgt.u32 s26, $0x7A  }
.Ltmp11:
0x8e: {  	_ = 	snop;
	(pc) =	sbr.rel @p1 .LBB2_7-.Ltmp11, $4  }
.Ltmp12:
0x8f: {  	_ = 	snop;
	(pc) =	sbr.rel @!p1 .LBB2_6-.Ltmp12, $4  }
0x90: {  	_ = 	snop  }
0x91: {  	_ = 	snop  }
0x92: {  	_ = 	snop  }
0x93: {  	_ = 	snop  }
.LBB2_15:
0x94: {  	_ =	sfence.sel $0x180000  }
0x95: {  	[bflag:$0x0] =	sbarrier.arrive $0xFFFF  }
0x96: {  	_ =	strace $0x9000004D  }
0x97: {  	[bflag:$0x2] =	sbarrier.arrive $0xFFFF  }
0x98: {  	p0 =	sne.s32 s2, $0x0;
	s0 =	rddreg [dreg:$0x3]  }
0x99: {  	s0 =	sadd.s32 @!p0 $0x100000, s0  }
0x9a: {  	[sflag:s0] =	ssyncadd.tile.s32 @!p0 $0x1;
	_ =	shalt  }
.Lfunc_end2:
_tile_overlayer_lowered:
.L_overlay_start_2:
0x9b: {  	(tag) =	ssettag $0x2  }
0x9c: {  	s0 =	rddreg [dreg:$0x0];
	s2 =	stileid.u32  }
0x9d: {  	s1 =	rddreg [dreg:$0x1];
	p0 =	sne.s32 s2, $0x0  }
0x9e: {  	s3 =	rddreg [dreg:$0x2];
	[bflag:$0x3] =	sbarrier.arrive $0xFFFF;
	s2 =	simm.s32 @!p0 $0x1C05  }
0x9f: {  	[timem:s3], [sflag:s2] =	dma.local @!p0 [hbm:s0], s1  }
0xa0: {  	s0 =	simm.s32 @!p0 $0x5  }
0xa1: {  	_ =	swait.ge @!p0 [sflag:s0], s1  }
0xa2: {  	s1 =	ssub.s32 @!p0 $0x0, s1;
	[sflag:s0] =	ssyncset.done @!p0 $0x0  }
0xa3: {  	[sflag:s0] =	ssyncadd.s32 @!p0 s1  }
0xa4: {  	[bflag:$0x3] =	sbarrier.arrive $0xFFFF  }
0xa5: {  	_ =	shalt  }

// kernel: kernel.9.cloned.1.call-start
scs
__scs_entry_jumppad:
0x0: {  	(pc) =	sbr.rel $0x88, $3  }
0x1: {  	(tag) =	ssettag $0x0;
	lr =	simm.s32 $0x1  }
0x2: {  	[smem:$0x3F98] =	sst lr;
	_ =	strace $0xD0000000  }
0x3: {  	_ = 	snop  }
0x4: {  	_ = 	snop  }
0x5: {  	_ = 	snop  }
0x6: {  	_ = 	snop  }
0x7: {  	_ = 	snop  }
__scs_overlays_trampoline_lowered:
0x8: {  	[smem:$0x3FA7] =	sst s0  }
0x9: {  	[smem:$0x3FA8] =	sst s1  }
0xa: {  	[smem:$0x3FA9] =	sst s2  }
0xb: {  	[smem:$0x3FAA] =	sst s3  }
0xc: {  	[smem:$0x3FAB] =	sst s4  }
0xd: {  	[smem:$0x3FAC] =	sst s5  }
0xe: {  	[smem:$0x3FAD] =	sst s6  }
0xf: {  	[smem:$0x3FAE] =	sst s7  }
0x10: {  	[smem:$0x3FAF] =	sst s8  }
0x11: {  	[smem:$0x3FB0] =	sst s9;
	s0 =	simm.s32 @!p0 $0x0  }
0x12: {  	s1 =	sld [smem:$0x3F96];
	s0 =	simm.s32 @p0 $0x1  }
0x13: {  	[smem:$0x3FB1] =	sst s0;
	s0 =	simm.s32 @!p1 $0x0  }
0x14: {  	s2 =	sld [smem:$0x3F95];
	s0 =	simm.s32 @p1 $0x1  }
0x15: {  	[smem:$0x3FB2] =	sst s0;
	s0 =	simm.s32 @!p2 $0x0  }
0x16: {  	s3 =	sld [smem:$0x3FDB];
	s0 =	simm.s32 @p2 $0x1  }
0x17: {  	s4 =	simm.s32 $0x1BF5;
	[smem:$0x3FB4] =	sst s0  }
0x18: {  	s0 =	sld [smem:$0x3F97];
	_ =	swait.ge [sflag:s4], $0x0  }
0x19: {  	s7 =	sld [smem:$0x3F98]  }
0x1a: {  	s8 =	sadd.s32 $0xFFFFE003, lr  }
0x1b: {  	s9 =	sadd.s32 $0xFFFFFEF7, lr;
	s5 =	simm.s32 $0xFFFFFFFF;
	p2 =	slt.u32 s8, $0xFFFFF086  }
0x1c: {  	p1 =	slt.u32 s9, $0xF7A;
	s5 =	simm.s32 @!p2 $0x0  }
0x1d: {  	s5 =	simm.s32 @p1 $0x1;
	p0 =	seq.s32 s7, s2  }
0x1e: {  	s7 =	smul.u32 @!p0 $0xF7A, s2;
	p2 =	seq.s32 @!p0 s5, $0x0  }
0x1f: {  	s9 =	smul.u32 $0xF7A, s1;
	s8 =	simm.s32 @!p0 $0x1BF5;
	p2 =	por !p2, p0  }
0x20: {  	[sflag:s8] =	ssyncset.s32 @!p0 $0xFFFFF086;
	s6 =	sadd.s32 @!p0 s3, s7;
	s7 =	simm.s32 @!p0 $0x108  }
0x21: {  	s3 =	sadd.s32 s3, s9;
	s6 =	sadd.s32 @!p0 $0x88, s6;
	s7 =	simm.s32 @p2 $0x1082  }
0x22: {  	[simem:s7], [sflag:s8] =	dma.local @!p0 [hbm:s6], $0xF7A  }
0x23: {  	s9 =	sor.u32 $0xD0000000, s2;
	s6 =	simm.s32 $0x108;
	_ =	swait.ge @!p0 [sflag:s8], $0x0  }
0x24: {  	s3 =	sadd.s32 $0x88, s3;
	s6 =	simm.s32 @!p1 $0x1082;
	[sflag:s4] =	ssyncset.s32 $0xFFFFF086  }
0x25: {  	[simem:s6], [sflag:s4] =	dma.local [hbm:s3], $0xF7A  }
0x26: {  	[smem:$0x3F98] =	sst s1;
	(tag) =	ssettag s2;
	_ =	strace s9  }
0x27: {  	s1 =	sld [smem:$0x3FA8]  }
0x28: {  	s2 =	sld [smem:$0x3FA9]  }
0x29: {  	s4 =	sld [smem:$0x3FAB]  }
0x2a: {  	p0 =	seq.s32 s5, $0x0;
	s5 =	sld [smem:$0x3FAC]  }
0x2b: {  	s6 =	sld [smem:$0x3FAD]  }
0x2c: {  	s7 =	sld [smem:$0x3FAE]  }
0x2d: {  	s3 =	simm.s32 $0x108;
	s8 =	sld [smem:$0x3FAF]  }
0x2e: {  	s3 =	simm.s32 @!p0 $0x1082;
	s9 =	sld [smem:$0x3FB0]  }
0x2f: {  	lr =	sadd.s32 s0, s3;
	s0 =	sld [smem:$0x3FA7]  }
0x30: {  	s3 =	sld [smem:$0x3FAA]  }
0x31: {  	[smem:$0x3FB3] =	sst s10  }
0x32: {  	s10 =	sld [smem:$0x3FB1];
	_ =	sdelay $0x3  }
0x33: {  	p0 =	seq.s32 s10, $0x1;
	s10 =	sld [smem:$0x3FB3];
	_ =	sdelay $0x3  }
0x34: {  	[smem:$0x3FB3] =	sst s10  }
0x35: {  	s10 =	sld [smem:$0x3FB2];
	_ =	sdelay $0x3  }
0x36: {  	p1 =	seq.s32 s10, $0x1;
	s10 =	sld [smem:$0x3FB3];
	_ =	sdelay $0x3  }
0x37: {  	[smem:$0x3FB3] =	sst s10  }
0x38: {  	s10 =	sld [smem:$0x3FB4]  }
0x39: {  	_ = 	snop;
	(pc) =	sbr.ind lr, $3  }
0x3a: {  	_ = 	snop  }
0x3b: {  	_ = 	snop  }
0x3c: {  	p2 =	seq.s32 s10, $0x1;
	s10 =	sld [smem:$0x3FB3]  }
0x3d: {  	_ =	shalt  }
0x3e: {  	_ =	shalt  }
0x3f: {  	_ =	shalt  }
0x40: {  	_ =	shalt  }
0x41: {  	_ =	shalt  }
0x42: {  	_ =	shalt  }
0x43: {  	_ =	shalt  }
0x44: {  	_ =	shalt  }
0x45: {  	_ =	shalt  }
0x46: {  	_ =	shalt  }
0x47: {  	_ =	shalt  }
0x48: {  	_ =	shalt  }
0x49: {  	_ =	shalt  }
0x4a: {  	_ =	shalt  }
0x4b: {  	_ =	shalt  }
0x4c: {  	_ =	shalt  }
0x4d: {  	_ =	shalt  }
0x4e: {  	_ =	shalt  }
0x4f: {  	_ =	shalt  }
0x50: {  	_ =	shalt  }
0x51: {  	_ =	shalt  }
0x52: {  	_ =	shalt  }
0x53: {  	_ =	shalt  }
0x54: {  	_ =	shalt  }
0x55: {  	_ =	shalt  }
0x56: {  	_ =	shalt  }
0x57: {  	_ =	shalt  }
0x58: {  	_ =	shalt  }
0x59: {  	_ =	shalt  }
0x5a: {  	_ =	shalt  }
0x5b: {  	_ =	shalt  }
0x5c: {  	_ =	shalt  }
0x5d: {  	_ =	shalt  }
0x5e: {  	_ =	shalt  }
0x5f: {  	_ =	shalt  }
0x60: {  	_ =	shalt  }
0x61: {  	_ =	shalt  }
0x62: {  	_ =	shalt  }
0x63: {  	_ =	shalt  }
0x64: {  	_ =	shalt  }
0x65: {  	_ =	shalt  }
0x66: {  	_ =	shalt  }
0x67: {  	_ =	shalt  }
0x68: {  	_ =	shalt  }
0x69: {  	_ =	shalt  }
0x6a: {  	_ =	shalt  }
0x6b: {  	_ =	shalt  }
0x6c: {  	_ =	shalt  }
0x6d: {  	_ =	shalt  }
0x6e: {  	_ =	shalt  }
0x6f: {  	_ =	shalt  }
0x70: {  	_ =	shalt  }
0x71: {  	_ =	shalt  }
0x72: {  	_ =	shalt  }
0x73: {  	_ =	shalt  }
0x74: {  	_ =	shalt  }
0x75: {  	_ =	shalt  }
0x76: {  	_ =	shalt  }
0x77: {  	_ =	shalt  }
0x78: {  	_ =	shalt  }
0x79: {  	_ =	shalt  }
0x7a: {  	_ =	shalt  }
0x7b: {  	_ =	shalt  }
0x7c: {  	_ =	shalt  }
0x7d: {  	_ =	shalt  }
0x7e: {  	_ =	shalt  }
0x7f: {  	_ =	shalt  }
0x80: {  	_ =	shalt  }
0x81: {  	_ =	shalt  }
0x82: {  	_ =	shalt  }
0x83: {  	_ =	shalt  }
0x84: {  	_ =	shalt  }
0x85: {  	_ =	shalt  }
0x86: {  	_ =	shalt  }
0x87: {  	_ =	shalt  }
.Lfunc_end0:
.L_simem_size_0:
called_computation_lowered:
.L_overlay_start_0:
0x88: {  	s2 =	sld [smem:$0x3FD9]  }
0x89: {  	s3 =	sld [smem:$0x3FFE];
	_ =	sdelay $0x1  }
0x8a: {  	s1 =	srdreg.scid  }
0x8b: {  	s0 =	sand.u32 $0x1, s1  }
0x8c: {  	s16 =	sshll.u32 s0, $0xA;
	s2 =	sadd.s32 s3, s2  }
0x8d: {  	s2 =	sadd.s32 s2, s16  }
0x8e: {  	[smem:$0x3FBF] =	sst s2  }
0x8f: {  	_ = 	snop  }
0x90: {  	(tm) =	ssettm $0x1  }
0x91: {  	s17 =	sld [smem:$0x3FFB];
	_ =	sdelay $0x3  }
0x92: {  	_ =	strace s17  }
0x93: {  	s2 =	sld [smem:$0x3FFC];
	_ =	sdelay $0x3  }
0x94: {  	_ =	strace s2  }
0x95: {  	s2 =	sld [smem:$0x3FFD];
	_ =	sdelay $0x3  }
0x96: {  	_ =	strace s2  }
0x97: {  	_ =	strace $0x8FFFFFFF  }
0x98: {  	s18 =	sld [smem:$0x3FDB];
	_ =	sdelay $0x1  }
0x99: {  	s19 =	simm.s32 $_scs_section_size  }
0x9a: {  	s4 =	simm.s32 $_size__tile_overlayer_lowered;
	s5 =	simm.s32 $_tile_overlayer_lowered  }
0x9b: {  	s22 =	simm.s32 $0x1BFF;
	s21 =	sshll.u32 s5, $0x1;
	s2 =	sadd.s32 s19, s18  }
0x9c: {  	s6 =	simm.s32 $0x0;
	s20 =	sshll.u32 s4, $0x1;
	s4 =	sadd.s32 s21, s2  }
0x9d: {  	[timem:s6], [sflag:s22] =	dma.local [hbm:s4], s20  }
0x9e: {  	_ =	swait.ge [sflag:s22], s20  }
0x9f: {  	s3 =	ssub.s32 $0x0, s20;
	[sflag:s22] =	ssyncset.done $0x0  }
0xa0: {  	[sflag:s22] =	ssyncadd.s32 s3;
	_ =	sdelay $0x1  }
0xa1: {  	s23 =	simm.s32 $0x1B8B  }
0xa2: {  	_ =	swait.ge [sflag:s23], $0x1  }
0xa3: {  	[sflag:s23] =	ssyncset.done $0x0  }
0xa4: {  	s25 =	simm.s32 $0x1B8E;
	s24 =	sld [smem:$0x3FFE];
	[sflag:s23] =	ssyncadd.s32 $0xFFFFFFFF  }
0xa5: {  	s26 =	simm.s32 $execute0_lowered;
	[smem:$0x3FD2] =	sst s25  }
0xa6: {  	s4 =	sshll.u32 s26, $0x1;
	_ =	strace $0x80000046;
	[dreg:$0x1] =	wrdreg $0xFFFFFFFF  }
0xa7: {  	s28 =	simm.s32 $_size_execute0_lowered;
	s2 =	sadd.s32 s2, s4;
	[dreg:$0x0] =	wrdreg $0x0  }
0xa8: {  	s4 =	sshll.u32 s28, $0x1;
	[dreg:$0x2] =	wrdreg s2  }
0xa9: {  	[dreg:$0x3] =	wrdreg s4  }
0xaa: {  	[dreg:$0x4] =	wrdreg $0xC0  }
0xab: {  	_ =	task [dreg:s6], $0x5FFFF  }
0xac: {  	[dreg:$0x1] =	wrdreg $0xFFFFFFFF  }
0xad: {  	[dreg:$0x0] =	wrdreg $0x60  }
0xae: {  	[dreg:$0x2] =	wrdreg s24  }
0xaf: {  	[dreg:$0x3] =	wrdreg $0x54000  }
0xb0: {  	[dreg:$0x4] =	wrdreg $0x9  }
0xb1: {  	_ =	task.clear_ibuf [dreg:s6], $0x5FFFF;
	_ =	strace $0x90000046  }
0xb2: {  	s29 =	simm.s32 $0x9;
	_ =	strace $0x80000048  }
0xb3: {  	_ =	swait.ge [sflag:s29], $0x1  }
0xb4: {  	[sflag:s29] =	ssyncadd.s32 $0xFFFFFFFF  }
0xb5: {  	_ =	strace $0x90000048  }
0xb6: {  	_ =	sfence  }
0xb7: {  	s30 =	sld [smem:$0x0];
	_ =	sdelay $0x2  }
0xb8: {  	s31 =	sshll.u32 s1, $0xD;
	s1 =	sshrl.u32 s1, $0x2  }
0xb9: {  	s3 =	sand.u32 $0x4000, s31;
	s1 =	sadd.s32 s1, s30  }
0xba: {  	s0 =	sor.u32 s3, s0;
	s1 =	sshll.u32 s1, $0x11  }
0xbb: {  	s0 =	sor.u32 s1, s0  }
0xbc: {  	s0 =	sadd.s32 $0x8F2B, s0  }
0xbd: {  	[sflag:s0] =	ssyncadd.remote.s32 $0x1  }
0xbe: {  	_ =	sfence.sel $0xFFFF  }
0xbf: {  	[dreg:$0x0] =	wrdreg $0xFFFFFFFF;
	(pc) =	sbr.abs _section_cstart, $3  }
0xc0: {  	[dreg:$0x1] =	wrdreg $0xFFFFFFFF  }
0xc1: {  	_ =	task.clear_ibuf [dreg:s6], $0x2FFFF;
	_ =	strace $0x9FFFFFFF  }
0xc2: {  	(tm) =	ssettm $0x7FFFFFFF  }
0xc3: {  	_ =	shalt  }
tec
execute0_lowered:
.L_overlay_start_1:
0x0: {  	(tag) =	ssettag $0x1  }
0x1: {  	s1 =	srdreg.scid  }
0x2: {  	s0 =	stileid.u32;
	s5 =	rddreg [dreg:$0x0]  }
0x3: {  	s2 =	rddreg [dreg:$0x1];
	s3 =	simm.s32 $0x0;
	s13 =	simm.s32 $0x7D  }
0x4: {  	s14 =	simm.s32 $0x0;
	s6 =	sand.u32 $0x1, s1;
	s1 =	rddreg [dreg:$0x2]  }
0x5: {  	s28 =	sshll.u32 s0, $0x1;
	[smem:$0x7FF] =	sst s3;
	s7 =	smul.u32 $0x2800, s0  }
0x6: {  	s10 =	smul.u32 $0x50000, s0;
	s31 =	sshll.u32 s0, $0x6;
	s4 =	sor.u32 s6, s28  }
0x7: {  	_ =	strace $0x80000047;
	s9 =	smul.u32 $0x28000, s6;
	s6 =	ssub.s32 $0x2, s6  }
0x8: {  	s4 =	smul.u32 $0x280, s4;
	s11 =	sadd.s32 s7, s5;
	s29 =	sshrl.u32 s6, $0x1  }
0x9: {  	s30 =	sshrl.u32 s10, $0x2;
	s10 =	simm.s32 $0x1400;
	s7 =	sadd.s32 s7, s9  }
0xa: {  	s9 =	ssub.s32 s6, s29;
	s12 =	sadd.s32 s30, s2;
	s6 =	sadd.s32 $0x9800, s11  }
0xb: {  	s11 =	sor.u32 $0x1C01, s31;
	s8 =	sadd.s32 s4, s5;
	s4 =	sadd.s32 $0x9000, s5  }
0xc: {  	s7 =	sadd.s32 s7, s5;
	s12 =	sshrl.u32 s12, $0x3;
	s5 =	sadd.s32 $0x4000, s8  }
0xd: {  	s7 =	sadd.s32 $0x31800, s7;
	s8 =	smax.u32 s9, $0x1;
	s9 =	simm.s32 $0x1  }
.LBB2_1:
0xe: {  	[tilespmem:s3], [sflag:$0x1] =	stream.linear.gather [hbm4b:s5+s3], $0x1400, $0x38;
	[tilespmem:$0x19400] =	vst v63  }
0xf: {  	_ =	swait.ge [sflag:s9], $0x1400  }
0x10: {  	[sflag:s9] =	ssyncset.done $0x0  }
0x11: {  	[sflag:s9] =	ssyncadd.s32 $0xFFFFEC00  }
0x12: {  	[tilespmem:s10], [sflag:$0x1] =	stream.linear.gather [hbm4b:s4+s3], $0x3E80, $0x38;
	[tilespmem:$0x19400] =	vst v63  }
0x13: {  	_ =	swait.ge [sflag:s9], $0x3E80  }
0x14: {  	[sflag:s9] =	ssyncset.done $0x0  }
0x15: {  	[sflag:s9] =	ssyncadd.s32 $0xFFFFC180  }
0x16: {  	[spmem:s12], [sflag:s11] =	dma.local [hbm:s6], $0x2800  }
0x17: {  	_ =	swait.ge [sflag:s9], $0x2800  }
0x18: {  	[sflag:s9] =	ssyncset.done $0x0  }
0x19: {  	[sflag:s9] =	ssyncadd.s32 $0xFFFFD800  }
0x1a: {  	s15 =	simm.s32 $0x0;
	[bflag:$0x0] =	sbarrier.arrive $0xFFFF  }
0x1b: {  	[spmem:s2] =	stream.indirect.scatter.add.f32 [tilespmem:s10], [sflag:$0x1], $0x80, s15, s13, $0xb8;
	[tilespmem:$0x19400] =	vst v63  }
0x1c: {  	_ =	swait.ge [sflag:s9], $0x3E80  }
0x1d: {  	s15 =	simm.s32 $0x200;
	[sflag:s9] =	ssyncset.done $0x0  }
.LBB2_2:
0x1e: {  	s16 =	sshra.s32 s15, $0x2;
	[sflag:s9] =	ssyncadd.s32 $0xFFFFC180;
	p0 =	sne.s32 s15, $0x4E00  }
0x1f: {  	[spmem:s2] =	stream.indirect.scatter.add.f32 [tilespmem:s10], [sflag:$0x1], $0x80, s16, s13, $0xb8;
	[tilespmem:$0x19400] =	vst v63  }
.Ltmp0:
0x20: {  	_ = 	snop;
	(pc) =	sbr.rel @p0 .LBB2_2-.Ltmp0, $4  }
0x21: {  	_ = 	snop  }
0x22: {  	s15 =	sadd.s32 $0x200, s15  }
0x23: {  	_ =	swait.ge [sflag:s9], $0x3E80  }
0x24: {  	[sflag:s9] =	ssyncset.done $0x0  }
0x25: {  	s14 =	sadd.s32 $0x1, s14  }
0x26: {  	[sflag:s9] =	ssyncadd.s32 $0xFFFFC180;
	p0 =	sne.s32 s14, s8  }
.Ltmp1:
0x27: {  	[bflag:$0x0] =	sbarrier.arrive $0xFFFF;
	(pc) =	sbr.rel @p0 .LBB2_1-.Ltmp1, $4  }
0x28: {  	[hbm:s7], [sflag:s11] =	dma.local [spmem:s12], $0x2800  }
0x29: {  	_ =	swait.ge [sflag:s9], $0x2800  }
0x2a: {  	[sflag:s9] =	ssyncset.done $0x0  }
0x2b: {  	[sflag:s9] =	ssyncadd.s32 $0xFFFFD800  }
0x2c: {  	_ =	sfence.sel $0x180000  }
0x2d: {  	[bflag:$0x0] =	sbarrier.arrive $0xFFFF  }
0x2e: {  	p0 =	sne.s32 s0, $0x0;
	_ =	strace $0x90000047  }
0x2f: {  	s0 =	sadd.s32 @!p0 $0x100000, s1;
	[bflag:$0x2] =	sbarrier.arrive $0xFFFF  }
0x30: {  	[sflag:s0] =	ssyncadd.tile.s32 @!p0 $0x1;
	_ =	shalt  }
.Lfunc_end2:
_tile_overlayer_lowered:
.L_overlay_start_2:
0x31: {  	(tag) =	ssettag $0x2  }
0x32: {  	s0 =	rddreg [dreg:$0x0];
	s2 =	stileid.u32  }
0x33: {  	s1 =	rddreg [dreg:$0x1];
	p0 =	sne.s32 s2, $0x0  }
0x34: {  	s3 =	rddreg [dreg:$0x2];
	[bflag:$0x3] =	sbarrier.arrive $0xFFFF;
	s2 =	simm.s32 @!p0 $0x1C01  }
0x35: {  	[timem:s3], [sflag:s2] =	dma.local @!p0 [hbm:s0], s1  }
0x36: {  	s0 =	simm.s32 @!p0 $0x1  }
0x37: {  	_ =	swait.ge @!p0 [sflag:s0], s1  }
0x38: {  	s1 =	ssub.s32 @!p0 $0x0, s1;
	[sflag:s0] =	ssyncset.done @!p0 $0x0  }
0x39: {  	[sflag:s0] =	ssyncadd.s32 @!p0 s1  }
0x3a: {  	[bflag:$0x3] =	sbarrier.arrive $0xFFFF  }
0x3b: {  	_ =	shalt  }

</sc_bundles>
